<compile_context>
chip_gen: v7x
topology: tpu7x:2x2x1
jax: 0.10.2.dev20260603
libtpu: 0.0.44.dev20260713+nightly
codegen_flags: <defaults>
</compile_context>

<pallas_src>
import functools

import jax
import jax.numpy as jnp
from jax import lax
from jax.experimental import pallas as pl
from jax.experimental.pallas import tpu as pltpu
from jax.experimental.pallas import tpu_sc as plsc

N_NODES = 10000
D = 128
OUTD = 64
E = 320000

NPAD = 10240
CHUNK = 128
NW = 32
CPW = 80
NCHUNKS = NW * CPW
EPAD = NCHUNKS * CHUNK
RPW = NPAD // 16
NBUF = 2
NIDX = 4
CPW0 = 132
CPW1 = NCHUNKS // 16 - CPW0
BLK = 1024


def _sc_compiler_params():
    import dataclasses
    cp = pltpu.CompilerParams()
    if "needs_layout_passes" in pltpu.CompilerParams.__dataclass_fields__:
        cp = dataclasses.replace(cp, needs_layout_passes=False)
    return cp


EPW = EPAD // 32
V = 16


@functools.cache
def _get_deg_kernel():
    mesh = plsc.VectorSubcoreMesh(core_axis_name="c", subcore_axis_name="s")

    @functools.partial(
        pl.kernel,
        out_type=jax.ShapeDtypeStruct((32, NPAD), jnp.float32),
        mesh=mesh,
        scratch_types=[
            pltpu.VMEM((EPW,), jnp.int32),
            pltpu.VMEM((NPAD,), jnp.float32),
        ],
        compiler_params=_sc_compiler_params(),
    )
    def _deg_kernel(dst_hbm, out_hbm, dstb, degrow):
        cid = lax.axis_index("c")
        sid = lax.axis_index("s")
        w = cid * 16 + sid
        pltpu.sync_copy(dst_hbm.at[pl.ds(w * EPW, EPW)], dstb)

        @pl.loop(0, NPAD, step=V)
        def _(i):
            degrow[pl.ds(i, V)] = jnp.zeros((V,), jnp.float32)

        ones = jnp.full((V,), 1.0, jnp.float32)

        @pl.loop(0, EPW, step=V)
        def _(j):
            d16 = dstb[pl.ds(j, V)]
            plsc.addupdate_scatter(degrow, [d16], ones)

        pltpu.sync_copy(degrow, out_hbm.at[w])

    return _deg_kernel


@functools.cache
def _get_scatter_kernel():
    mesh = plsc.VectorSubcoreMesh(core_axis_name="c", subcore_axis_name="s")

    @functools.partial(
        pl.kernel,
        out_type=jax.ShapeDtypeStruct((2, NPAD, D), jnp.float32),
        mesh=mesh,
        scratch_types=(
            [pltpu.VMEM((2, CHUNK), jnp.int32)] * NIDX
            + [pltpu.VMEM((CHUNK, D), jnp.float32)] * NBUF
            + [pltpu.VMEM_SHARED((NPAD, D), jnp.float32)]
            + [pltpu.SemaphoreType.DMA] * (NIDX + NBUF)
        ),
    )
    def _scatter_kernel(g_hbm, eidx_hbm, zeros_hbm, out_hbm, *rest):
        idx = rest[:NIDX]
        rows = rest[NIDX:NIDX + NBUF]
        acc_sh = rest[NIDX + NBUF]
        sem_i = rest[NIDX + NBUF + 1:NIDX + NBUF + 1 + NIDX]
        sem_g = rest[NIDX + NBUF + 1 + NIDX:]
        cid = lax.axis_index("c")
        sid = lax.axis_index("s")
        my_cpw = jnp.where(cid == 0, CPW0, CPW1)
        base = jnp.where(cid == 0, sid * CPW0, 16 * CPW0 + sid * CPW1)

        def idx_start(c, q):
            pltpu.async_copy(eidx_hbm.at[pl.ds(2 * (base + c), 2)], idx[q],
                             sem_i[q])

        def idx_wait(c, q):
            pltpu.make_async_copy(eidx_hbm.at[pl.ds(2 * (base + c), 2)],
                                  idx[q], sem_i[q]).wait()

        def g_start(q, r):
            pltpu.async_copy(g_hbm.at[idx[q].at[0]], rows[r], sem_g[r])

        def g_wait(q, r):
            pltpu.make_async_copy(g_hbm.at[idx[q].at[0]], rows[r],
                                  sem_g[r]).wait()

        pltpu.sync_copy(zeros_hbm, acc_sh.at[pl.ds(sid * RPW, RPW)])
        for q in range(NIDX):
            idx_start(q, q)
        idx_wait(0, 0)
        idx_wait(1, 1)
        g_start(0, 0)
        g_start(1, 1)
        plsc.subcore_barrier()

        @pl.loop(0, my_cpw, step=NIDX)
        def _(i):
            for q in range(NIDX):
                c = i + q
                r = q % NBUF
                g_wait(q, r)
                pltpu.sync_copy(rows[r], acc_sh.at[idx[q].at[1]], add=True)

                @pl.when(c + NBUF < my_cpw)
                def _():
                    idx_wait(c + NBUF, (q + NBUF) % NIDX)
                    g_start((q + NBUF) % NIDX, r)

                @pl.when(c + NIDX < my_cpw)
                def _():
                    idx_start(c + NIDX, q)

        plsc.subcore_barrier()
        pltpu.sync_copy(acc_sh.at[pl.ds(sid * RPW, RPW)],
                        out_hbm.at[cid, pl.ds(sid * RPW, RPW)])

    return _scatter_kernel



def _mm_body(x_ref, w_ref, o_ref):
    o_ref[...] = jnp.dot(x_ref[...], w_ref[...],
                         preferred_element_type=jnp.float32)


def _tc_matmul(x, w):
    n, k = x.shape
    m = w.shape[1]
    return pl.pallas_call(
        _mm_body,
        grid=(n // BLK,),
        in_specs=[pl.BlockSpec((BLK, k), lambda i: (i, 0)),
                  pl.BlockSpec((k, m), lambda i: (0, 0))],
        out_specs=pl.BlockSpec((BLK, m), lambda i: (i, 0)),
        out_shape=jax.ShapeDtypeStruct((n, m), jnp.float32),
    )(x, w)


def _prep_body(degp_ref, h1_ref, dinv_ref, g1_ref):
    ones32 = jnp.ones((32, 1), jnp.float32)
    deg = lax.dot_general(degp_ref[...], ones32,
                          dimension_numbers=(((0,), (0,)), ((), ())),
                          preferred_element_type=jnp.float32)
    dinv = lax.rsqrt(deg + 1.0)
    dinv_ref[...] = dinv
    g1_ref[...] = h1_ref[...] * dinv


def _tc_prep(degp, h1):
    return pl.pallas_call(
        _prep_body,
        grid=(NPAD // BLK,),
        in_specs=[pl.BlockSpec((32, BLK), lambda i: (0, i)),
                  pl.BlockSpec((BLK, D), lambda i: (i, 0))],
        out_specs=[pl.BlockSpec((BLK, 1), lambda i: (i, 0)),
                   pl.BlockSpec((BLK, D), lambda i: (i, 0))],
        out_shape=[jax.ShapeDtypeStruct((NPAD, 1), jnp.float32),
                   jax.ShapeDtypeStruct((NPAD, D), jnp.float32)],
    )(degp, h1)


def _mid_body(s_ref, g1_ref, dinv_ref, b1_ref, wlin_ref, blin_ref, w2_ref,
              g2_ref):
    dinv = dinv_ref[...]
    s = s_ref[0] + s_ref[1] + g1_ref[...]
    a = s * dinv + b1_ref[...]
    t = jnp.tanh(a)
    l = jnp.dot(t, wlin_ref[...], preferred_element_type=jnp.float32)
    l = l + blin_ref[...]
    h2 = jnp.dot(l, w2_ref[...], preferred_element_type=jnp.float32)
    g2_ref[...] = h2 * dinv


def _tc_mid(s1, g1, dinv16, b1r, Wlin, blinr, W2):
    return pl.pallas_call(
        _mid_body,
        grid=(NPAD // BLK,),
        in_specs=[pl.BlockSpec((2, BLK, D), lambda i: (0, i, 0)),
                  pl.BlockSpec((BLK, D), lambda i: (i, 0)),
                  pl.BlockSpec((BLK, 1), lambda i: (i, 0)),
                  pl.BlockSpec((1, D), lambda i: (0, 0)),
                  pl.BlockSpec((D, D), lambda i: (0, 0)),
                  pl.BlockSpec((1, D), lambda i: (0, 0)),
                  pl.BlockSpec((D, D), lambda i: (0, 0))],
        out_specs=pl.BlockSpec((BLK, D), lambda i: (i, 0)),
        out_shape=jax.ShapeDtypeStruct((NPAD, D), jnp.float32),
    )(s1, g1, dinv16, b1r, Wlin, blinr, W2)


def _fin_body(s_ref, g2_ref, dinv_ref, b2_ref, wout_ref, bout_ref, o_ref):
    i = pl.program_id(0)
    dinv = dinv_ref[...]
    a = (s_ref[0] + s_ref[1] + g2_ref[...]) * dinv + b2_ref[...]
    t = jnp.tanh(a)
    o = jnp.dot(t, wout_ref[...], preferred_element_type=jnp.float32)
    o = o + bout_ref[...]
    rows = lax.broadcasted_iota(jnp.int32, (BLK, OUTD), 0) + i * BLK
    o = jnp.where(rows < N_NODES, o, -jnp.inf)
    m = jnp.max(o, axis=0, keepdims=True)

    @pl.when(i == 0)
    def _():
        o_ref[...] = m

    @pl.when(i != 0)
    def _():
        o_ref[...] = jnp.maximum(o_ref[...], m)


def _tc_final(s2, g2, dinv16, b2r, Wout, boutr):
    return pl.pallas_call(
        _fin_body,
        grid=(NPAD // BLK,),
        in_specs=[pl.BlockSpec((2, BLK, D), lambda i: (0, i, 0)),
                  pl.BlockSpec((BLK, D), lambda i: (i, 0)),
                  pl.BlockSpec((BLK, 1), lambda i: (i, 0)),
                  pl.BlockSpec((1, D), lambda i: (0, 0)),
                  pl.BlockSpec((D, OUTD), lambda i: (0, 0)),
                  pl.BlockSpec((1, OUTD), lambda i: (0, 0))],
        out_specs=pl.BlockSpec((1, OUTD), lambda i: (0, 0)),
        out_shape=jax.ShapeDtypeStruct((1, OUTD), jnp.float32),
    )(s2, g2, dinv16, b2r, Wout, boutr)



def kernel(x, edge_index, W1, b1, Wlin, blin, W2, b2, Wout, bout):
    src = edge_index[0].astype(jnp.int32)
    dst = edge_index[1].astype(jnp.int32)
    src_f = jnp.pad(src, (0, EPAD - E))
    dst_f = jnp.pad(dst, (0, EPAD - E), constant_values=N_NODES)
    src_c = src_f.reshape(NCHUNKS, CHUNK)
    dst_c = dst_f.reshape(NCHUNKS, CHUNK)
    eidx = jnp.stack([src_c, dst_c], axis=1).reshape(2 * NCHUNKS, CHUNK)
    x_p = jnp.pad(x, ((0, NPAD - N_NODES), (0, 0)))
    zerosD = jnp.zeros((RPW, D), jnp.float32)
    b1r = b1.reshape(1, D)
    blinr = blin.reshape(1, D)
    b2r = b2.reshape(1, D)
    boutr = bout.reshape(1, OUTD)

    deg_kernel = _get_deg_kernel()
    scatter_kernel = _get_scatter_kernel()
    degp = deg_kernel(dst_f)
    h1 = _tc_matmul(x_p, W1)
    dinv, g1 = _tc_prep(degp, h1)
    s1 = scatter_kernel(g1, eidx, zerosD)
    g2 = _tc_mid(s1, g1, dinv, b1r, Wlin, blinr, W2)
    s2 = scatter_kernel(g2, eidx, zerosD)
    return _tc_final(s2, g2, dinv, b2r, Wout, boutr)

# --- scband reference (transcript-rebuilt; emitter-appended) ---
"""Pipeline reference for scband-graph-model-28965259444614 (READ-ONLY COPY).

The authoritative reference and input builder live on the scoring server;
editing this copy changes nothing except your own understanding.
"""

import jax, jax.numpy as jnp
import numpy as np

N_NODES = 10000
D_FEAT = 128
HIDDEN = 128
OUT = 64
N_EDGES = 320000


def setup_inputs(seed: int = 0) -> dict:
    key = jax.random.key(seed)
    ks = jax.random.split(key, 12)
    x = jax.random.normal(ks[0], (N_NODES, D_FEAT), dtype=jnp.float32)
    edge_index = jax.random.randint(ks[1], (2, N_EDGES), 0, N_NODES, dtype=jnp.int64)
    s = 1.0 / np.sqrt(D_FEAT)
    W1 = jax.random.uniform(ks[2], (D_FEAT, HIDDEN), minval=-s, maxval=s, dtype=jnp.float32)
    b1 = jnp.zeros((HIDDEN,), dtype=jnp.float32)
    sh = 1.0 / np.sqrt(HIDDEN)
    Wlin = jax.random.uniform(ks[3], (HIDDEN, HIDDEN), minval=-sh, maxval=sh, dtype=jnp.float32)
    blin = jax.random.uniform(ks[4], (HIDDEN,), minval=-sh, maxval=sh, dtype=jnp.float32)
    W2 = jax.random.uniform(ks[5], (HIDDEN, HIDDEN), minval=-sh, maxval=sh, dtype=jnp.float32)
    b2 = jnp.zeros((HIDDEN,), dtype=jnp.float32)
    Wout = jax.random.uniform(ks[6], (HIDDEN, OUT), minval=-sh, maxval=sh, dtype=jnp.float32)
    bout = jax.random.uniform(ks[7], (OUT,), minval=-sh, maxval=sh, dtype=jnp.float32)
    return {"x": x, "edge_index": edge_index, "W1": W1, "b1": b1,
            "Wlin": Wlin, "blin": blin, "W2": W2, "b2": b2,
            "Wout": Wout, "bout": bout}


def gcn_conv(x, src, dst, W, b, n_nodes):
    # GCNConv: add self-loops, symmetric normalization, aggregate, then linear
    loop = jnp.arange(n_nodes, dtype=src.dtype)
    src2 = jnp.concatenate([src, loop])
    dst2 = jnp.concatenate([dst, loop])
    h = x @ W  # weight applied before propagation (linear, order-equivalent)
    deg = jnp.zeros((n_nodes,), dtype=h.dtype).at[dst2].add(1.0)
    dinv = jnp.where(deg > 0, jax.lax.rsqrt(deg), 0.0)
    norm = dinv[src2] * dinv[dst2]
    msg = jnp.take(h, src2, axis=0) * norm[:, None]
    agg = jnp.zeros_like(h).at[dst2].add(msg)
    return agg + b


def reference(x, edge_index, W1, b1, Wlin, blin, W2, b2, Wout, bout):
    n_nodes = x.shape[0]
    src = edge_index[0]
    dst = edge_index[1]
    h = gcn_conv(x, src, dst, W1, b1, n_nodes)
    h = jnp.tanh(h)
    h = h @ Wlin + blin
    h = gcn_conv(h, src, dst, W2, b2, n_nodes)
    h = jnp.tanh(h)
    h = h @ Wout + bout  # [N, OUT]
    # adaptive_max_pool1d(out.t().unsqueeze(0), 1).squeeze(0).t() == max over nodes
    out = jnp.max(h, axis=0, keepdims=True)  # [1, OUT]
    return out

if __name__ == "__main__":
    import jax
    _d = setup_inputs()
    print(jax.jit(kernel)(*tuple(_d.values())))

</pallas_src>

<mosaic_0001>
#map = affine_map<(d0, d1) -> (0)>
#map1 = affine_map<(d0, d1) -> (0, 0)>
module attributes {stable_mosaic.version = 14 : i64} {
  func.func @_deg_kernel(%arg0: i32, %arg1: i32, %arg2: memref<327680xi32, #tpu.memory_space<hbm>>, %arg3: memref<32x10240xf32, #tpu.memory_space<hbm>>, %arg4: memref<10240xi32, #tpu.memory_space<vmem>>, %arg5: memref<10240xf32, #tpu.memory_space<vmem>>) attributes {dimension_semantics = [#tpu.dimension_semantics<core_parallel>, #tpu.dimension_semantics<subcore_parallel>], iteration_bounds = array<i64: 2, 16>, scalar_prefetch = 0 : i64, scratch_operands = 2 : i64, tpu.core_type = #tpu.core_type<sc_vector_subcore>, window_params = [{transform_indices = #map}, {transform_indices = #map1}]} {
    %mul3A = arith.constant 16 : i32
    %mul3A_0 = arith.muli %arg0, %mul3A : i32
    %add3A = arith.addi %mul3A_0, %arg1 : i32
    %mul3A_1 = arith.constant 10240 : i32
    %mul3A_2 = arith.muli %add3A, %mul3A_1 : i32
    "tpu.region"() ({
      %run_scoped3A = tpu.sem_alloc : memref<!tpu.dma_semaphore, #tpu.memory_space<semaphore_mem>>
      %dma_start3A = tpu.memref_slice %arg2[%mul3A_2] : memref<327680xi32, #tpu.memory_space<hbm>> -> memref<10240xi32, #tpu.memory_space<hbm>>
      %dma_start3A_13 = tpu.memref_slice %arg2[%mul3A_2] : memref<327680xi32, #tpu.memory_space<hbm>> -> memref<10240xi32, #tpu.memory_space<hbm>>
      tpu.enqueue_dma source(%dma_start3A_13 : memref<10240xi32, #tpu.memory_space<hbm>>) target(%arg4 : memref<10240xi32, #tpu.memory_space<vmem>>) target_semaphore(%run_scoped3A : memref<!tpu.dma_semaphore, #tpu.memory_space<semaphore_mem>>)
      %dma_wait3A = tpu.memref_slice %arg2[%mul3A_2] : memref<327680xi32, #tpu.memory_space<hbm>> -> memref<10240xi32, #tpu.memory_space<hbm>>
      %dma_wait3A_14 = tpu.memref_slice %arg2[%mul3A_2] : memref<327680xi32, #tpu.memory_space<hbm>> -> memref<10240xi32, #tpu.memory_space<hbm>>
      tpu.wait_dma2 semaphore(%run_scoped3A : memref<!tpu.dma_semaphore, #tpu.memory_space<semaphore_mem>>) src(%dma_wait3A_14 : memref<10240xi32, #tpu.memory_space<hbm>>) dst(%arg4 : memref<10240xi32, #tpu.memory_space<vmem>>)
      tpu.yield
    }) : () -> ()
    %scan3A = arith.constant 0 : i32
    %scan3A_3 = arith.constant 640 : i32
    %scan3A_4 = arith.addi %scan3A, %scan3A_3 : i32
    %scan3A_5 = arith.constant 1 : i32
    scf.for %scan3A_13 = %scan3A to %scan3A_4 step %scan3A_5  : i32 {
      %mul3A_14 = arith.constant 16 : i32
      %mul3A_15 = arith.muli %scan3A_13, %mul3A_14 : i32
      %add3A_16 = arith.constant 0 : i32
      %add3A_17 = arith.addi %add3A_16, %mul3A_15 : i32
      %broadcast_in_dim3A_18 = arith.constant 0.000000e+00 : f32
      %broadcast_in_dim3A_19 = vector.broadcast %broadcast_in_dim3A_18 : f32 to vector<16xf32>
      %swap3A = arith.index_cast %add3A_17 : i32 to index
      %swap3A_20 = tpu.vector_load %arg5[%swap3A] {strides = array<i32>} : memref<10240xf32, #tpu.memory_space<vmem>>, vector<16xf32>,
      tpu.vector_store %arg5[%swap3A], %broadcast_in_dim3A_19 {strides = array<i32>} : memref<10240xf32, #tpu.memory_space<vmem>>, vector<16xf32>,
    }
    %scan3A_6 = arith.constant 640 : i32
    %broadcast_in_dim3A = arith.constant 1.000000e+00 : f32
    %broadcast_in_dim3A_7 = vector.broadcast %broadcast_in_dim3A : f32 to vector<16xf32>
    %scan3A_8 = arith.constant 0 : i32
    %scan3A_9 = arith.constant 640 : i32
    %scan3A_10 = arith.addi %scan3A_8, %scan3A_9 : i32
    %scan3A_11 = arith.constant 1 : i32
    scf.for %scan3A_13 = %scan3A_8 to %scan3A_10 step %scan3A_11  : i32 {
      %mul3A_14 = arith.constant 16 : i32
      %mul3A_15 = arith.muli %scan3A_13, %mul3A_14 : i32
      %add3A_16 = arith.constant 0 : i32
      %add3A_17 = arith.addi %add3A_16, %mul3A_15 : i32
      %get3A = arith.index_cast %add3A_17 : i32 to index
      %get3A_18 = tpu.vector_load %arg4[%get3A] {strides = array<i32>} : memref<10240xi32, #tpu.memory_space<vmem>>, vector<16xi32>,
      tpu.vector_store_idx %arg5[%get3A_18], %broadcast_in_dim3A_7 {add = true} : memref<10240xf32, #tpu.memory_space<vmem>>[vector<16xi32>], vector<16xf32>,
    }
    %scan3A_12 = arith.constant 640 : i32
    "tpu.region"() ({
      %run_scoped3A = tpu.sem_alloc : memref<!tpu.dma_semaphore, #tpu.memory_space<semaphore_mem>>
      %dma_start3A = arith.constant 0 : i32
      %dma_start3A_13 = tpu.memref_slice %arg3[%add3A, %dma_start3A] : memref<32x10240xf32, #tpu.memory_space<hbm>> -> memref<1x10240xf32, #tpu.memory_space<hbm>>
      %dma_start3A_14 = tpu.memref_squeeze %dma_start3A_13 : memref<1x10240xf32, #tpu.memory_space<hbm>> -> memref<10240xf32, #tpu.memory_space<hbm>>
      %dma_start3A_15 = arith.constant 0 : i32
      %dma_start3A_16 = tpu.memref_slice %arg3[%add3A, %dma_start3A_15] : memref<32x10240xf32, #tpu.memory_space<hbm>> -> memref<1x10240xf32, #tpu.memory_space<hbm>>
      %dma_start3A_17 = tpu.memref_squeeze %dma_start3A_16 : memref<1x10240xf32, #tpu.memory_space<hbm>> -> memref<10240xf32, #tpu.memory_space<hbm>>
      tpu.enqueue_dma source(%arg5 : memref<10240xf32, #tpu.memory_space<vmem>>) target(%dma_start3A_17 : memref<10240xf32, #tpu.memory_space<hbm>>) target_semaphore(%run_scoped3A : memref<!tpu.dma_semaphore, #tpu.memory_space<semaphore_mem>>)
      %dma_wait3A = arith.constant 0 : i32
      %dma_wait3A_18 = tpu.memref_slice %arg3[%add3A, %dma_wait3A] : memref<32x10240xf32, #tpu.memory_space<hbm>> -> memref<1x10240xf32, #tpu.memory_space<hbm>>
      %dma_wait3A_19 = tpu.memref_squeeze %dma_wait3A_18 : memref<1x10240xf32, #tpu.memory_space<hbm>> -> memref<10240xf32, #tpu.memory_space<hbm>>
      %dma_wait3A_20 = arith.constant 0 : i32
      %dma_wait3A_21 = tpu.memref_slice %arg3[%add3A, %dma_wait3A_20] : memref<32x10240xf32, #tpu.memory_space<hbm>> -> memref<1x10240xf32, #tpu.memory_space<hbm>>
      %dma_wait3A_22 = tpu.memref_squeeze %dma_wait3A_21 : memref<1x10240xf32, #tpu.memory_space<hbm>> -> memref<10240xf32, #tpu.memory_space<hbm>>
      tpu.wait_dma2 semaphore(%run_scoped3A : memref<!tpu.dma_semaphore, #tpu.memory_space<semaphore_mem>>) src(%arg5 : memref<10240xf32, #tpu.memory_space<vmem>>) dst(%dma_wait3A_22 : memref<10240xf32, #tpu.memory_space<hbm>>)
      tpu.yield
    }) : () -> ()
    return
  }
}

#map = affine_map<(d0, d1) -> (0, 0)>
#map1 = affine_map<(d0, d1) -> (0, 0, 0)>
module attributes {stable_mosaic.version = 14 : i64} {
  func.func @_scatter_kernel(%arg0: i32, %arg1: i32, %arg2: memref<10240x128xf32, #tpu.memory_space<hbm>>, %arg3: memref<5120x128xi32, #tpu.memory_space<hbm>>, %arg4: memref<640x128xf32, #tpu.memory_space<hbm>>, %arg5: memref<2x10240x128xf32, #tpu.memory_space<hbm>>, %arg6: memref<2x128xi32, #tpu.memory_space<vmem>>, %arg7: memref<2x128xi32, #tpu.memory_space<vmem>>, %arg8: memref<2x128xi32, #tpu.memory_space<vmem>>, %arg9: memref<2x128xi32, #tpu.memory_space<vmem>>, %arg10: memref<128x128xf32, #tpu.memory_space<vmem>>, %arg11: memref<128x128xf32, #tpu.memory_space<vmem>>, %arg12: memref<10240x128xf32, #tpu.memory_space<vmem_shared>>, %arg13: memref<!tpu.dma_semaphore, #tpu.memory_space<semaphore_mem>>, %arg14: memref<!tpu.dma_semaphore, #tpu.memory_space<semaphore_mem>>, %arg15: memref<!tpu.dma_semaphore, #tpu.memory_space<semaphore_mem>>, %arg16: memref<!tpu.dma_semaphore, #tpu.memory_space<semaphore_mem>>, %arg17: memref<!tpu.dma_semaphore, #tpu.memory_space<semaphore_mem>>, %arg18: memref<!tpu.dma_semaphore, #tpu.memory_space<semaphore_mem>>) attributes {dimension_semantics = [#tpu.dimension_semantics<core_parallel>, #tpu.dimension_semantics<subcore_parallel>], iteration_bounds = array<i64: 2, 16>, scalar_prefetch = 0 : i64, scratch_operands = 13 : i64, tpu.core_type = #tpu.core_type<sc_vector_subcore>, window_params = [{transform_indices = #map}, {transform_indices = #map}, {transform_indices = #map}, {transform_indices = #map1}]} {
    %eq3A = arith.constant 0 : i32
    %eq3A_0 = arith.cmpi eq, %arg0, %eq3A : i32
    %jit3A = arith.constant 132 : i32
    %jit3A_1 = arith.constant 28 : i32
    %select_n3A = arith.select %eq3A_0, %jit3A, %jit3A_1 : i32
    %eq3A_2 = arith.constant 0 : i32
    %eq3A_3 = arith.cmpi eq, %arg0, %eq3A_2 : i32
    %mul3A = arith.constant 132 : i32
    %mul3A_4 = arith.muli %arg1, %mul3A : i32
    %mul3A_5 = arith.constant 28 : i32
    %mul3A_6 = arith.muli %arg1, %mul3A_5 : i32
    %add3A = arith.constant 2112 : i32
    %add3A_7 = arith.addi %add3A, %mul3A_6 : i32
    %select_n3A_8 = arith.select %eq3A_3, %mul3A_4, %add3A_7 : i32
    %mul3A_9 = arith.constant 640 : i32
    %mul3A_10 = arith.muli %arg1, %mul3A_9 : i32
    "tpu.region"() ({
      %run_scoped3A = tpu.sem_alloc : memref<!tpu.dma_semaphore, #tpu.memory_space<semaphore_mem>>
      %dma_start3A_92 = arith.constant 0 : i32
      %dma_start3A_93 = tpu.memref_slice %arg12[%mul3A_10, %dma_start3A_92] : memref<10240x128xf32, #tpu.memory_space<vmem_shared>> -> memref<640x128xf32, #tpu.memory_space<vmem_shared>>
      tpu.enqueue_dma source(%arg4 : memref<640x128xf32, #tpu.memory_space<hbm>>) target(%dma_start3A_93 : memref<640x128xf32, #tpu.memory_space<vmem_shared>>) target_semaphore(%run_scoped3A : memref<!tpu.dma_semaphore, #tpu.memory_space<semaphore_mem>>)
      %dma_wait3A_94 = arith.constant 0 : i32
      %dma_wait3A_95 = tpu.memref_slice %arg12[%mul3A_10, %dma_wait3A_94] : memref<10240x128xf32, #tpu.memory_space<vmem_shared>> -> memref<640x128xf32, #tpu.memory_space<vmem_shared>>
      tpu.wait_dma2 semaphore(%run_scoped3A : memref<!tpu.dma_semaphore, #tpu.memory_space<semaphore_mem>>) src(%arg4 : memref<640x128xf32, #tpu.memory_space<hbm>>) dst(%dma_wait3A_95 : memref<640x128xf32, #tpu.memory_space<vmem_shared>>)
      tpu.yield
    }) : () -> ()
    %add3A_11 = arith.constant 0 : i32
    %add3A_12 = arith.addi %select_n3A_8, %add3A_11 : i32
    %mul3A_13 = arith.constant 2 : i32
    %mul3A_14 = arith.muli %mul3A_13, %add3A_12 : i32
    %dma_start3A = arith.constant 0 : i32
    %dma_start3A_15 = tpu.memref_slice %arg3[%mul3A_14, %dma_start3A] : memref<5120x128xi32, #tpu.memory_space<hbm>> -> memref<2x128xi32, #tpu.memory_space<hbm>>
    %dma_start3A_16 = arith.constant 0 : i32
    %dma_start3A_17 = tpu.memref_slice %arg3[%mul3A_14, %dma_start3A_16] : memref<5120x128xi32, #tpu.memory_space<hbm>> -> memref<2x128xi32, #tpu.memory_space<hbm>>
    tpu.enqueue_dma source(%dma_start3A_17 : memref<2x128xi32, #tpu.memory_space<hbm>>) target(%arg6 : memref<2x128xi32, #tpu.memory_space<vmem>>) target_semaphore(%arg13 : memref<!tpu.dma_semaphore, #tpu.memory_space<semaphore_mem>>)
    %add3A_18 = arith.constant 1 : i32
    %add3A_19 = arith.addi %select_n3A_8, %add3A_18 : i32
    %mul3A_20 = arith.constant 2 : i32
    %mul3A_21 = arith.muli %mul3A_20, %add3A_19 : i32
    %dma_start3A_22 = arith.constant 0 : i32
    %dma_start3A_23 = tpu.memref_slice %arg3[%mul3A_21, %dma_start3A_22] : memref<5120x128xi32, #tpu.memory_space<hbm>> -> memref<2x128xi32, #tpu.memory_space<hbm>>
    %dma_start3A_24 = arith.constant 0 : i32
    %dma_start3A_25 = tpu.memref_slice %arg3[%mul3A_21, %dma_start3A_24] : memref<5120x128xi32, #tpu.memory_space<hbm>> -> memref<2x128xi32, #tpu.memory_space<hbm>>
    tpu.enqueue_dma source(%dma_start3A_25 : memref<2x128xi32, #tpu.memory_space<hbm>>) target(%arg7 : memref<2x128xi32, #tpu.memory_space<vmem>>) target_semaphore(%arg14 : memref<!tpu.dma_semaphore, #tpu.memory_space<semaphore_mem>>)
    %add3A_26 = arith.constant 2 : i32
    %add3A_27 = arith.addi %select_n3A_8, %add3A_26 : i32
    %mul3A_28 = arith.constant 2 : i32
    %mul3A_29 = arith.muli %mul3A_28, %add3A_27 : i32
    %dma_start3A_30 = arith.constant 0 : i32
    %dma_start3A_31 = tpu.memref_slice %arg3[%mul3A_29, %dma_start3A_30] : memref<5120x128xi32, #tpu.memory_space<hbm>> -> memref<2x128xi32, #tpu.memory_space<hbm>>
    %dma_start3A_32 = arith.constant 0 : i32
    %dma_start3A_33 = tpu.memref_slice %arg3[%mul3A_29, %dma_start3A_32] : memref<5120x128xi32, #tpu.memory_space<hbm>> -> memref<2x128xi32, #tpu.memory_space<hbm>>
    tpu.enqueue_dma source(%dma_start3A_33 : memref<2x128xi32, #tpu.memory_space<hbm>>) target(%arg8 : memref<2x128xi32, #tpu.memory_space<vmem>>) target_semaphore(%arg15 : memref<!tpu.dma_semaphore, #tpu.memory_space<semaphore_mem>>)
    %add3A_34 = arith.constant 3 : i32
    %add3A_35 = arith.addi %select_n3A_8, %add3A_34 : i32
    %mul3A_36 = arith.constant 2 : i32
    %mul3A_37 = arith.muli %mul3A_36, %add3A_35 : i32
    %dma_start3A_38 = arith.constant 0 : i32
    %dma_start3A_39 = tpu.memref_slice %arg3[%mul3A_37, %dma_start3A_38] : memref<5120x128xi32, #tpu.memory_space<hbm>> -> memref<2x128xi32, #tpu.memory_space<hbm>>
    %dma_start3A_40 = arith.constant 0 : i32
    %dma_start3A_41 = tpu.memref_slice %arg3[%mul3A_37, %dma_start3A_40] : memref<5120x128xi32, #tpu.memory_space<hbm>> -> memref<2x128xi32, #tpu.memory_space<hbm>>
    tpu.enqueue_dma source(%dma_start3A_41 : memref<2x128xi32, #tpu.memory_space<hbm>>) target(%arg9 : memref<2x128xi32, #tpu.memory_space<vmem>>) target_semaphore(%arg16 : memref<!tpu.dma_semaphore, #tpu.memory_space<semaphore_mem>>)
    %add3A_42 = arith.constant 0 : i32
    %add3A_43 = arith.addi %select_n3A_8, %add3A_42 : i32
    %mul3A_44 = arith.constant 2 : i32
    %mul3A_45 = arith.muli %mul3A_44, %add3A_43 : i32
    %dma_wait3A = arith.constant 0 : i32
    %dma_wait3A_46 = tpu.memref_slice %arg3[%mul3A_45, %dma_wait3A] : memref<5120x128xi32, #tpu.memory_space<hbm>> -> memref<2x128xi32, #tpu.memory_space<hbm>>
    %dma_wait3A_47 = arith.constant 0 : i32
    %dma_wait3A_48 = tpu.memref_slice %arg3[%mul3A_45, %dma_wait3A_47] : memref<5120x128xi32, #tpu.memory_space<hbm>> -> memref<2x128xi32, #tpu.memory_space<hbm>>
    tpu.wait_dma2 semaphore(%arg13 : memref<!tpu.dma_semaphore, #tpu.memory_space<semaphore_mem>>) src(%dma_wait3A_48 : memref<2x128xi32, #tpu.memory_space<hbm>>) dst(%arg6 : memref<2x128xi32, #tpu.memory_space<vmem>>)
    %add3A_49 = arith.constant 1 : i32
    %add3A_50 = arith.addi %select_n3A_8, %add3A_49 : i32
    %mul3A_51 = arith.constant 2 : i32
    %mul3A_52 = arith.muli %mul3A_51, %add3A_50 : i32
    %dma_wait3A_53 = arith.constant 0 : i32
    %dma_wait3A_54 = tpu.memref_slice %arg3[%mul3A_52, %dma_wait3A_53] : memref<5120x128xi32, #tpu.memory_space<hbm>> -> memref<2x128xi32, #tpu.memory_space<hbm>>
    %dma_wait3A_55 = arith.constant 0 : i32
    %dma_wait3A_56 = tpu.memref_slice %arg3[%mul3A_52, %dma_wait3A_55] : memref<5120x128xi32, #tpu.memory_space<hbm>> -> memref<2x128xi32, #tpu.memory_space<hbm>>
    tpu.wait_dma2 semaphore(%arg14 : memref<!tpu.dma_semaphore, #tpu.memory_space<semaphore_mem>>) src(%dma_wait3A_56 : memref<2x128xi32, #tpu.memory_space<hbm>>) dst(%arg7 : memref<2x128xi32, #tpu.memory_space<vmem>>)
    %dma_start3A_57 = arith.constant 0 : i32
    %dma_start3A_58 = arith.constant 0 : i32
    %dma_start3A_59 = tpu.memref_slice %arg6[%dma_start3A_57, %dma_start3A_58] : memref<2x128xi32, #tpu.memory_space<vmem>> -> memref<1x128xi32, #tpu.memory_space<vmem>>
    %dma_start3A_60 = tpu.memref_squeeze %dma_start3A_59 : memref<1x128xi32, #tpu.memory_space<vmem>> -> memref<128xi32, #tpu.memory_space<vmem>>
    %dma_start3A_61 = arith.constant 0 : i32
    %dma_start3A_62 = arith.constant 0 : i32
    %dma_start3A_63 = tpu.memref_slice %arg2[%dma_start3A_61, %dma_start3A_62] : memref<10240x128xf32, #tpu.memory_space<hbm>> -> memref<10240x128xf32, #tpu.memory_space<hbm>>
    tpu.enqueue_indirect_dma source(%dma_start3A_63 : memref<10240x128xf32, #tpu.memory_space<hbm>>) target(%arg10 : memref<128x128xf32, #tpu.memory_space<vmem>>) offsets(%dma_start3A_60 : memref<128xi32, #tpu.memory_space<vmem>>) semaphore(%arg17 : memref<!tpu.dma_semaphore, #tpu.memory_space<semaphore_mem>>)
    %dma_start3A_64 = arith.constant 0 : i32
    %dma_start3A_65 = arith.constant 0 : i32
    %dma_start3A_66 = tpu.memref_slice %arg7[%dma_start3A_64, %dma_start3A_65] : memref<2x128xi32, #tpu.memory_space<vmem>> -> memref<1x128xi32, #tpu.memory_space<vmem>>
    %dma_start3A_67 = tpu.memref_squeeze %dma_start3A_66 : memref<1x128xi32, #tpu.memory_space<vmem>> -> memref<128xi32, #tpu.memory_space<vmem>>
    %dma_start3A_68 = arith.constant 0 : i32
    %dma_start3A_69 = arith.constant 0 : i32
    %dma_start3A_70 = tpu.memref_slice %arg2[%dma_start3A_68, %dma_start3A_69] : memref<10240x128xf32, #tpu.memory_space<hbm>> -> memref<10240x128xf32, #tpu.memory_space<hbm>>
    tpu.enqueue_indirect_dma source(%dma_start3A_70 : memref<10240x128xf32, #tpu.memory_space<hbm>>) target(%arg11 : memref<128x128xf32, #tpu.memory_space<vmem>>) offsets(%dma_start3A_67 : memref<128xi32, #tpu.memory_space<vmem>>) semaphore(%arg18 : memref<!tpu.dma_semaphore, #tpu.memory_space<semaphore_mem>>)
    %barrier3A = arith.constant 0 : index
    tpu.barrier barrier_id(%barrier3A)
    %sub3A = arith.constant 0 : i32
    %sub3A_71 = arith.subi %select_n3A, %sub3A : i32
    %sub3A_72 = arith.constant 4 : i32
    %sub3A_73 = arith.constant 1 : i32
    %sub3A_74 = arith.subi %sub3A_72, %sub3A_73 : i32
    %add3A_75 = arith.addi %sub3A_71, %sub3A_74 : i32
    %div3A = arith.constant 4 : i32
    %div3A_76 = arith.divsi %add3A_75, %div3A : i32
    %while3A = arith.constant 4 : i32
    %while3A_77 = arith.constant 0 : i32
    %while3A_78 = arith.constant 0 : i32
    %while3A_79 = arith.subi %div3A_76, %while3A_78 : i32
    %while3A_80 = arith.addi %while3A_78, %while3A_79 : i32
    %while3A_81 = arith.constant 1 : i32
    %while3A_82 = arith.divsi %while3A_79, %while3A_81 : i32
    %while3A_83 = arith.muli %while3A_82, %while3A_81 : i32
    %while3A_84 = arith.addi %while3A_78, %while3A_83 : i32
    %while3A_85 = arith.constant 1 : i32
    scf.for %while3A_92 = %while3A_78 to %while3A_84 step %while3A_85  : i32 {
      %mul3A_93 = arith.muli %while3A_92, %while3A : i32
      %add3A_94 = arith.addi %while3A_77, %mul3A_93 : i32
      %add3A_95 = arith.constant 0 : i32
      %add3A_96 = arith.addi %add3A_94, %add3A_95 : i32
      %dma_wait3A_97 = arith.constant 0 : i32
      %dma_wait3A_98 = arith.constant 0 : i32
      %dma_wait3A_99 = tpu.memref_slice %arg6[%dma_wait3A_97, %dma_wait3A_98] : memref<2x128xi32, #tpu.memory_space<vmem>> -> memref<1x128xi32, #tpu.memory_space<vmem>>
      %dma_wait3A_100 = tpu.memref_squeeze %dma_wait3A_99 : memref<1x128xi32, #tpu.memory_space<vmem>> -> memref<128xi32, #tpu.memory_space<vmem>>
      %dma_wait3A_101 = arith.constant 0 : i32
      %dma_wait3A_102 = arith.constant 0 : i32
      %dma_wait3A_103 = tpu.memref_slice %arg2[%dma_wait3A_101, %dma_wait3A_102] : memref<10240x128xf32, #tpu.memory_space<hbm>> -> memref<10240x128xf32, #tpu.memory_space<hbm>>
      tpu.wait_indirect_dma semaphore(%arg17 : memref<!tpu.dma_semaphore, #tpu.memory_space<semaphore_mem>>) src(%dma_wait3A_103 : memref<10240x128xf32, #tpu.memory_space<hbm>>) dst(%arg10 : memref<128x128xf32, #tpu.memory_space<vmem>>)
      %run_scoped3A = arith.constant 1 : i32
      "tpu.region"() ({
        %run_scoped3A_179 = tpu.sem_alloc : memref<!tpu.dma_semaphore, #tpu.memory_space<semaphore_mem>>
        %dma_start3A_180 = arith.constant 0 : i32
        %dma_start3A_181 = tpu.memref_slice %arg6[%run_scoped3A, %dma_start3A_180] : memref<2x128xi32, #tpu.memory_space<vmem>> -> memref<1x128xi32, #tpu.memory_space<vmem>>
        %dma_start3A_182 = tpu.memref_squeeze %dma_start3A_181 : memref<1x128xi32, #tpu.memory_space<vmem>> -> memref<128xi32, #tpu.memory_space<vmem>>
        %dma_start3A_183 = arith.constant 0 : i32
        %dma_start3A_184 = arith.constant 0 : i32
        %dma_start3A_185 = tpu.memref_slice %arg12[%dma_start3A_183, %dma_start3A_184] : memref<10240x128xf32, #tpu.memory_space<vmem_shared>> -> memref<10240x128xf32, #tpu.memory_space<vmem_shared>>
        tpu.enqueue_indirect_dma source(%arg10 : memref<128x128xf32, #tpu.memory_space<vmem>>) target(%dma_start3A_185 : memref<10240x128xf32, #tpu.memory_space<vmem_shared>>) offsets(%dma_start3A_182 : memref<128xi32, #tpu.memory_space<vmem>>) semaphore(%run_scoped3A_179 : memref<!tpu.dma_semaphore, #tpu.memory_space<semaphore_mem>>) {add = true}
        %dma_wait3A_186 = arith.constant 0 : i32
        %dma_wait3A_187 = tpu.memref_slice %arg6[%run_scoped3A, %dma_wait3A_186] : memref<2x128xi32, #tpu.memory_space<vmem>> -> memref<1x128xi32, #tpu.memory_space<vmem>>
        %dma_wait3A_188 = tpu.memref_squeeze %dma_wait3A_187 : memref<1x128xi32, #tpu.memory_space<vmem>> -> memref<128xi32, #tpu.memory_space<vmem>>
        %dma_wait3A_189 = arith.constant 0 : i32
        %dma_wait3A_190 = arith.constant 0 : i32
        %dma_wait3A_191 = tpu.memref_slice %arg12[%dma_wait3A_189, %dma_wait3A_190] : memref<10240x128xf32, #tpu.memory_space<vmem_shared>> -> memref<10240x128xf32, #tpu.memory_space<vmem_shared>>
        tpu.wait_indirect_dma semaphore(%run_scoped3A_179 : memref<!tpu.dma_semaphore, #tpu.memory_space<semaphore_mem>>) src(%arg10 : memref<128x128xf32, #tpu.memory_space<vmem>>) dst(%dma_wait3A_191 : memref<10240x128xf32, #tpu.memory_space<vmem_shared>>)
        tpu.yield
      }) : () -> ()
      %add3A_104 = arith.constant 2 : i32
      %add3A_105 = arith.addi %add3A_96, %add3A_104 : i32
      %lt3A = arith.cmpi slt, %add3A_105, %select_n3A : i32
      %convert_element_type3A = arith.extui %lt3A : i1 to i32
      %cond3A = arith.constant 0 : i32
      %cond3A_106 = arith.cmpi ne, %convert_element_type3A, %cond3A : i32
      scf.if %cond3A_106 {
        %add3A_179 = arith.constant 2 : i32
        %add3A_180 = arith.addi %add3A_96, %add3A_179 : i32
        %add3A_181 = arith.addi %select_n3A_8, %add3A_180 : i32
        %mul3A_182 = arith.constant 2 : i32
        %mul3A_183 = arith.muli %mul3A_182, %add3A_181 : i32
        %dma_wait3A_184 = arith.constant 0 : i32
        %dma_wait3A_185 = tpu.memref_slice %arg3[%mul3A_183, %dma_wait3A_184] : memref<5120x128xi32, #tpu.memory_space<hbm>> -> memref<2x128xi32, #tpu.memory_space<hbm>>
        %dma_wait3A_186 = arith.constant 0 : i32
        %dma_wait3A_187 = tpu.memref_slice %arg3[%mul3A_183, %dma_wait3A_186] : memref<5120x128xi32, #tpu.memory_space<hbm>> -> memref<2x128xi32, #tpu.memory_space<hbm>>
        tpu.wait_dma2 semaphore(%arg15 : memref<!tpu.dma_semaphore, #tpu.memory_space<semaphore_mem>>) src(%dma_wait3A_187 : memref<2x128xi32, #tpu.memory_space<hbm>>) dst(%arg8 : memref<2x128xi32, #tpu.memory_space<vmem>>)
        %dma_start3A_188 = arith.constant 0 : i32
        %dma_start3A_189 = arith.constant 0 : i32
        %dma_start3A_190 = tpu.memref_slice %arg8[%dma_start3A_188, %dma_start3A_189] : memref<2x128xi32, #tpu.memory_space<vmem>> -> memref<1x128xi32, #tpu.memory_space<vmem>>
        %dma_start3A_191 = tpu.memref_squeeze %dma_start3A_190 : memref<1x128xi32, #tpu.memory_space<vmem>> -> memref<128xi32, #tpu.memory_space<vmem>>
        %dma_start3A_192 = arith.constant 0 : i32
        %dma_start3A_193 = arith.constant 0 : i32
        %dma_start3A_194 = tpu.memref_slice %arg2[%dma_start3A_192, %dma_start3A_193] : memref<10240x128xf32, #tpu.memory_space<hbm>> -> memref<10240x128xf32, #tpu.memory_space<hbm>>
        tpu.enqueue_indirect_dma source(%dma_start3A_194 : memref<10240x128xf32, #tpu.memory_space<hbm>>) target(%arg10 : memref<128x128xf32, #tpu.memory_space<vmem>>) offsets(%dma_start3A_191 : memref<128xi32, #tpu.memory_space<vmem>>) semaphore(%arg17 : memref<!tpu.dma_semaphore, #tpu.memory_space<semaphore_mem>>)
      } else {
      }
      %add3A_107 = arith.constant 4 : i32
      %add3A_108 = arith.addi %add3A_96, %add3A_107 : i32
      %lt3A_109 = arith.cmpi slt, %add3A_108, %select_n3A : i32
      %convert_element_type3A_110 = arith.extui %lt3A_109 : i1 to i32
      %cond3A_111 = arith.constant 0 : i32
      %cond3A_112 = arith.cmpi ne, %convert_element_type3A_110, %cond3A_111 : i32
      scf.if %cond3A_112 {
        %add3A_179 = arith.constant 4 : i32
        %add3A_180 = arith.addi %add3A_96, %add3A_179 : i32
        %add3A_181 = arith.addi %select_n3A_8, %add3A_180 : i32
        %mul3A_182 = arith.constant 2 : i32
        %mul3A_183 = arith.muli %mul3A_182, %add3A_181 : i32
        %dma_start3A_184 = arith.constant 0 : i32
        %dma_start3A_185 = tpu.memref_slice %arg3[%mul3A_183, %dma_start3A_184] : memref<5120x128xi32, #tpu.memory_space<hbm>> -> memref<2x128xi32, #tpu.memory_space<hbm>>
        %dma_start3A_186 = arith.constant 0 : i32
        %dma_start3A_187 = tpu.memref_slice %arg3[%mul3A_183, %dma_start3A_186] : memref<5120x128xi32, #tpu.memory_space<hbm>> -> memref<2x128xi32, #tpu.memory_space<hbm>>
        tpu.enqueue_dma source(%dma_start3A_187 : memref<2x128xi32, #tpu.memory_space<hbm>>) target(%arg6 : memref<2x128xi32, #tpu.memory_space<vmem>>) target_semaphore(%arg13 : memref<!tpu.dma_semaphore, #tpu.memory_space<semaphore_mem>>)
      } else {
      }
      %add3A_113 = arith.constant 1 : i32
      %add3A_114 = arith.addi %add3A_94, %add3A_113 : i32
      %dma_wait3A_115 = arith.constant 0 : i32
      %dma_wait3A_116 = arith.constant 0 : i32
      %dma_wait3A_117 = tpu.memref_slice %arg7[%dma_wait3A_115, %dma_wait3A_116] : memref<2x128xi32, #tpu.memory_space<vmem>> -> memref<1x128xi32, #tpu.memory_space<vmem>>
      %dma_wait3A_118 = tpu.memref_squeeze %dma_wait3A_117 : memref<1x128xi32, #tpu.memory_space<vmem>> -> memref<128xi32, #tpu.memory_space<vmem>>
      %dma_wait3A_119 = arith.constant 0 : i32
      %dma_wait3A_120 = arith.constant 0 : i32
      %dma_wait3A_121 = tpu.memref_slice %arg2[%dma_wait3A_119, %dma_wait3A_120] : memref<10240x128xf32, #tpu.memory_space<hbm>> -> memref<10240x128xf32, #tpu.memory_space<hbm>>
      tpu.wait_indirect_dma semaphore(%arg18 : memref<!tpu.dma_semaphore, #tpu.memory_space<semaphore_mem>>) src(%dma_wait3A_121 : memref<10240x128xf32, #tpu.memory_space<hbm>>) dst(%arg11 : memref<128x128xf32, #tpu.memory_space<vmem>>)
      %run_scoped3A_122 = arith.constant 1 : i32
      "tpu.region"() ({
        %run_scoped3A_179 = tpu.sem_alloc : memref<!tpu.dma_semaphore, #tpu.memory_space<semaphore_mem>>
        %dma_start3A_180 = arith.constant 0 : i32
        %dma_start3A_181 = tpu.memref_slice %arg7[%run_scoped3A_122, %dma_start3A_180] : memref<2x128xi32, #tpu.memory_space<vmem>> -> memref<1x128xi32, #tpu.memory_space<vmem>>
        %dma_start3A_182 = tpu.memref_squeeze %dma_start3A_181 : memref<1x128xi32, #tpu.memory_space<vmem>> -> memref<128xi32, #tpu.memory_space<vmem>>
        %dma_start3A_183 = arith.constant 0 : i32
        %dma_start3A_184 = arith.constant 0 : i32
        %dma_start3A_185 = tpu.memref_slice %arg12[%dma_start3A_183, %dma_start3A_184] : memref<10240x128xf32, #tpu.memory_space<vmem_shared>> -> memref<10240x128xf32, #tpu.memory_space<vmem_shared>>
        tpu.enqueue_indirect_dma source(%arg11 : memref<128x128xf32, #tpu.memory_space<vmem>>) target(%dma_start3A_185 : memref<10240x128xf32, #tpu.memory_space<vmem_shared>>) offsets(%dma_start3A_182 : memref<128xi32, #tpu.memory_space<vmem>>) semaphore(%run_scoped3A_179 : memref<!tpu.dma_semaphore, #tpu.memory_space<semaphore_mem>>) {add = true}
        %dma_wait3A_186 = arith.constant 0 : i32
        %dma_wait3A_187 = tpu.memref_slice %arg7[%run_scoped3A_122, %dma_wait3A_186] : memref<2x128xi32, #tpu.memory_space<vmem>> -> memref<1x128xi32, #tpu.memory_space<vmem>>
        %dma_wait3A_188 = tpu.memref_squeeze %dma_wait3A_187 : memref<1x128xi32, #tpu.memory_space<vmem>> -> memref<128xi32, #tpu.memory_space<vmem>>
        %dma_wait3A_189 = arith.constant 0 : i32
        %dma_wait3A_190 = arith.constant 0 : i32
        %dma_wait3A_191 = tpu.memref_slice %arg12[%dma_wait3A_189, %dma_wait3A_190] : memref<10240x128xf32, #tpu.memory_space<vmem_shared>> -> memref<10240x128xf32, #tpu.memory_space<vmem_shared>>
        tpu.wait_indirect_dma semaphore(%run_scoped3A_179 : memref<!tpu.dma_semaphore, #tpu.memory_space<semaphore_mem>>) src(%arg11 : memref<128x128xf32, #tpu.memory_space<vmem>>) dst(%dma_wait3A_191 : memref<10240x128xf32, #tpu.memory_space<vmem_shared>>)
        tpu.yield
      }) : () -> ()
      %add3A_123 = arith.constant 2 : i32
      %add3A_124 = arith.addi %add3A_114, %add3A_123 : i32
      %lt3A_125 = arith.cmpi slt, %add3A_124, %select_n3A : i32
      %convert_element_type3A_126 = arith.extui %lt3A_125 : i1 to i32
      %cond3A_127 = arith.constant 0 : i32
      %cond3A_128 = arith.cmpi ne, %convert_element_type3A_126, %cond3A_127 : i32
      scf.if %cond3A_128 {
        %add3A_179 = arith.constant 2 : i32
        %add3A_180 = arith.addi %add3A_114, %add3A_179 : i32
        %add3A_181 = arith.addi %select_n3A_8, %add3A_180 : i32
        %mul3A_182 = arith.constant 2 : i32
        %mul3A_183 = arith.muli %mul3A_182, %add3A_181 : i32
        %dma_wait3A_184 = arith.constant 0 : i32
        %dma_wait3A_185 = tpu.memref_slice %arg3[%mul3A_183, %dma_wait3A_184] : memref<5120x128xi32, #tpu.memory_space<hbm>> -> memref<2x128xi32, #tpu.memory_space<hbm>>
        %dma_wait3A_186 = arith.constant 0 : i32
        %dma_wait3A_187 = tpu.memref_slice %arg3[%mul3A_183, %dma_wait3A_186] : memref<5120x128xi32, #tpu.memory_space<hbm>> -> memref<2x128xi32, #tpu.memory_space<hbm>>
        tpu.wait_dma2 semaphore(%arg16 : memref<!tpu.dma_semaphore, #tpu.memory_space<semaphore_mem>>) src(%dma_wait3A_187 : memref<2x128xi32, #tpu.memory_space<hbm>>) dst(%arg9 : memref<2x128xi32, #tpu.memory_space<vmem>>)
        %dma_start3A_188 = arith.constant 0 : i32
        %dma_start3A_189 = arith.constant 0 : i32
        %dma_start3A_190 = tpu.memref_slice %arg9[%dma_start3A_188, %dma_start3A_189] : memref<2x128xi32, #tpu.memory_space<vmem>> -> memref<1x128xi32, #tpu.memory_space<vmem>>
        %dma_start3A_191 = tpu.memref_squeeze %dma_start3A_190 : memref<1x128xi32, #tpu.memory_space<vmem>> -> memref<128xi32, #tpu.memory_space<vmem>>
        %dma_start3A_192 = arith.constant 0 : i32
        %dma_start3A_193 = arith.constant 0 : i32
        %dma_start3A_194 = tpu.memref_slice %arg2[%dma_start3A_192, %dma_start3A_193] : memref<10240x128xf32, #tpu.memory_space<hbm>> -> memref<10240x128xf32, #tpu.memory_space<hbm>>
        tpu.enqueue_indirect_dma source(%dma_start3A_194 : memref<10240x128xf32, #tpu.memory_space<hbm>>) target(%arg11 : memref<128x128xf32, #tpu.memory_space<vmem>>) offsets(%dma_start3A_191 : memref<128xi32, #tpu.memory_space<vmem>>) semaphore(%arg18 : memref<!tpu.dma_semaphore, #tpu.memory_space<semaphore_mem>>)
      } else {
      }
      %add3A_129 = arith.constant 4 : i32
      %add3A_130 = arith.addi %add3A_114, %add3A_129 : i32
      %lt3A_131 = arith.cmpi slt, %add3A_130, %select_n3A : i32
      %convert_element_type3A_132 = arith.extui %lt3A_131 : i1 to i32
      %cond3A_133 = arith.constant 0 : i32
      %cond3A_134 = arith.cmpi ne, %convert_element_type3A_132, %cond3A_133 : i32
      scf.if %cond3A_134 {
        %add3A_179 = arith.constant 4 : i32
        %add3A_180 = arith.addi %add3A_114, %add3A_179 : i32
        %add3A_181 = arith.addi %select_n3A_8, %add3A_180 : i32
        %mul3A_182 = arith.constant 2 : i32
        %mul3A_183 = arith.muli %mul3A_182, %add3A_181 : i32
        %dma_start3A_184 = arith.constant 0 : i32
        %dma_start3A_185 = tpu.memref_slice %arg3[%mul3A_183, %dma_start3A_184] : memref<5120x128xi32, #tpu.memory_space<hbm>> -> memref<2x128xi32, #tpu.memory_space<hbm>>
        %dma_start3A_186 = arith.constant 0 : i32
        %dma_start3A_187 = tpu.memref_slice %arg3[%mul3A_183, %dma_start3A_186] : memref<5120x128xi32, #tpu.memory_space<hbm>> -> memref<2x128xi32, #tpu.memory_space<hbm>>
        tpu.enqueue_dma source(%dma_start3A_187 : memref<2x128xi32, #tpu.memory_space<hbm>>) target(%arg7 : memref<2x128xi32, #tpu.memory_space<vmem>>) target_semaphore(%arg14 : memref<!tpu.dma_semaphore, #tpu.memory_space<semaphore_mem>>)
      } else {
      }
      %add3A_135 = arith.constant 2 : i32
      %add3A_136 = arith.addi %add3A_94, %add3A_135 : i32
      %dma_wait3A_137 = arith.constant 0 : i32
      %dma_wait3A_138 = arith.constant 0 : i32
      %dma_wait3A_139 = tpu.memref_slice %arg8[%dma_wait3A_137, %dma_wait3A_138] : memref<2x128xi32, #tpu.memory_space<vmem>> -> memref<1x128xi32, #tpu.memory_space<vmem>>
      %dma_wait3A_140 = tpu.memref_squeeze %dma_wait3A_139 : memref<1x128xi32, #tpu.memory_space<vmem>> -> memref<128xi32, #tpu.memory_space<vmem>>
      %dma_wait3A_141 = arith.constant 0 : i32
      %dma_wait3A_142 = arith.constant 0 : i32
      %dma_wait3A_143 = tpu.memref_slice %arg2[%dma_wait3A_141, %dma_wait3A_142] : memref<10240x128xf32, #tpu.memory_space<hbm>> -> memref<10240x128xf32, #tpu.memory_space<hbm>>
      tpu.wait_indirect_dma semaphore(%arg17 : memref<!tpu.dma_semaphore, #tpu.memory_space<semaphore_mem>>) src(%dma_wait3A_143 : memref<10240x128xf32, #tpu.memory_space<hbm>>) dst(%arg10 : memref<128x128xf32, #tpu.memory_space<vmem>>)
      %run_scoped3A_144 = arith.constant 1 : i32
      "tpu.region"() ({
        %run_scoped3A_179 = tpu.sem_alloc : memref<!tpu.dma_semaphore, #tpu.memory_space<semaphore_mem>>
        %dma_start3A_180 = arith.constant 0 : i32
        %dma_start3A_181 = tpu.memref_slice %arg8[%run_scoped3A_144, %dma_start3A_180] : memref<2x128xi32, #tpu.memory_space<vmem>> -> memref<1x128xi32, #tpu.memory_space<vmem>>
        %dma_start3A_182 = tpu.memref_squeeze %dma_start3A_181 : memref<1x128xi32, #tpu.memory_space<vmem>> -> memref<128xi32, #tpu.memory_space<vmem>>
        %dma_start3A_183 = arith.constant 0 : i32
        %dma_start3A_184 = arith.constant 0 : i32
        %dma_start3A_185 = tpu.memref_slice %arg12[%dma_start3A_183, %dma_start3A_184] : memref<10240x128xf32, #tpu.memory_space<vmem_shared>> -> memref<10240x128xf32, #tpu.memory_space<vmem_shared>>
        tpu.enqueue_indirect_dma source(%arg10 : memref<128x128xf32, #tpu.memory_space<vmem>>) target(%dma_start3A_185 : memref<10240x128xf32, #tpu.memory_space<vmem_shared>>) offsets(%dma_start3A_182 : memref<128xi32, #tpu.memory_space<vmem>>) semaphore(%run_scoped3A_179 : memref<!tpu.dma_semaphore, #tpu.memory_space<semaphore_mem>>) {add = true}
        %dma_wait3A_186 = arith.constant 0 : i32
        %dma_wait3A_187 = tpu.memref_slice %arg8[%run_scoped3A_144, %dma_wait3A_186] : memref<2x128xi32, #tpu.memory_space<vmem>> -> memref<1x128xi32, #tpu.memory_space<vmem>>
        %dma_wait3A_188 = tpu.memref_squeeze %dma_wait3A_187 : memref<1x128xi32, #tpu.memory_space<vmem>> -> memref<128xi32, #tpu.memory_space<vmem>>
        %dma_wait3A_189 = arith.constant 0 : i32
        %dma_wait3A_190 = arith.constant 0 : i32
        %dma_wait3A_191 = tpu.memref_slice %arg12[%dma_wait3A_189, %dma_wait3A_190] : memref<10240x128xf32, #tpu.memory_space<vmem_shared>> -> memref<10240x128xf32, #tpu.memory_space<vmem_shared>>
        tpu.wait_indirect_dma semaphore(%run_scoped3A_179 : memref<!tpu.dma_semaphore, #tpu.memory_space<semaphore_mem>>) src(%arg10 : memref<128x128xf32, #tpu.memory_space<vmem>>) dst(%dma_wait3A_191 : memref<10240x128xf32, #tpu.memory_space<vmem_shared>>)
        tpu.yield
      }) : () -> ()
      %add3A_145 = arith.constant 2 : i32
      %add3A_146 = arith.addi %add3A_136, %add3A_145 : i32
      %lt3A_147 = arith.cmpi slt, %add3A_146, %select_n3A : i32
      %convert_element_type3A_148 = arith.extui %lt3A_147 : i1 to i32
      %cond3A_149 = arith.constant 0 : i32
      %cond3A_150 = arith.cmpi ne, %convert_element_type3A_148, %cond3A_149 : i32
      scf.if %cond3A_150 {
        %add3A_179 = arith.constant 2 : i32
        %add3A_180 = arith.addi %add3A_136, %add3A_179 : i32
        %add3A_181 = arith.addi %select_n3A_8, %add3A_180 : i32
        %mul3A_182 = arith.constant 2 : i32
        %mul3A_183 = arith.muli %mul3A_182, %add3A_181 : i32
        %dma_wait3A_184 = arith.constant 0 : i32
        %dma_wait3A_185 = tpu.memref_slice %arg3[%mul3A_183, %dma_wait3A_184] : memref<5120x128xi32, #tpu.memory_space<hbm>> -> memref<2x128xi32, #tpu.memory_space<hbm>>
        %dma_wait3A_186 = arith.constant 0 : i32
        %dma_wait3A_187 = tpu.memref_slice %arg3[%mul3A_183, %dma_wait3A_186] : memref<5120x128xi32, #tpu.memory_space<hbm>> -> memref<2x128xi32, #tpu.memory_space<hbm>>
        tpu.wait_dma2 semaphore(%arg13 : memref<!tpu.dma_semaphore, #tpu.memory_space<semaphore_mem>>) src(%dma_wait3A_187 : memref<2x128xi32, #tpu.memory_space<hbm>>) dst(%arg6 : memref<2x128xi32, #tpu.memory_space<vmem>>)
        %dma_start3A_188 = arith.constant 0 : i32
        %dma_start3A_189 = arith.constant 0 : i32
        %dma_start3A_190 = tpu.memref_slice %arg6[%dma_start3A_188, %dma_start3A_189] : memref<2x128xi32, #tpu.memory_space<vmem>> -> memref<1x128xi32, #tpu.memory_space<vmem>>
        %dma_start3A_191 = tpu.memref_squeeze %dma_start3A_190 : memref<1x128xi32, #tpu.memory_space<vmem>> -> memref<128xi32, #tpu.memory_space<vmem>>
        %dma_start3A_192 = arith.constant 0 : i32
        %dma_start3A_193 = arith.constant 0 : i32
        %dma_start3A_194 = tpu.memref_slice %arg2[%dma_start3A_192, %dma_start3A_193] : memref<10240x128xf32, #tpu.memory_space<hbm>> -> memref<10240x128xf32, #tpu.memory_space<hbm>>
        tpu.enqueue_indirect_dma source(%dma_start3A_194 : memref<10240x128xf32, #tpu.memory_space<hbm>>) target(%arg10 : memref<128x128xf32, #tpu.memory_space<vmem>>) offsets(%dma_start3A_191 : memref<128xi32, #tpu.memory_space<vmem>>) semaphore(%arg17 : memref<!tpu.dma_semaphore, #tpu.memory_space<semaphore_mem>>)
      } else {
      }
      %add3A_151 = arith.constant 4 : i32
      %add3A_152 = arith.addi %add3A_136, %add3A_151 : i32
      %lt3A_153 = arith.cmpi slt, %add3A_152, %select_n3A : i32
      %convert_element_type3A_154 = arith.extui %lt3A_153 : i1 to i32
      %cond3A_155 = arith.constant 0 : i32
      %cond3A_156 = arith.cmpi ne, %convert_element_type3A_154, %cond3A_155 : i32
      scf.if %cond3A_156 {
        %add3A_179 = arith.constant 4 : i32
        %add3A_180 = arith.addi %add3A_136, %add3A_179 : i32
        %add3A_181 = arith.addi %select_n3A_8, %add3A_180 : i32
        %mul3A_182 = arith.constant 2 : i32
        %mul3A_183 = arith.muli %mul3A_182, %add3A_181 : i32
        %dma_start3A_184 = arith.constant 0 : i32
        %dma_start3A_185 = tpu.memref_slice %arg3[%mul3A_183, %dma_start3A_184] : memref<5120x128xi32, #tpu.memory_space<hbm>> -> memref<2x128xi32, #tpu.memory_space<hbm>>
        %dma_start3A_186 = arith.constant 0 : i32
        %dma_start3A_187 = tpu.memref_slice %arg3[%mul3A_183, %dma_start3A_186] : memref<5120x128xi32, #tpu.memory_space<hbm>> -> memref<2x128xi32, #tpu.memory_space<hbm>>
        tpu.enqueue_dma source(%dma_start3A_187 : memref<2x128xi32, #tpu.memory_space<hbm>>) target(%arg8 : memref<2x128xi32, #tpu.memory_space<vmem>>) target_semaphore(%arg15 : memref<!tpu.dma_semaphore, #tpu.memory_space<semaphore_mem>>)
      } else {
      }
      %add3A_157 = arith.constant 3 : i32
      %add3A_158 = arith.addi %add3A_94, %add3A_157 : i32
      %dma_wait3A_159 = arith.constant 0 : i32
      %dma_wait3A_160 = arith.constant 0 : i32
      %dma_wait3A_161 = tpu.memref_slice %arg9[%dma_wait3A_159, %dma_wait3A_160] : memref<2x128xi32, #tpu.memory_space<vmem>> -> memref<1x128xi32, #tpu.memory_space<vmem>>
      %dma_wait3A_162 = tpu.memref_squeeze %dma_wait3A_161 : memref<1x128xi32, #tpu.memory_space<vmem>> -> memref<128xi32, #tpu.memory_space<vmem>>
      %dma_wait3A_163 = arith.constant 0 : i32
      %dma_wait3A_164 = arith.constant 0 : i32
      %dma_wait3A_165 = tpu.memref_slice %arg2[%dma_wait3A_163, %dma_wait3A_164] : memref<10240x128xf32, #tpu.memory_space<hbm>> -> memref<10240x128xf32, #tpu.memory_space<hbm>>
      tpu.wait_indirect_dma semaphore(%arg18 : memref<!tpu.dma_semaphore, #tpu.memory_space<semaphore_mem>>) src(%dma_wait3A_165 : memref<10240x128xf32, #tpu.memory_space<hbm>>) dst(%arg11 : memref<128x128xf32, #tpu.memory_space<vmem>>)
      %run_scoped3A_166 = arith.constant 1 : i32
      "tpu.region"() ({
        %run_scoped3A_179 = tpu.sem_alloc : memref<!tpu.dma_semaphore, #tpu.memory_space<semaphore_mem>>
        %dma_start3A_180 = arith.constant 0 : i32
        %dma_start3A_181 = tpu.memref_slice %arg9[%run_scoped3A_166, %dma_start3A_180] : memref<2x128xi32, #tpu.memory_space<vmem>> -> memref<1x128xi32, #tpu.memory_space<vmem>>
        %dma_start3A_182 = tpu.memref_squeeze %dma_start3A_181 : memref<1x128xi32, #tpu.memory_space<vmem>> -> memref<128xi32, #tpu.memory_space<vmem>>
        %dma_start3A_183 = arith.constant 0 : i32
        %dma_start3A_184 = arith.constant 0 : i32
        %dma_start3A_185 = tpu.memref_slice %arg12[%dma_start3A_183, %dma_start3A_184] : memref<10240x128xf32, #tpu.memory_space<vmem_shared>> -> memref<10240x128xf32, #tpu.memory_space<vmem_shared>>
        tpu.enqueue_indirect_dma source(%arg11 : memref<128x128xf32, #tpu.memory_space<vmem>>) target(%dma_start3A_185 : memref<10240x128xf32, #tpu.memory_space<vmem_shared>>) offsets(%dma_start3A_182 : memref<128xi32, #tpu.memory_space<vmem>>) semaphore(%run_scoped3A_179 : memref<!tpu.dma_semaphore, #tpu.memory_space<semaphore_mem>>) {add = true}
        %dma_wait3A_186 = arith.constant 0 : i32
        %dma_wait3A_187 = tpu.memref_slice %arg9[%run_scoped3A_166, %dma_wait3A_186] : memref<2x128xi32, #tpu.memory_space<vmem>> -> memref<1x128xi32, #tpu.memory_space<vmem>>
        %dma_wait3A_188 = tpu.memref_squeeze %dma_wait3A_187 : memref<1x128xi32, #tpu.memory_space<vmem>> -> memref<128xi32, #tpu.memory_space<vmem>>
        %dma_wait3A_189 = arith.constant 0 : i32
        %dma_wait3A_190 = arith.constant 0 : i32
        %dma_wait3A_191 = tpu.memref_slice %arg12[%dma_wait3A_189, %dma_wait3A_190] : memref<10240x128xf32, #tpu.memory_space<vmem_shared>> -> memref<10240x128xf32, #tpu.memory_space<vmem_shared>>
        tpu.wait_indirect_dma semaphore(%run_scoped3A_179 : memref<!tpu.dma_semaphore, #tpu.memory_space<semaphore_mem>>) src(%arg11 : memref<128x128xf32, #tpu.memory_space<vmem>>) dst(%dma_wait3A_191 : memref<10240x128xf32, #tpu.memory_space<vmem_shared>>)
        tpu.yield
      }) : () -> ()
      %add3A_167 = arith.constant 2 : i32
      %add3A_168 = arith.addi %add3A_158, %add3A_167 : i32
      %lt3A_169 = arith.cmpi slt, %add3A_168, %select_n3A : i32
      %convert_element_type3A_170 = arith.extui %lt3A_169 : i1 to i32
      %cond3A_171 = arith.constant 0 : i32
      %cond3A_172 = arith.cmpi ne, %convert_element_type3A_170, %cond3A_171 : i32
      scf.if %cond3A_172 {
        %add3A_179 = arith.constant 2 : i32
        %add3A_180 = arith.addi %add3A_158, %add3A_179 : i32
        %add3A_181 = arith.addi %select_n3A_8, %add3A_180 : i32
        %mul3A_182 = arith.constant 2 : i32
        %mul3A_183 = arith.muli %mul3A_182, %add3A_181 : i32
        %dma_wait3A_184 = arith.constant 0 : i32
        %dma_wait3A_185 = tpu.memref_slice %arg3[%mul3A_183, %dma_wait3A_184] : memref<5120x128xi32, #tpu.memory_space<hbm>> -> memref<2x128xi32, #tpu.memory_space<hbm>>
        %dma_wait3A_186 = arith.constant 0 : i32
        %dma_wait3A_187 = tpu.memref_slice %arg3[%mul3A_183, %dma_wait3A_186] : memref<5120x128xi32, #tpu.memory_space<hbm>> -> memref<2x128xi32, #tpu.memory_space<hbm>>
        tpu.wait_dma2 semaphore(%arg14 : memref<!tpu.dma_semaphore, #tpu.memory_space<semaphore_mem>>) src(%dma_wait3A_187 : memref<2x128xi32, #tpu.memory_space<hbm>>) dst(%arg7 : memref<2x128xi32, #tpu.memory_space<vmem>>)
        %dma_start3A_188 = arith.constant 0 : i32
        %dma_start3A_189 = arith.constant 0 : i32
        %dma_start3A_190 = tpu.memref_slice %arg7[%dma_start3A_188, %dma_start3A_189] : memref<2x128xi32, #tpu.memory_space<vmem>> -> memref<1x128xi32, #tpu.memory_space<vmem>>
        %dma_start3A_191 = tpu.memref_squeeze %dma_start3A_190 : memref<1x128xi32, #tpu.memory_space<vmem>> -> memref<128xi32, #tpu.memory_space<vmem>>
        %dma_start3A_192 = arith.constant 0 : i32
        %dma_start3A_193 = arith.constant 0 : i32
        %dma_start3A_194 = tpu.memref_slice %arg2[%dma_start3A_192, %dma_start3A_193] : memref<10240x128xf32, #tpu.memory_space<hbm>> -> memref<10240x128xf32, #tpu.memory_space<hbm>>
        tpu.enqueue_indirect_dma source(%dma_start3A_194 : memref<10240x128xf32, #tpu.memory_space<hbm>>) target(%arg11 : memref<128x128xf32, #tpu.memory_space<vmem>>) offsets(%dma_start3A_191 : memref<128xi32, #tpu.memory_space<vmem>>) semaphore(%arg18 : memref<!tpu.dma_semaphore, #tpu.memory_space<semaphore_mem>>)
      } else {
      }
      %add3A_173 = arith.constant 4 : i32
      %add3A_174 = arith.addi %add3A_158, %add3A_173 : i32
      %lt3A_175 = arith.cmpi slt, %add3A_174, %select_n3A : i32
      %convert_element_type3A_176 = arith.extui %lt3A_175 : i1 to i32
      %cond3A_177 = arith.constant 0 : i32
      %cond3A_178 = arith.cmpi ne, %convert_element_type3A_176, %cond3A_177 : i32
      scf.if %cond3A_178 {
        %add3A_179 = arith.constant 4 : i32
        %add3A_180 = arith.addi %add3A_158, %add3A_179 : i32
        %add3A_181 = arith.addi %select_n3A_8, %add3A_180 : i32
        %mul3A_182 = arith.constant 2 : i32
        %mul3A_183 = arith.muli %mul3A_182, %add3A_181 : i32
        %dma_start3A_184 = arith.constant 0 : i32
        %dma_start3A_185 = tpu.memref_slice %arg3[%mul3A_183, %dma_start3A_184] : memref<5120x128xi32, #tpu.memory_space<hbm>> -> memref<2x128xi32, #tpu.memory_space<hbm>>
        %dma_start3A_186 = arith.constant 0 : i32
        %dma_start3A_187 = tpu.memref_slice %arg3[%mul3A_183, %dma_start3A_186] : memref<5120x128xi32, #tpu.memory_space<hbm>> -> memref<2x128xi32, #tpu.memory_space<hbm>>
        tpu.enqueue_dma source(%dma_start3A_187 : memref<2x128xi32, #tpu.memory_space<hbm>>) target(%arg9 : memref<2x128xi32, #tpu.memory_space<vmem>>) target_semaphore(%arg16 : memref<!tpu.dma_semaphore, #tpu.memory_space<semaphore_mem>>)
      } else {
      }
    }
    %while3A_86 = arith.constant 1 : i32
    scf.for %while3A_92 = %while3A_84 to %while3A_80 step %while3A_86  : i32 {
      %mul3A_93 = arith.muli %while3A_92, %while3A : i32
      %add3A_94 = arith.addi %while3A_77, %mul3A_93 : i32
      %add3A_95 = arith.constant 0 : i32
      %add3A_96 = arith.addi %add3A_94, %add3A_95 : i32
      %dma_wait3A_97 = arith.constant 0 : i32
      %dma_wait3A_98 = arith.constant 0 : i32
      %dma_wait3A_99 = tpu.memref_slice %arg6[%dma_wait3A_97, %dma_wait3A_98] : memref<2x128xi32, #tpu.memory_space<vmem>> -> memref<1x128xi32, #tpu.memory_space<vmem>>
      %dma_wait3A_100 = tpu.memref_squeeze %dma_wait3A_99 : memref<1x128xi32, #tpu.memory_space<vmem>> -> memref<128xi32, #tpu.memory_space<vmem>>
      %dma_wait3A_101 = arith.constant 0 : i32
      %dma_wait3A_102 = arith.constant 0 : i32
      %dma_wait3A_103 = tpu.memref_slice %arg2[%dma_wait3A_101, %dma_wait3A_102] : memref<10240x128xf32, #tpu.memory_space<hbm>> -> memref<10240x128xf32, #tpu.memory_space<hbm>>
      tpu.wait_indirect_dma semaphore(%arg17 : memref<!tpu.dma_semaphore, #tpu.memory_space<semaphore_mem>>) src(%dma_wait3A_103 : memref<10240x128xf32, #tpu.memory_space<hbm>>) dst(%arg10 : memref<128x128xf32, #tpu.memory_space<vmem>>)
      %run_scoped3A = arith.constant 1 : i32
      "tpu.region"() ({
        %run_scoped3A_179 = tpu.sem_alloc : memref<!tpu.dma_semaphore, #tpu.memory_space<semaphore_mem>>
        %dma_start3A_180 = arith.constant 0 : i32
        %dma_start3A_181 = tpu.memref_slice %arg6[%run_scoped3A, %dma_start3A_180] : memref<2x128xi32, #tpu.memory_space<vmem>> -> memref<1x128xi32, #tpu.memory_space<vmem>>
        %dma_start3A_182 = tpu.memref_squeeze %dma_start3A_181 : memref<1x128xi32, #tpu.memory_space<vmem>> -> memref<128xi32, #tpu.memory_space<vmem>>
        %dma_start3A_183 = arith.constant 0 : i32
        %dma_start3A_184 = arith.constant 0 : i32
        %dma_start3A_185 = tpu.memref_slice %arg12[%dma_start3A_183, %dma_start3A_184] : memref<10240x128xf32, #tpu.memory_space<vmem_shared>> -> memref<10240x128xf32, #tpu.memory_space<vmem_shared>>
        tpu.enqueue_indirect_dma source(%arg10 : memref<128x128xf32, #tpu.memory_space<vmem>>) target(%dma_start3A_185 : memref<10240x128xf32, #tpu.memory_space<vmem_shared>>) offsets(%dma_start3A_182 : memref<128xi32, #tpu.memory_space<vmem>>) semaphore(%run_scoped3A_179 : memref<!tpu.dma_semaphore, #tpu.memory_space<semaphore_mem>>) {add = true}
        %dma_wait3A_186 = arith.constant 0 : i32
        %dma_wait3A_187 = tpu.memref_slice %arg6[%run_scoped3A, %dma_wait3A_186] : memref<2x128xi32, #tpu.memory_space<vmem>> -> memref<1x128xi32, #tpu.memory_space<vmem>>
        %dma_wait3A_188 = tpu.memref_squeeze %dma_wait3A_187 : memref<1x128xi32, #tpu.memory_space<vmem>> -> memref<128xi32, #tpu.memory_space<vmem>>
        %dma_wait3A_189 = arith.constant 0 : i32
        %dma_wait3A_190 = arith.constant 0 : i32
        %dma_wait3A_191 = tpu.memref_slice %arg12[%dma_wait3A_189, %dma_wait3A_190] : memref<10240x128xf32, #tpu.memory_space<vmem_shared>> -> memref<10240x128xf32, #tpu.memory_space<vmem_shared>>
        tpu.wait_indirect_dma semaphore(%run_scoped3A_179 : memref<!tpu.dma_semaphore, #tpu.memory_space<semaphore_mem>>) src(%arg10 : memref<128x128xf32, #tpu.memory_space<vmem>>) dst(%dma_wait3A_191 : memref<10240x128xf32, #tpu.memory_space<vmem_shared>>)
        tpu.yield
      }) : () -> ()
      %add3A_104 = arith.constant 2 : i32
      %add3A_105 = arith.addi %add3A_96, %add3A_104 : i32
      %lt3A = arith.cmpi slt, %add3A_105, %select_n3A : i32
      %convert_element_type3A = arith.extui %lt3A : i1 to i32
      %cond3A = arith.constant 0 : i32
      %cond3A_106 = arith.cmpi ne, %convert_element_type3A, %cond3A : i32
      scf.if %cond3A_106 {
        %add3A_179 = arith.constant 2 : i32
        %add3A_180 = arith.addi %add3A_96, %add3A_179 : i32
        %add3A_181 = arith.addi %select_n3A_8, %add3A_180 : i32
        %mul3A_182 = arith.constant 2 : i32
        %mul3A_183 = arith.muli %mul3A_182, %add3A_181 : i32
        %dma_wait3A_184 = arith.constant 0 : i32
        %dma_wait3A_185 = tpu.memref_slice %arg3[%mul3A_183, %dma_wait3A_184] : memref<5120x128xi32, #tpu.memory_space<hbm>> -> memref<2x128xi32, #tpu.memory_space<hbm>>
        %dma_wait3A_186 = arith.constant 0 : i32
        %dma_wait3A_187 = tpu.memref_slice %arg3[%mul3A_183, %dma_wait3A_186] : memref<5120x128xi32, #tpu.memory_space<hbm>> -> memref<2x128xi32, #tpu.memory_space<hbm>>
        tpu.wait_dma2 semaphore(%arg15 : memref<!tpu.dma_semaphore, #tpu.memory_space<semaphore_mem>>) src(%dma_wait3A_187 : memref<2x128xi32, #tpu.memory_space<hbm>>) dst(%arg8 : memref<2x128xi32, #tpu.memory_space<vmem>>)
        %dma_start3A_188 = arith.constant 0 : i32
        %dma_start3A_189 = arith.constant 0 : i32
        %dma_start3A_190 = tpu.memref_slice %arg8[%dma_start3A_188, %dma_start3A_189] : memref<2x128xi32, #tpu.memory_space<vmem>> -> memref<1x128xi32, #tpu.memory_space<vmem>>
        %dma_start3A_191 = tpu.memref_squeeze %dma_start3A_190 : memref<1x128xi32, #tpu.memory_space<vmem>> -> memref<128xi32, #tpu.memory_space<vmem>>
        %dma_start3A_192 = arith.constant 0 : i32
        %dma_start3A_193 = arith.constant 0 : i32
        %dma_start3A_194 = tpu.memref_slice %arg2[%dma_start3A_192, %dma_start3A_193] : memref<10240x128xf32, #tpu.memory_space<hbm>> -> memref<10240x128xf32, #tpu.memory_space<hbm>>
        tpu.enqueue_indirect_dma source(%dma_start3A_194 : memref<10240x128xf32, #tpu.memory_space<hbm>>) target(%arg10 : memref<128x128xf32, #tpu.memory_space<vmem>>) offsets(%dma_start3A_191 : memref<128xi32, #tpu.memory_space<vmem>>) semaphore(%arg17 : memref<!tpu.dma_semaphore, #tpu.memory_space<semaphore_mem>>)
      } else {
      }
      %add3A_107 = arith.constant 4 : i32
      %add3A_108 = arith.addi %add3A_96, %add3A_107 : i32
      %lt3A_109 = arith.cmpi slt, %add3A_108, %select_n3A : i32
      %convert_element_type3A_110 = arith.extui %lt3A_109 : i1 to i32
      %cond3A_111 = arith.constant 0 : i32
      %cond3A_112 = arith.cmpi ne, %convert_element_type3A_110, %cond3A_111 : i32
      scf.if %cond3A_112 {
        %add3A_179 = arith.constant 4 : i32
        %add3A_180 = arith.addi %add3A_96, %add3A_179 : i32
        %add3A_181 = arith.addi %select_n3A_8, %add3A_180 : i32
        %mul3A_182 = arith.constant 2 : i32
        %mul3A_183 = arith.muli %mul3A_182, %add3A_181 : i32
        %dma_start3A_184 = arith.constant 0 : i32
        %dma_start3A_185 = tpu.memref_slice %arg3[%mul3A_183, %dma_start3A_184] : memref<5120x128xi32, #tpu.memory_space<hbm>> -> memref<2x128xi32, #tpu.memory_space<hbm>>
        %dma_start3A_186 = arith.constant 0 : i32
        %dma_start3A_187 = tpu.memref_slice %arg3[%mul3A_183, %dma_start3A_186] : memref<5120x128xi32, #tpu.memory_space<hbm>> -> memref<2x128xi32, #tpu.memory_space<hbm>>
        tpu.enqueue_dma source(%dma_start3A_187 : memref<2x128xi32, #tpu.memory_space<hbm>>) target(%arg6 : memref<2x128xi32, #tpu.memory_space<vmem>>) target_semaphore(%arg13 : memref<!tpu.dma_semaphore, #tpu.memory_space<semaphore_mem>>)
      } else {
      }
      %add3A_113 = arith.constant 1 : i32
      %add3A_114 = arith.addi %add3A_94, %add3A_113 : i32
      %dma_wait3A_115 = arith.constant 0 : i32
      %dma_wait3A_116 = arith.constant 0 : i32
      %dma_wait3A_117 = tpu.memref_slice %arg7[%dma_wait3A_115, %dma_wait3A_116] : memref<2x128xi32, #tpu.memory_space<vmem>> -> memref<1x128xi32, #tpu.memory_space<vmem>>
      %dma_wait3A_118 = tpu.memref_squeeze %dma_wait3A_117 : memref<1x128xi32, #tpu.memory_space<vmem>> -> memref<128xi32, #tpu.memory_space<vmem>>
      %dma_wait3A_119 = arith.constant 0 : i32
      %dma_wait3A_120 = arith.constant 0 : i32
      %dma_wait3A_121 = tpu.memref_slice %arg2[%dma_wait3A_119, %dma_wait3A_120] : memref<10240x128xf32, #tpu.memory_space<hbm>> -> memref<10240x128xf32, #tpu.memory_space<hbm>>
      tpu.wait_indirect_dma semaphore(%arg18 : memref<!tpu.dma_semaphore, #tpu.memory_space<semaphore_mem>>) src(%dma_wait3A_121 : memref<10240x128xf32, #tpu.memory_space<hbm>>) dst(%arg11 : memref<128x128xf32, #tpu.memory_space<vmem>>)
      %run_scoped3A_122 = arith.constant 1 : i32
      "tpu.region"() ({
        %run_scoped3A_179 = tpu.sem_alloc : memref<!tpu.dma_semaphore, #tpu.memory_space<semaphore_mem>>
        %dma_start3A_180 = arith.constant 0 : i32
        %dma_start3A_181 = tpu.memref_slice %arg7[%run_scoped3A_122, %dma_start3A_180] : memref<2x128xi32, #tpu.memory_space<vmem>> -> memref<1x128xi32, #tpu.memory_space<vmem>>
        %dma_start3A_182 = tpu.memref_squeeze %dma_start3A_181 : memref<1x128xi32, #tpu.memory_space<vmem>> -> memref<128xi32, #tpu.memory_space<vmem>>
        %dma_start3A_183 = arith.constant 0 : i32
        %dma_start3A_184 = arith.constant 0 : i32
        %dma_start3A_185 = tpu.memref_slice %arg12[%dma_start3A_183, %dma_start3A_184] : memref<10240x128xf32, #tpu.memory_space<vmem_shared>> -> memref<10240x128xf32, #tpu.memory_space<vmem_shared>>
        tpu.enqueue_indirect_dma source(%arg11 : memref<128x128xf32, #tpu.memory_space<vmem>>) target(%dma_start3A_185 : memref<10240x128xf32, #tpu.memory_space<vmem_shared>>) offsets(%dma_start3A_182 : memref<128xi32, #tpu.memory_space<vmem>>) semaphore(%run_scoped3A_179 : memref<!tpu.dma_semaphore, #tpu.memory_space<semaphore_mem>>) {add = true}
        %dma_wait3A_186 = arith.constant 0 : i32
        %dma_wait3A_187 = tpu.memref_slice %arg7[%run_scoped3A_122, %dma_wait3A_186] : memref<2x128xi32, #tpu.memory_space<vmem>> -> memref<1x128xi32, #tpu.memory_space<vmem>>
        %dma_wait3A_188 = tpu.memref_squeeze %dma_wait3A_187 : memref<1x128xi32, #tpu.memory_space<vmem>> -> memref<128xi32, #tpu.memory_space<vmem>>
        %dma_wait3A_189 = arith.constant 0 : i32
        %dma_wait3A_190 = arith.constant 0 : i32
        %dma_wait3A_191 = tpu.memref_slice %arg12[%dma_wait3A_189, %dma_wait3A_190] : memref<10240x128xf32, #tpu.memory_space<vmem_shared>> -> memref<10240x128xf32, #tpu.memory_space<vmem_shared>>
        tpu.wait_indirect_dma semaphore(%run_scoped3A_179 : memref<!tpu.dma_semaphore, #tpu.memory_space<semaphore_mem>>) src(%arg11 : memref<128x128xf32, #tpu.memory_space<vmem>>) dst(%dma_wait3A_191 : memref<10240x128xf32, #tpu.memory_space<vmem_shared>>)
        tpu.yield
      }) : () -> ()
      %add3A_123 = arith.constant 2 : i32
      %add3A_124 = arith.addi %add3A_114, %add3A_123 : i32
      %lt3A_125 = arith.cmpi slt, %add3A_124, %select_n3A : i32
      %convert_element_type3A_126 = arith.extui %lt3A_125 : i1 to i32
      %cond3A_127 = arith.constant 0 : i32
      %cond3A_128 = arith.cmpi ne, %convert_element_type3A_126, %cond3A_127 : i32
      scf.if %cond3A_128 {
        %add3A_179 = arith.constant 2 : i32
        %add3A_180 = arith.addi %add3A_114, %add3A_179 : i32
        %add3A_181 = arith.addi %select_n3A_8, %add3A_180 : i32
        %mul3A_182 = arith.constant 2 : i32
        %mul3A_183 = arith.muli %mul3A_182, %add3A_181 : i32
        %dma_wait3A_184 = arith.constant 0 : i32
        %dma_wait3A_185 = tpu.memref_slice %arg3[%mul3A_183, %dma_wait3A_184] : memref<5120x128xi32, #tpu.memory_space<hbm>> -> memref<2x128xi32, #tpu.memory_space<hbm>>
        %dma_wait3A_186 = arith.constant 0 : i32
        %dma_wait3A_187 = tpu.memref_slice %arg3[%mul3A_183, %dma_wait3A_186] : memref<5120x128xi32, #tpu.memory_space<hbm>> -> memref<2x128xi32, #tpu.memory_space<hbm>>
        tpu.wait_dma2 semaphore(%arg16 : memref<!tpu.dma_semaphore, #tpu.memory_space<semaphore_mem>>) src(%dma_wait3A_187 : memref<2x128xi32, #tpu.memory_space<hbm>>) dst(%arg9 : memref<2x128xi32, #tpu.memory_space<vmem>>)
        %dma_start3A_188 = arith.constant 0 : i32
        %dma_start3A_189 = arith.constant 0 : i32
        %dma_start3A_190 = tpu.memref_slice %arg9[%dma_start3A_188, %dma_start3A_189] : memref<2x128xi32, #tpu.memory_space<vmem>> -> memref<1x128xi32, #tpu.memory_space<vmem>>
        %dma_start3A_191 = tpu.memref_squeeze %dma_start3A_190 : memref<1x128xi32, #tpu.memory_space<vmem>> -> memref<128xi32, #tpu.memory_space<vmem>>
        %dma_start3A_192 = arith.constant 0 : i32
        %dma_start3A_193 = arith.constant 0 : i32
        %dma_start3A_194 = tpu.memref_slice %arg2[%dma_start3A_192, %dma_start3A_193] : memref<10240x128xf32, #tpu.memory_space<hbm>> -> memref<10240x128xf32, #tpu.memory_space<hbm>>
        tpu.enqueue_indirect_dma source(%dma_start3A_194 : memref<10240x128xf32, #tpu.memory_space<hbm>>) target(%arg11 : memref<128x128xf32, #tpu.memory_space<vmem>>) offsets(%dma_start3A_191 : memref<128xi32, #tpu.memory_space<vmem>>) semaphore(%arg18 : memref<!tpu.dma_semaphore, #tpu.memory_space<semaphore_mem>>)
      } else {
      }
      %add3A_129 = arith.constant 4 : i32
      %add3A_130 = arith.addi %add3A_114, %add3A_129 : i32
      %lt3A_131 = arith.cmpi slt, %add3A_130, %select_n3A : i32
      %convert_element_type3A_132 = arith.extui %lt3A_131 : i1 to i32
      %cond3A_133 = arith.constant 0 : i32
      %cond3A_134 = arith.cmpi ne, %convert_element_type3A_132, %cond3A_133 : i32
      scf.if %cond3A_134 {
        %add3A_179 = arith.constant 4 : i32
        %add3A_180 = arith.addi %add3A_114, %add3A_179 : i32
        %add3A_181 = arith.addi %select_n3A_8, %add3A_180 : i32
        %mul3A_182 = arith.constant 2 : i32
        %mul3A_183 = arith.muli %mul3A_182, %add3A_181 : i32
        %dma_start3A_184 = arith.constant 0 : i32
        %dma_start3A_185 = tpu.memref_slice %arg3[%mul3A_183, %dma_start3A_184] : memref<5120x128xi32, #tpu.memory_space<hbm>> -> memref<2x128xi32, #tpu.memory_space<hbm>>
        %dma_start3A_186 = arith.constant 0 : i32
        %dma_start3A_187 = tpu.memref_slice %arg3[%mul3A_183, %dma_start3A_186] : memref<5120x128xi32, #tpu.memory_space<hbm>> -> memref<2x128xi32, #tpu.memory_space<hbm>>
        tpu.enqueue_dma source(%dma_start3A_187 : memref<2x128xi32, #tpu.memory_space<hbm>>) target(%arg7 : memref<2x128xi32, #tpu.memory_space<vmem>>) target_semaphore(%arg14 : memref<!tpu.dma_semaphore, #tpu.memory_space<semaphore_mem>>)
      } else {
      }
      %add3A_135 = arith.constant 2 : i32
      %add3A_136 = arith.addi %add3A_94, %add3A_135 : i32
      %dma_wait3A_137 = arith.constant 0 : i32
      %dma_wait3A_138 = arith.constant 0 : i32
      %dma_wait3A_139 = tpu.memref_slice %arg8[%dma_wait3A_137, %dma_wait3A_138] : memref<2x128xi32, #tpu.memory_space<vmem>> -> memref<1x128xi32, #tpu.memory_space<vmem>>
      %dma_wait3A_140 = tpu.memref_squeeze %dma_wait3A_139 : memref<1x128xi32, #tpu.memory_space<vmem>> -> memref<128xi32, #tpu.memory_space<vmem>>
      %dma_wait3A_141 = arith.constant 0 : i32
      %dma_wait3A_142 = arith.constant 0 : i32
      %dma_wait3A_143 = tpu.memref_slice %arg2[%dma_wait3A_141, %dma_wait3A_142] : memref<10240x128xf32, #tpu.memory_space<hbm>> -> memref<10240x128xf32, #tpu.memory_space<hbm>>
      tpu.wait_indirect_dma semaphore(%arg17 : memref<!tpu.dma_semaphore, #tpu.memory_space<semaphore_mem>>) src(%dma_wait3A_143 : memref<10240x128xf32, #tpu.memory_space<hbm>>) dst(%arg10 : memref<128x128xf32, #tpu.memory_space<vmem>>)
      %run_scoped3A_144 = arith.constant 1 : i32
      "tpu.region"() ({
        %run_scoped3A_179 = tpu.sem_alloc : memref<!tpu.dma_semaphore, #tpu.memory_space<semaphore_mem>>
        %dma_start3A_180 = arith.constant 0 : i32
        %dma_start3A_181 = tpu.memref_slice %arg8[%run_scoped3A_144, %dma_start3A_180] : memref<2x128xi32, #tpu.memory_space<vmem>> -> memref<1x128xi32, #tpu.memory_space<vmem>>
        %dma_start3A_182 = tpu.memref_squeeze %dma_start3A_181 : memref<1x128xi32, #tpu.memory_space<vmem>> -> memref<128xi32, #tpu.memory_space<vmem>>
        %dma_start3A_183 = arith.constant 0 : i32
        %dma_start3A_184 = arith.constant 0 : i32
        %dma_start3A_185 = tpu.memref_slice %arg12[%dma_start3A_183, %dma_start3A_184] : memref<10240x128xf32, #tpu.memory_space<vmem_shared>> -> memref<10240x128xf32, #tpu.memory_space<vmem_shared>>
        tpu.enqueue_indirect_dma source(%arg10 : memref<128x128xf32, #tpu.memory_space<vmem>>) target(%dma_start3A_185 : memref<10240x128xf32, #tpu.memory_space<vmem_shared>>) offsets(%dma_start3A_182 : memref<128xi32, #tpu.memory_space<vmem>>) semaphore(%run_scoped3A_179 : memref<!tpu.dma_semaphore, #tpu.memory_space<semaphore_mem>>) {add = true}
        %dma_wait3A_186 = arith.constant 0 : i32
        %dma_wait3A_187 = tpu.memref_slice %arg8[%run_scoped3A_144, %dma_wait3A_186] : memref<2x128xi32, #tpu.memory_space<vmem>> -> memref<1x128xi32, #tpu.memory_space<vmem>>
        %dma_wait3A_188 = tpu.memref_squeeze %dma_wait3A_187 : memref<1x128xi32, #tpu.memory_space<vmem>> -> memref<128xi32, #tpu.memory_space<vmem>>
        %dma_wait3A_189 = arith.constant 0 : i32
        %dma_wait3A_190 = arith.constant 0 : i32
        %dma_wait3A_191 = tpu.memref_slice %arg12[%dma_wait3A_189, %dma_wait3A_190] : memref<10240x128xf32, #tpu.memory_space<vmem_shared>> -> memref<10240x128xf32, #tpu.memory_space<vmem_shared>>
        tpu.wait_indirect_dma semaphore(%run_scoped3A_179 : memref<!tpu.dma_semaphore, #tpu.memory_space<semaphore_mem>>) src(%arg10 : memref<128x128xf32, #tpu.memory_space<vmem>>) dst(%dma_wait3A_191 : memref<10240x128xf32, #tpu.memory_space<vmem_shared>>)
        tpu.yield
      }) : () -> ()
      %add3A_145 = arith.constant 2 : i32
      %add3A_146 = arith.addi %add3A_136, %add3A_145 : i32
      %lt3A_147 = arith.cmpi slt, %add3A_146, %select_n3A : i32
      %convert_element_type3A_148 = arith.extui %lt3A_147 : i1 to i32
      %cond3A_149 = arith.constant 0 : i32
      %cond3A_150 = arith.cmpi ne, %convert_element_type3A_148, %cond3A_149 : i32
      scf.if %cond3A_150 {
        %add3A_179 = arith.constant 2 : i32
        %add3A_180 = arith.addi %add3A_136, %add3A_179 : i32
        %add3A_181 = arith.addi %select_n3A_8, %add3A_180 : i32
        %mul3A_182 = arith.constant 2 : i32
        %mul3A_183 = arith.muli %mul3A_182, %add3A_181 : i32
        %dma_wait3A_184 = arith.constant 0 : i32
        %dma_wait3A_185 = tpu.memref_slice %arg3[%mul3A_183, %dma_wait3A_184] : memref<5120x128xi32, #tpu.memory_space<hbm>> -> memref<2x128xi32, #tpu.memory_space<hbm>>
        %dma_wait3A_186 = arith.constant 0 : i32
        %dma_wait3A_187 = tpu.memref_slice %arg3[%mul3A_183, %dma_wait3A_186] : memref<5120x128xi32, #tpu.memory_space<hbm>> -> memref<2x128xi32, #tpu.memory_space<hbm>>
        tpu.wait_dma2 semaphore(%arg13 : memref<!tpu.dma_semaphore, #tpu.memory_space<semaphore_mem>>) src(%dma_wait3A_187 : memref<2x128xi32, #tpu.memory_space<hbm>>) dst(%arg6 : memref<2x128xi32, #tpu.memory_space<vmem>>)
        %dma_start3A_188 = arith.constant 0 : i32
        %dma_start3A_189 = arith.constant 0 : i32
        %dma_start3A_190 = tpu.memref_slice %arg6[%dma_start3A_188, %dma_start3A_189] : memref<2x128xi32, #tpu.memory_space<vmem>> -> memref<1x128xi32, #tpu.memory_space<vmem>>
        %dma_start3A_191 = tpu.memref_squeeze %dma_start3A_190 : memref<1x128xi32, #tpu.memory_space<vmem>> -> memref<128xi32, #tpu.memory_space<vmem>>
        %dma_start3A_192 = arith.constant 0 : i32
        %dma_start3A_193 = arith.constant 0 : i32
        %dma_start3A_194 = tpu.memref_slice %arg2[%dma_start3A_192, %dma_start3A_193] : memref<10240x128xf32, #tpu.memory_space<hbm>> -> memref<10240x128xf32, #tpu.memory_space<hbm>>
        tpu.enqueue_indirect_dma source(%dma_start3A_194 : memref<10240x128xf32, #tpu.memory_space<hbm>>) target(%arg10 : memref<128x128xf32, #tpu.memory_space<vmem>>) offsets(%dma_start3A_191 : memref<128xi32, #tpu.memory_space<vmem>>) semaphore(%arg17 : memref<!tpu.dma_semaphore, #tpu.memory_space<semaphore_mem>>)
      } else {
      }
      %add3A_151 = arith.constant 4 : i32
      %add3A_152 = arith.addi %add3A_136, %add3A_151 : i32
      %lt3A_153 = arith.cmpi slt, %add3A_152, %select_n3A : i32
      %convert_element_type3A_154 = arith.extui %lt3A_153 : i1 to i32
      %cond3A_155 = arith.constant 0 : i32
      %cond3A_156 = arith.cmpi ne, %convert_element_type3A_154, %cond3A_155 : i32
      scf.if %cond3A_156 {
        %add3A_179 = arith.constant 4 : i32
        %add3A_180 = arith.addi %add3A_136, %add3A_179 : i32
        %add3A_181 = arith.addi %select_n3A_8, %add3A_180 : i32
        %mul3A_182 = arith.constant 2 : i32
        %mul3A_183 = arith.muli %mul3A_182, %add3A_181 : i32
        %dma_start3A_184 = arith.constant 0 : i32
        %dma_start3A_185 = tpu.memref_slice %arg3[%mul3A_183, %dma_start3A_184] : memref<5120x128xi32, #tpu.memory_space<hbm>> -> memref<2x128xi32, #tpu.memory_space<hbm>>
        %dma_start3A_186 = arith.constant 0 : i32
        %dma_start3A_187 = tpu.memref_slice %arg3[%mul3A_183, %dma_start3A_186] : memref<5120x128xi32, #tpu.memory_space<hbm>> -> memref<2x128xi32, #tpu.memory_space<hbm>>
        tpu.enqueue_dma source(%dma_start3A_187 : memref<2x128xi32, #tpu.memory_space<hbm>>) target(%arg8 : memref<2x128xi32, #tpu.memory_space<vmem>>) target_semaphore(%arg15 : memref<!tpu.dma_semaphore, #tpu.memory_space<semaphore_mem>>)
      } else {
      }
      %add3A_157 = arith.constant 3 : i32
      %add3A_158 = arith.addi %add3A_94, %add3A_157 : i32
      %dma_wait3A_159 = arith.constant 0 : i32
      %dma_wait3A_160 = arith.constant 0 : i32
      %dma_wait3A_161 = tpu.memref_slice %arg9[%dma_wait3A_159, %dma_wait3A_160] : memref<2x128xi32, #tpu.memory_space<vmem>> -> memref<1x128xi32, #tpu.memory_space<vmem>>
      %dma_wait3A_162 = tpu.memref_squeeze %dma_wait3A_161 : memref<1x128xi32, #tpu.memory_space<vmem>> -> memref<128xi32, #tpu.memory_space<vmem>>
      %dma_wait3A_163 = arith.constant 0 : i32
      %dma_wait3A_164 = arith.constant 0 : i32
      %dma_wait3A_165 = tpu.memref_slice %arg2[%dma_wait3A_163, %dma_wait3A_164] : memref<10240x128xf32, #tpu.memory_space<hbm>> -> memref<10240x128xf32, #tpu.memory_space<hbm>>
      tpu.wait_indirect_dma semaphore(%arg18 : memref<!tpu.dma_semaphore, #tpu.memory_space<semaphore_mem>>) src(%dma_wait3A_165 : memref<10240x128xf32, #tpu.memory_space<hbm>>) dst(%arg11 : memref<128x128xf32, #tpu.memory_space<vmem>>)
      %run_scoped3A_166 = arith.constant 1 : i32
      "tpu.region"() ({
        %run_scoped3A_179 = tpu.sem_alloc : memref<!tpu.dma_semaphore, #tpu.memory_space<semaphore_mem>>
        %dma_start3A_180 = arith.constant 0 : i32
        %dma_start3A_181 = tpu.memref_slice %arg9[%run_scoped3A_166, %dma_start3A_180] : memref<2x128xi32, #tpu.memory_space<vmem>> -> memref<1x128xi32, #tpu.memory_space<vmem>>
        %dma_start3A_182 = tpu.memref_squeeze %dma_start3A_181 : memref<1x128xi32, #tpu.memory_space<vmem>> -> memref<128xi32, #tpu.memory_space<vmem>>
        %dma_start3A_183 = arith.constant 0 : i32
        %dma_start3A_184 = arith.constant 0 : i32
        %dma_start3A_185 = tpu.memref_slice %arg12[%dma_start3A_183, %dma_start3A_184] : memref<10240x128xf32, #tpu.memory_space<vmem_shared>> -> memref<10240x128xf32, #tpu.memory_space<vmem_shared>>
        tpu.enqueue_indirect_dma source(%arg11 : memref<128x128xf32, #tpu.memory_space<vmem>>) target(%dma_start3A_185 : memref<10240x128xf32, #tpu.memory_space<vmem_shared>>) offsets(%dma_start3A_182 : memref<128xi32, #tpu.memory_space<vmem>>) semaphore(%run_scoped3A_179 : memref<!tpu.dma_semaphore, #tpu.memory_space<semaphore_mem>>) {add = true}
        %dma_wait3A_186 = arith.constant 0 : i32
        %dma_wait3A_187 = tpu.memref_slice %arg9[%run_scoped3A_166, %dma_wait3A_186] : memref<2x128xi32, #tpu.memory_space<vmem>> -> memref<1x128xi32, #tpu.memory_space<vmem>>
        %dma_wait3A_188 = tpu.memref_squeeze %dma_wait3A_187 : memref<1x128xi32, #tpu.memory_space<vmem>> -> memref<128xi32, #tpu.memory_space<vmem>>
        %dma_wait3A_189 = arith.constant 0 : i32
        %dma_wait3A_190 = arith.constant 0 : i32
        %dma_wait3A_191 = tpu.memref_slice %arg12[%dma_wait3A_189, %dma_wait3A_190] : memref<10240x128xf32, #tpu.memory_space<vmem_shared>> -> memref<10240x128xf32, #tpu.memory_space<vmem_shared>>
        tpu.wait_indirect_dma semaphore(%run_scoped3A_179 : memref<!tpu.dma_semaphore, #tpu.memory_space<semaphore_mem>>) src(%arg11 : memref<128x128xf32, #tpu.memory_space<vmem>>) dst(%dma_wait3A_191 : memref<10240x128xf32, #tpu.memory_space<vmem_shared>>)
        tpu.yield
      }) : () -> ()
      %add3A_167 = arith.constant 2 : i32
      %add3A_168 = arith.addi %add3A_158, %add3A_167 : i32
      %lt3A_169 = arith.cmpi slt, %add3A_168, %select_n3A : i32
      %convert_element_type3A_170 = arith.extui %lt3A_169 : i1 to i32
      %cond3A_171 = arith.constant 0 : i32
      %cond3A_172 = arith.cmpi ne, %convert_element_type3A_170, %cond3A_171 : i32
      scf.if %cond3A_172 {
        %add3A_179 = arith.constant 2 : i32
        %add3A_180 = arith.addi %add3A_158, %add3A_179 : i32
        %add3A_181 = arith.addi %select_n3A_8, %add3A_180 : i32
        %mul3A_182 = arith.constant 2 : i32
        %mul3A_183 = arith.muli %mul3A_182, %add3A_181 : i32
        %dma_wait3A_184 = arith.constant 0 : i32
        %dma_wait3A_185 = tpu.memref_slice %arg3[%mul3A_183, %dma_wait3A_184] : memref<5120x128xi32, #tpu.memory_space<hbm>> -> memref<2x128xi32, #tpu.memory_space<hbm>>
        %dma_wait3A_186 = arith.constant 0 : i32
        %dma_wait3A_187 = tpu.memref_slice %arg3[%mul3A_183, %dma_wait3A_186] : memref<5120x128xi32, #tpu.memory_space<hbm>> -> memref<2x128xi32, #tpu.memory_space<hbm>>
        tpu.wait_dma2 semaphore(%arg14 : memref<!tpu.dma_semaphore, #tpu.memory_space<semaphore_mem>>) src(%dma_wait3A_187 : memref<2x128xi32, #tpu.memory_space<hbm>>) dst(%arg7 : memref<2x128xi32, #tpu.memory_space<vmem>>)
        %dma_start3A_188 = arith.constant 0 : i32
        %dma_start3A_189 = arith.constant 0 : i32
        %dma_start3A_190 = tpu.memref_slice %arg7[%dma_start3A_188, %dma_start3A_189] : memref<2x128xi32, #tpu.memory_space<vmem>> -> memref<1x128xi32, #tpu.memory_space<vmem>>
        %dma_start3A_191 = tpu.memref_squeeze %dma_start3A_190 : memref<1x128xi32, #tpu.memory_space<vmem>> -> memref<128xi32, #tpu.memory_space<vmem>>
        %dma_start3A_192 = arith.constant 0 : i32
        %dma_start3A_193 = arith.constant 0 : i32
        %dma_start3A_194 = tpu.memref_slice %arg2[%dma_start3A_192, %dma_start3A_193] : memref<10240x128xf32, #tpu.memory_space<hbm>> -> memref<10240x128xf32, #tpu.memory_space<hbm>>
        tpu.enqueue_indirect_dma source(%dma_start3A_194 : memref<10240x128xf32, #tpu.memory_space<hbm>>) target(%arg11 : memref<128x128xf32, #tpu.memory_space<vmem>>) offsets(%dma_start3A_191 : memref<128xi32, #tpu.memory_space<vmem>>) semaphore(%arg18 : memref<!tpu.dma_semaphore, #tpu.memory_space<semaphore_mem>>)
      } else {
      }
      %add3A_173 = arith.constant 4 : i32
      %add3A_174 = arith.addi %add3A_158, %add3A_173 : i32
      %lt3A_175 = arith.cmpi slt, %add3A_174, %select_n3A : i32
      %convert_element_type3A_176 = arith.extui %lt3A_175 : i1 to i32
      %cond3A_177 = arith.constant 0 : i32
      %cond3A_178 = arith.cmpi ne, %convert_element_type3A_176, %cond3A_177 : i32
      scf.if %cond3A_178 {
        %add3A_179 = arith.constant 4 : i32
        %add3A_180 = arith.addi %add3A_158, %add3A_179 : i32
        %add3A_181 = arith.addi %select_n3A_8, %add3A_180 : i32
        %mul3A_182 = arith.constant 2 : i32
        %mul3A_183 = arith.muli %mul3A_182, %add3A_181 : i32
        %dma_start3A_184 = arith.constant 0 : i32
        %dma_start3A_185 = tpu.memref_slice %arg3[%mul3A_183, %dma_start3A_184] : memref<5120x128xi32, #tpu.memory_space<hbm>> -> memref<2x128xi32, #tpu.memory_space<hbm>>
        %dma_start3A_186 = arith.constant 0 : i32
        %dma_start3A_187 = tpu.memref_slice %arg3[%mul3A_183, %dma_start3A_186] : memref<5120x128xi32, #tpu.memory_space<hbm>> -> memref<2x128xi32, #tpu.memory_space<hbm>>
        tpu.enqueue_dma source(%dma_start3A_187 : memref<2x128xi32, #tpu.memory_space<hbm>>) target(%arg9 : memref<2x128xi32, #tpu.memory_space<vmem>>) target_semaphore(%arg16 : memref<!tpu.dma_semaphore, #tpu.memory_space<semaphore_mem>>)
      } else {
      }
    }
    %barrier3A_87 = arith.constant 0 : index
    tpu.barrier barrier_id(%barrier3A_87)
    %mul3A_88 = arith.constant 640 : i32
    %mul3A_89 = arith.muli %arg1, %mul3A_88 : i32
    %mul3A_90 = arith.constant 640 : i32
    %mul3A_91 = arith.muli %arg1, %mul3A_90 : i32
    "tpu.region"() ({
      %run_scoped3A = tpu.sem_alloc : memref<!tpu.dma_semaphore, #tpu.memory_space<semaphore_mem>>
      %dma_start3A_92 = arith.constant 0 : i32
      %dma_start3A_93 = tpu.memref_slice %arg5[%arg0, %mul3A_91, %dma_start3A_92] : memref<2x10240x128xf32, #tpu.memory_space<hbm>> -> memref<1x640x128xf32, #tpu.memory_space<hbm>>
      %dma_start3A_94 = tpu.memref_squeeze %dma_start3A_93 : memref<1x640x128xf32, #tpu.memory_space<hbm>> -> memref<640x128xf32, #tpu.memory_space<hbm>>
      %dma_start3A_95 = arith.constant 0 : i32
      %dma_start3A_96 = tpu.memref_slice %arg12[%mul3A_89, %dma_start3A_95] : memref<10240x128xf32, #tpu.memory_space<vmem_shared>> -> memref<640x128xf32, #tpu.memory_space<vmem_shared>>
      tpu.enqueue_dma source(%dma_start3A_96 : memref<640x128xf32, #tpu.memory_space<vmem_shared>>) target(%dma_start3A_94 : memref<640x128xf32, #tpu.memory_space<hbm>>) target_semaphore(%run_scoped3A : memref<!tpu.dma_semaphore, #tpu.memory_space<semaphore_mem>>)
      %dma_wait3A_97 = arith.constant 0 : i32
      %dma_wait3A_98 = tpu.memref_slice %arg5[%arg0, %mul3A_91, %dma_wait3A_97] : memref<2x10240x128xf32, #tpu.memory_space<hbm>> -> memref<1x640x128xf32, #tpu.memory_space<hbm>>
      %dma_wait3A_99 = tpu.memref_squeeze %dma_wait3A_98 : memref<1x640x128xf32, #tpu.memory_space<hbm>> -> memref<640x128xf32, #tpu.memory_space<hbm>>
      %dma_wait3A_100 = arith.constant 0 : i32
      %dma_wait3A_101 = tpu.memref_slice %arg12[%mul3A_89, %dma_wait3A_100] : memref<10240x128xf32, #tpu.memory_space<vmem_shared>> -> memref<640x128xf32, #tpu.memory_space<vmem_shared>>
      tpu.wait_dma2 semaphore(%run_scoped3A : memref<!tpu.dma_semaphore, #tpu.memory_space<semaphore_mem>>) src(%dma_wait3A_101 : memref<640x128xf32, #tpu.memory_space<vmem_shared>>) dst(%dma_wait3A_99 : memref<640x128xf32, #tpu.memory_space<hbm>>)
      tpu.yield
    }) : () -> ()
    return
  }
}

#map = affine_map<(d0, d1) -> (0, 0)>
#map1 = affine_map<(d0, d1) -> (0, 0, 0)>
module attributes {stable_mosaic.version = 14 : i64} {
  func.func @_scatter_kernel(%arg0: i32, %arg1: i32, %arg2: memref<10240x128xf32, #tpu.memory_space<hbm>>, %arg3: memref<5120x128xi32, #tpu.memory_space<hbm>>, %arg4: memref<640x128xf32, #tpu.memory_space<hbm>>, %arg5: memref<2x10240x128xf32, #tpu.memory_space<hbm>>, %arg6: memref<2x128xi32, #tpu.memory_space<vmem>>, %arg7: memref<2x128xi32, #tpu.memory_space<vmem>>, %arg8: memref<2x128xi32, #tpu.memory_space<vmem>>, %arg9: memref<2x128xi32, #tpu.memory_space<vmem>>, %arg10: memref<128x128xf32, #tpu.memory_space<vmem>>, %arg11: memref<128x128xf32, #tpu.memory_space<vmem>>, %arg12: memref<10240x128xf32, #tpu.memory_space<vmem_shared>>, %arg13: memref<!tpu.dma_semaphore, #tpu.memory_space<semaphore_mem>>, %arg14: memref<!tpu.dma_semaphore, #tpu.memory_space<semaphore_mem>>, %arg15: memref<!tpu.dma_semaphore, #tpu.memory_space<semaphore_mem>>, %arg16: memref<!tpu.dma_semaphore, #tpu.memory_space<semaphore_mem>>, %arg17: memref<!tpu.dma_semaphore, #tpu.memory_space<semaphore_mem>>, %arg18: memref<!tpu.dma_semaphore, #tpu.memory_space<semaphore_mem>>) attributes {dimension_semantics = [#tpu.dimension_semantics<core_parallel>, #tpu.dimension_semantics<subcore_parallel>], iteration_bounds = array<i64: 2, 16>, scalar_prefetch = 0 : i64, scratch_operands = 13 : i64, tpu.core_type = #tpu.core_type<sc_vector_subcore>, window_params = [{transform_indices = #map}, {transform_indices = #map}, {transform_indices = #map}, {transform_indices = #map1}]} {
    %eq3A = arith.constant 0 : i32
    %eq3A_0 = arith.cmpi eq, %arg0, %eq3A : i32
    %jit3A = arith.constant 132 : i32
    %jit3A_1 = arith.constant 28 : i32
    %select_n3A = arith.select %eq3A_0, %jit3A, %jit3A_1 : i32
    %eq3A_2 = arith.constant 0 : i32
    %eq3A_3 = arith.cmpi eq, %arg0, %eq3A_2 : i32
    %mul3A = arith.constant 132 : i32
    %mul3A_4 = arith.muli %arg1, %mul3A : i32
    %mul3A_5 = arith.constant 28 : i32
    %mul3A_6 = arith.muli %arg1, %mul3A_5 : i32
    %add3A = arith.constant 2112 : i32
    %add3A_7 = arith.addi %add3A, %mul3A_6 : i32
    %select_n3A_8 = arith.select %eq3A_3, %mul3A_4, %add3A_7 : i32
    %mul3A_9 = arith.constant 640 : i32
    %mul3A_10 = arith.muli %arg1, %mul3A_9 : i32
    "tpu.region"() ({
      %run_scoped3A = tpu.sem_alloc : memref<!tpu.dma_semaphore, #tpu.memory_space<semaphore_mem>>
      %dma_start3A_92 = arith.constant 0 : i32
      %dma_start3A_93 = tpu.memref_slice %arg12[%mul3A_10, %dma_start3A_92] : memref<10240x128xf32, #tpu.memory_space<vmem_shared>> -> memref<640x128xf32, #tpu.memory_space<vmem_shared>>
      tpu.enqueue_dma source(%arg4 : memref<640x128xf32, #tpu.memory_space<hbm>>) target(%dma_start3A_93 : memref<640x128xf32, #tpu.memory_space<vmem_shared>>) target_semaphore(%run_scoped3A : memref<!tpu.dma_semaphore, #tpu.memory_space<semaphore_mem>>)
      %dma_wait3A_94 = arith.constant 0 : i32
      %dma_wait3A_95 = tpu.memref_slice %arg12[%mul3A_10, %dma_wait3A_94] : memref<10240x128xf32, #tpu.memory_space<vmem_shared>> -> memref<640x128xf32, #tpu.memory_space<vmem_shared>>
      tpu.wait_dma2 semaphore(%run_scoped3A : memref<!tpu.dma_semaphore, #tpu.memory_space<semaphore_mem>>) src(%arg4 : memref<640x128xf32, #tpu.memory_space<hbm>>) dst(%dma_wait3A_95 : memref<640x128xf32, #tpu.memory_space<vmem_shared>>)
      tpu.yield
    }) : () -> ()
    %add3A_11 = arith.constant 0 : i32
    %add3A_12 = arith.addi %select_n3A_8, %add3A_11 : i32
    %mul3A_13 = arith.constant 2 : i32
    %mul3A_14 = arith.muli %mul3A_13, %add3A_12 : i32
    %dma_start3A = arith.constant 0 : i32
    %dma_start3A_15 = tpu.memref_slice %arg3[%mul3A_14, %dma_start3A] : memref<5120x128xi32, #tpu.memory_space<hbm>> -> memref<2x128xi32, #tpu.memory_space<hbm>>
    %dma_start3A_16 = arith.constant 0 : i32
    %dma_start3A_17 = tpu.memref_slice %arg3[%mul3A_14, %dma_start3A_16] : memref<5120x128xi32, #tpu.memory_space<hbm>> -> memref<2x128xi32, #tpu.memory_space<hbm>>
    tpu.enqueue_dma source(%dma_start3A_17 : memref<2x128xi32, #tpu.memory_space<hbm>>) target(%arg6 : memref<2x128xi32, #tpu.memory_space<vmem>>) target_semaphore(%arg13 : memref<!tpu.dma_semaphore, #tpu.memory_space<semaphore_mem>>)
    %add3A_18 = arith.constant 1 : i32
    %add3A_19 = arith.addi %select_n3A_8, %add3A_18 : i32
    %mul3A_20 = arith.constant 2 : i32
    %mul3A_21 = arith.muli %mul3A_20, %add3A_19 : i32
    %dma_start3A_22 = arith.constant 0 : i32
    %dma_start3A_23 = tpu.memref_slice %arg3[%mul3A_21, %dma_start3A_22] : memref<5120x128xi32, #tpu.memory_space<hbm>> -> memref<2x128xi32, #tpu.memory_space<hbm>>
    %dma_start3A_24 = arith.constant 0 : i32
    %dma_start3A_25 = tpu.memref_slice %arg3[%mul3A_21, %dma_start3A_24] : memref<5120x128xi32, #tpu.memory_space<hbm>> -> memref<2x128xi32, #tpu.memory_space<hbm>>
    tpu.enqueue_dma source(%dma_start3A_25 : memref<2x128xi32, #tpu.memory_space<hbm>>) target(%arg7 : memref<2x128xi32, #tpu.memory_space<vmem>>) target_semaphore(%arg14 : memref<!tpu.dma_semaphore, #tpu.memory_space<semaphore_mem>>)
    %add3A_26 = arith.constant 2 : i32
    %add3A_27 = arith.addi %select_n3A_8, %add3A_26 : i32
    %mul3A_28 = arith.constant 2 : i32
    %mul3A_29 = arith.muli %mul3A_28, %add3A_27 : i32
    %dma_start3A_30 = arith.constant 0 : i32
    %dma_start3A_31 = tpu.memref_slice %arg3[%mul3A_29, %dma_start3A_30] : memref<5120x128xi32, #tpu.memory_space<hbm>> -> memref<2x128xi32, #tpu.memory_space<hbm>>
    %dma_start3A_32 = arith.constant 0 : i32
    %dma_start3A_33 = tpu.memref_slice %arg3[%mul3A_29, %dma_start3A_32] : memref<5120x128xi32, #tpu.memory_space<hbm>> -> memref<2x128xi32, #tpu.memory_space<hbm>>
    tpu.enqueue_dma source(%dma_start3A_33 : memref<2x128xi32, #tpu.memory_space<hbm>>) target(%arg8 : memref<2x128xi32, #tpu.memory_space<vmem>>) target_semaphore(%arg15 : memref<!tpu.dma_semaphore, #tpu.memory_space<semaphore_mem>>)
    %add3A_34 = arith.constant 3 : i32
    %add3A_35 = arith.addi %select_n3A_8, %add3A_34 : i32
    %mul3A_36 = arith.constant 2 : i32
    %mul3A_37 = arith.muli %mul3A_36, %add3A_35 : i32
    %dma_start3A_38 = arith.constant 0 : i32
    %dma_start3A_39 = tpu.memref_slice %arg3[%mul3A_37, %dma_start3A_38] : memref<5120x128xi32, #tpu.memory_space<hbm>> -> memref<2x128xi32, #tpu.memory_space<hbm>>
    %dma_start3A_40 = arith.constant 0 : i32
    %dma_start3A_41 = tpu.memref_slice %arg3[%mul3A_37, %dma_start3A_40] : memref<5120x128xi32, #tpu.memory_space<hbm>> -> memref<2x128xi32, #tpu.memory_space<hbm>>
    tpu.enqueue_dma source(%dma_start3A_41 : memref<2x128xi32, #tpu.memory_space<hbm>>) target(%arg9 : memref<2x128xi32, #tpu.memory_space<vmem>>) target_semaphore(%arg16 : memref<!tpu.dma_semaphore, #tpu.memory_space<semaphore_mem>>)
    %add3A_42 = arith.constant 0 : i32
    %add3A_43 = arith.addi %select_n3A_8, %add3A_42 : i32
    %mul3A_44 = arith.constant 2 : i32
    %mul3A_45 = arith.muli %mul3A_44, %add3A_43 : i32
    %dma_wait3A = arith.constant 0 : i32
    %dma_wait3A_46 = tpu.memref_slice %arg3[%mul3A_45, %dma_wait3A] : memref<5120x128xi32, #tpu.memory_space<hbm>> -> memref<2x128xi32, #tpu.memory_space<hbm>>
    %dma_wait3A_47 = arith.constant 0 : i32
    %dma_wait3A_48 = tpu.memref_slice %arg3[%mul3A_45, %dma_wait3A_47] : memref<5120x128xi32, #tpu.memory_space<hbm>> -> memref<2x128xi32, #tpu.memory_space<hbm>>
    tpu.wait_dma2 semaphore(%arg13 : memref<!tpu.dma_semaphore, #tpu.memory_space<semaphore_mem>>) src(%dma_wait3A_48 : memref<2x128xi32, #tpu.memory_space<hbm>>) dst(%arg6 : memref<2x128xi32, #tpu.memory_space<vmem>>)
    %add3A_49 = arith.constant 1 : i32
    %add3A_50 = arith.addi %select_n3A_8, %add3A_49 : i32
    %mul3A_51 = arith.constant 2 : i32
    %mul3A_52 = arith.muli %mul3A_51, %add3A_50 : i32
    %dma_wait3A_53 = arith.constant 0 : i32
    %dma_wait3A_54 = tpu.memref_slice %arg3[%mul3A_52, %dma_wait3A_53] : memref<5120x128xi32, #tpu.memory_space<hbm>> -> memref<2x128xi32, #tpu.memory_space<hbm>>
    %dma_wait3A_55 = arith.constant 0 : i32
    %dma_wait3A_56 = tpu.memref_slice %arg3[%mul3A_52, %dma_wait3A_55] : memref<5120x128xi32, #tpu.memory_space<hbm>> -> memref<2x128xi32, #tpu.memory_space<hbm>>
    tpu.wait_dma2 semaphore(%arg14 : memref<!tpu.dma_semaphore, #tpu.memory_space<semaphore_mem>>) src(%dma_wait3A_56 : memref<2x128xi32, #tpu.memory_space<hbm>>) dst(%arg7 : memref<2x128xi32, #tpu.memory_space<vmem>>)
    %dma_start3A_57 = arith.constant 0 : i32
    %dma_start3A_58 = arith.constant 0 : i32
    %dma_start3A_59 = tpu.memref_slice %arg6[%dma_start3A_57, %dma_start3A_58] : memref<2x128xi32, #tpu.memory_space<vmem>> -> memref<1x128xi32, #tpu.memory_space<vmem>>
    %dma_start3A_60 = tpu.memref_squeeze %dma_start3A_59 : memref<1x128xi32, #tpu.memory_space<vmem>> -> memref<128xi32, #tpu.memory_space<vmem>>
    %dma_start3A_61 = arith.constant 0 : i32
    %dma_start3A_62 = arith.constant 0 : i32
    %dma_start3A_63 = tpu.memref_slice %arg2[%dma_start3A_61, %dma_start3A_62] : memref<10240x128xf32, #tpu.memory_space<hbm>> -> memref<10240x128xf32, #tpu.memory_space<hbm>>
    tpu.enqueue_indirect_dma source(%dma_start3A_63 : memref<10240x128xf32, #tpu.memory_space<hbm>>) target(%arg10 : memref<128x128xf32, #tpu.memory_space<vmem>>) offsets(%dma_start3A_60 : memref<128xi32, #tpu.memory_space<vmem>>) semaphore(%arg17 : memref<!tpu.dma_semaphore, #tpu.memory_space<semaphore_mem>>)
    %dma_start3A_64 = arith.constant 0 : i32
    %dma_start3A_65 = arith.constant 0 : i32
    %dma_start3A_66 = tpu.memref_slice %arg7[%dma_start3A_64, %dma_start3A_65] : memref<2x128xi32, #tpu.memory_space<vmem>> -> memref<1x128xi32, #tpu.memory_space<vmem>>
    %dma_start3A_67 = tpu.memref_squeeze %dma_start3A_66 : memref<1x128xi32, #tpu.memory_space<vmem>> -> memref<128xi32, #tpu.memory_space<vmem>>
    %dma_start3A_68 = arith.constant 0 : i32
    %dma_start3A_69 = arith.constant 0 : i32
    %dma_start3A_70 = tpu.memref_slice %arg2[%dma_start3A_68, %dma_start3A_69] : memref<10240x128xf32, #tpu.memory_space<hbm>> -> memref<10240x128xf32, #tpu.memory_space<hbm>>
    tpu.enqueue_indirect_dma source(%dma_start3A_70 : memref<10240x128xf32, #tpu.memory_space<hbm>>) target(%arg11 : memref<128x128xf32, #tpu.memory_space<vmem>>) offsets(%dma_start3A_67 : memref<128xi32, #tpu.memory_space<vmem>>) semaphore(%arg18 : memref<!tpu.dma_semaphore, #tpu.memory_space<semaphore_mem>>)
    %barrier3A = arith.constant 0 : index
    tpu.barrier barrier_id(%barrier3A)
    %sub3A = arith.constant 0 : i32
    %sub3A_71 = arith.subi %select_n3A, %sub3A : i32
    %sub3A_72 = arith.constant 4 : i32
    %sub3A_73 = arith.constant 1 : i32
    %sub3A_74 = arith.subi %sub3A_72, %sub3A_73 : i32
    %add3A_75 = arith.addi %sub3A_71, %sub3A_74 : i32
    %div3A = arith.constant 4 : i32
    %div3A_76 = arith.divsi %add3A_75, %div3A : i32
    %while3A = arith.constant 4 : i32
    %while3A_77 = arith.constant 0 : i32
    %while3A_78 = arith.constant 0 : i32
    %while3A_79 = arith.subi %div3A_76, %while3A_78 : i32
    %while3A_80 = arith.addi %while3A_78, %while3A_79 : i32
    %while3A_81 = arith.constant 1 : i32
    %while3A_82 = arith.divsi %while3A_79, %while3A_81 : i32
    %while3A_83 = arith.muli %while3A_82, %while3A_81 : i32
    %while3A_84 = arith.addi %while3A_78, %while3A_83 : i32
    %while3A_85 = arith.constant 1 : i32
    scf.for %while3A_92 = %while3A_78 to %while3A_84 step %while3A_85  : i32 {
      %mul3A_93 = arith.muli %while3A_92, %while3A : i32
      %add3A_94 = arith.addi %while3A_77, %mul3A_93 : i32
      %add3A_95 = arith.constant 0 : i32
      %add3A_96 = arith.addi %add3A_94, %add3A_95 : i32
      %dma_wait3A_97 = arith.constant 0 : i32
      %dma_wait3A_98 = arith.constant 0 : i32
      %dma_wait3A_99 = tpu.memref_slice %arg6[%dma_wait3A_97, %dma_wait3A_98] : memref<2x128xi32, #tpu.memory_space<vmem>> -> memref<1x128xi32, #tpu.memory_space<vmem>>
      %dma_wait3A_100 = tpu.memref_squeeze %dma_wait3A_99 : memref<1x128xi32, #tpu.memory_space<vmem>> -> memref<128xi32, #tpu.memory_space<vmem>>
      %dma_wait3A_101 = arith.constant 0 : i32
      %dma_wait3A_102 = arith.constant 0 : i32
      %dma_wait3A_103 = tpu.memref_slice %arg2[%dma_wait3A_101, %dma_wait3A_102] : memref<10240x128xf32, #tpu.memory_space<hbm>> -> memref<10240x128xf32, #tpu.memory_space<hbm>>
      tpu.wait_indirect_dma semaphore(%arg17 : memref<!tpu.dma_semaphore, #tpu.memory_space<semaphore_mem>>) src(%dma_wait3A_103 : memref<10240x128xf32, #tpu.memory_space<hbm>>) dst(%arg10 : memref<128x128xf32, #tpu.memory_space<vmem>>)
      %run_scoped3A = arith.constant 1 : i32
      "tpu.region"() ({
        %run_scoped3A_179 = tpu.sem_alloc : memref<!tpu.dma_semaphore, #tpu.memory_space<semaphore_mem>>
        %dma_start3A_180 = arith.constant 0 : i32
        %dma_start3A_181 = tpu.memref_slice %arg6[%run_scoped3A, %dma_start3A_180] : memref<2x128xi32, #tpu.memory_space<vmem>> -> memref<1x128xi32, #tpu.memory_space<vmem>>
        %dma_start3A_182 = tpu.memref_squeeze %dma_start3A_181 : memref<1x128xi32, #tpu.memory_space<vmem>> -> memref<128xi32, #tpu.memory_space<vmem>>
        %dma_start3A_183 = arith.constant 0 : i32
        %dma_start3A_184 = arith.constant 0 : i32
        %dma_start3A_185 = tpu.memref_slice %arg12[%dma_start3A_183, %dma_start3A_184] : memref<10240x128xf32, #tpu.memory_space<vmem_shared>> -> memref<10240x128xf32, #tpu.memory_space<vmem_shared>>
        tpu.enqueue_indirect_dma source(%arg10 : memref<128x128xf32, #tpu.memory_space<vmem>>) target(%dma_start3A_185 : memref<10240x128xf32, #tpu.memory_space<vmem_shared>>) offsets(%dma_start3A_182 : memref<128xi32, #tpu.memory_space<vmem>>) semaphore(%run_scoped3A_179 : memref<!tpu.dma_semaphore, #tpu.memory_space<semaphore_mem>>) {add = true}
        %dma_wait3A_186 = arith.constant 0 : i32
        %dma_wait3A_187 = tpu.memref_slice %arg6[%run_scoped3A, %dma_wait3A_186] : memref<2x128xi32, #tpu.memory_space<vmem>> -> memref<1x128xi32, #tpu.memory_space<vmem>>
        %dma_wait3A_188 = tpu.memref_squeeze %dma_wait3A_187 : memref<1x128xi32, #tpu.memory_space<vmem>> -> memref<128xi32, #tpu.memory_space<vmem>>
        %dma_wait3A_189 = arith.constant 0 : i32
        %dma_wait3A_190 = arith.constant 0 : i32
        %dma_wait3A_191 = tpu.memref_slice %arg12[%dma_wait3A_189, %dma_wait3A_190] : memref<10240x128xf32, #tpu.memory_space<vmem_shared>> -> memref<10240x128xf32, #tpu.memory_space<vmem_shared>>
        tpu.wait_indirect_dma semaphore(%run_scoped3A_179 : memref<!tpu.dma_semaphore, #tpu.memory_space<semaphore_mem>>) src(%arg10 : memref<128x128xf32, #tpu.memory_space<vmem>>) dst(%dma_wait3A_191 : memref<10240x128xf32, #tpu.memory_space<vmem_shared>>)
        tpu.yield
      }) : () -> ()
      %add3A_104 = arith.constant 2 : i32
      %add3A_105 = arith.addi %add3A_96, %add3A_104 : i32
      %lt3A = arith.cmpi slt, %add3A_105, %select_n3A : i32
      %convert_element_type3A = arith.extui %lt3A : i1 to i32
      %cond3A = arith.constant 0 : i32
      %cond3A_106 = arith.cmpi ne, %convert_element_type3A, %cond3A : i32
      scf.if %cond3A_106 {
        %add3A_179 = arith.constant 2 : i32
        %add3A_180 = arith.addi %add3A_96, %add3A_179 : i32
        %add3A_181 = arith.addi %select_n3A_8, %add3A_180 : i32
        %mul3A_182 = arith.constant 2 : i32
        %mul3A_183 = arith.muli %mul3A_182, %add3A_181 : i32
        %dma_wait3A_184 = arith.constant 0 : i32
        %dma_wait3A_185 = tpu.memref_slice %arg3[%mul3A_183, %dma_wait3A_184] : memref<5120x128xi32, #tpu.memory_space<hbm>> -> memref<2x128xi32, #tpu.memory_space<hbm>>
        %dma_wait3A_186 = arith.constant 0 : i32
        %dma_wait3A_187 = tpu.memref_slice %arg3[%mul3A_183, %dma_wait3A_186] : memref<5120x128xi32, #tpu.memory_space<hbm>> -> memref<2x128xi32, #tpu.memory_space<hbm>>
        tpu.wait_dma2 semaphore(%arg15 : memref<!tpu.dma_semaphore, #tpu.memory_space<semaphore_mem>>) src(%dma_wait3A_187 : memref<2x128xi32, #tpu.memory_space<hbm>>) dst(%arg8 : memref<2x128xi32, #tpu.memory_space<vmem>>)
        %dma_start3A_188 = arith.constant 0 : i32
        %dma_start3A_189 = arith.constant 0 : i32
        %dma_start3A_190 = tpu.memref_slice %arg8[%dma_start3A_188, %dma_start3A_189] : memref<2x128xi32, #tpu.memory_space<vmem>> -> memref<1x128xi32, #tpu.memory_space<vmem>>
        %dma_start3A_191 = tpu.memref_squeeze %dma_start3A_190 : memref<1x128xi32, #tpu.memory_space<vmem>> -> memref<128xi32, #tpu.memory_space<vmem>>
        %dma_start3A_192 = arith.constant 0 : i32
        %dma_start3A_193 = arith.constant 0 : i32
        %dma_start3A_194 = tpu.memref_slice %arg2[%dma_start3A_192, %dma_start3A_193] : memref<10240x128xf32, #tpu.memory_space<hbm>> -> memref<10240x128xf32, #tpu.memory_space<hbm>>
        tpu.enqueue_indirect_dma source(%dma_start3A_194 : memref<10240x128xf32, #tpu.memory_space<hbm>>) target(%arg10 : memref<128x128xf32, #tpu.memory_space<vmem>>) offsets(%dma_start3A_191 : memref<128xi32, #tpu.memory_space<vmem>>) semaphore(%arg17 : memref<!tpu.dma_semaphore, #tpu.memory_space<semaphore_mem>>)
      } else {
      }
      %add3A_107 = arith.constant 4 : i32
      %add3A_108 = arith.addi %add3A_96, %add3A_107 : i32
      %lt3A_109 = arith.cmpi slt, %add3A_108, %select_n3A : i32
      %convert_element_type3A_110 = arith.extui %lt3A_109 : i1 to i32
      %cond3A_111 = arith.constant 0 : i32
      %cond3A_112 = arith.cmpi ne, %convert_element_type3A_110, %cond3A_111 : i32
      scf.if %cond3A_112 {
        %add3A_179 = arith.constant 4 : i32
        %add3A_180 = arith.addi %add3A_96, %add3A_179 : i32
        %add3A_181 = arith.addi %select_n3A_8, %add3A_180 : i32
        %mul3A_182 = arith.constant 2 : i32
        %mul3A_183 = arith.muli %mul3A_182, %add3A_181 : i32
        %dma_start3A_184 = arith.constant 0 : i32
        %dma_start3A_185 = tpu.memref_slice %arg3[%mul3A_183, %dma_start3A_184] : memref<5120x128xi32, #tpu.memory_space<hbm>> -> memref<2x128xi32, #tpu.memory_space<hbm>>
        %dma_start3A_186 = arith.constant 0 : i32
        %dma_start3A_187 = tpu.memref_slice %arg3[%mul3A_183, %dma_start3A_186] : memref<5120x128xi32, #tpu.memory_space<hbm>> -> memref<2x128xi32, #tpu.memory_space<hbm>>
        tpu.enqueue_dma source(%dma_start3A_187 : memref<2x128xi32, #tpu.memory_space<hbm>>) target(%arg6 : memref<2x128xi32, #tpu.memory_space<vmem>>) target_semaphore(%arg13 : memref<!tpu.dma_semaphore, #tpu.memory_space<semaphore_mem>>)
      } else {
      }
      %add3A_113 = arith.constant 1 : i32
      %add3A_114 = arith.addi %add3A_94, %add3A_113 : i32
      %dma_wait3A_115 = arith.constant 0 : i32
      %dma_wait3A_116 = arith.constant 0 : i32
      %dma_wait3A_117 = tpu.memref_slice %arg7[%dma_wait3A_115, %dma_wait3A_116] : memref<2x128xi32, #tpu.memory_space<vmem>> -> memref<1x128xi32, #tpu.memory_space<vmem>>
      %dma_wait3A_118 = tpu.memref_squeeze %dma_wait3A_117 : memref<1x128xi32, #tpu.memory_space<vmem>> -> memref<128xi32, #tpu.memory_space<vmem>>
      %dma_wait3A_119 = arith.constant 0 : i32
      %dma_wait3A_120 = arith.constant 0 : i32
      %dma_wait3A_121 = tpu.memref_slice %arg2[%dma_wait3A_119, %dma_wait3A_120] : memref<10240x128xf32, #tpu.memory_space<hbm>> -> memref<10240x128xf32, #tpu.memory_space<hbm>>
      tpu.wait_indirect_dma semaphore(%arg18 : memref<!tpu.dma_semaphore, #tpu.memory_space<semaphore_mem>>) src(%dma_wait3A_121 : memref<10240x128xf32, #tpu.memory_space<hbm>>) dst(%arg11 : memref<128x128xf32, #tpu.memory_space<vmem>>)
      %run_scoped3A_122 = arith.constant 1 : i32
      "tpu.region"() ({
        %run_scoped3A_179 = tpu.sem_alloc : memref<!tpu.dma_semaphore, #tpu.memory_space<semaphore_mem>>
        %dma_start3A_180 = arith.constant 0 : i32
        %dma_start3A_181 = tpu.memref_slice %arg7[%run_scoped3A_122, %dma_start3A_180] : memref<2x128xi32, #tpu.memory_space<vmem>> -> memref<1x128xi32, #tpu.memory_space<vmem>>
        %dma_start3A_182 = tpu.memref_squeeze %dma_start3A_181 : memref<1x128xi32, #tpu.memory_space<vmem>> -> memref<128xi32, #tpu.memory_space<vmem>>
        %dma_start3A_183 = arith.constant 0 : i32
        %dma_start3A_184 = arith.constant 0 : i32
        %dma_start3A_185 = tpu.memref_slice %arg12[%dma_start3A_183, %dma_start3A_184] : memref<10240x128xf32, #tpu.memory_space<vmem_shared>> -> memref<10240x128xf32, #tpu.memory_space<vmem_shared>>
        tpu.enqueue_indirect_dma source(%arg11 : memref<128x128xf32, #tpu.memory_space<vmem>>) target(%dma_start3A_185 : memref<10240x128xf32, #tpu.memory_space<vmem_shared>>) offsets(%dma_start3A_182 : memref<128xi32, #tpu.memory_space<vmem>>) semaphore(%run_scoped3A_179 : memref<!tpu.dma_semaphore, #tpu.memory_space<semaphore_mem>>) {add = true}
        %dma_wait3A_186 = arith.constant 0 : i32
        %dma_wait3A_187 = tpu.memref_slice %arg7[%run_scoped3A_122, %dma_wait3A_186] : memref<2x128xi32, #tpu.memory_space<vmem>> -> memref<1x128xi32, #tpu.memory_space<vmem>>
        %dma_wait3A_188 = tpu.memref_squeeze %dma_wait3A_187 : memref<1x128xi32, #tpu.memory_space<vmem>> -> memref<128xi32, #tpu.memory_space<vmem>>
        %dma_wait3A_189 = arith.constant 0 : i32
        %dma_wait3A_190 = arith.constant 0 : i32
        %dma_wait3A_191 = tpu.memref_slice %arg12[%dma_wait3A_189, %dma_wait3A_190] : memref<10240x128xf32, #tpu.memory_space<vmem_shared>> -> memref<10240x128xf32, #tpu.memory_space<vmem_shared>>
        tpu.wait_indirect_dma semaphore(%run_scoped3A_179 : memref<!tpu.dma_semaphore, #tpu.memory_space<semaphore_mem>>) src(%arg11 : memref<128x128xf32, #tpu.memory_space<vmem>>) dst(%dma_wait3A_191 : memref<10240x128xf32, #tpu.memory_space<vmem_shared>>)
        tpu.yield
      }) : () -> ()
      %add3A_123 = arith.constant 2 : i32
      %add3A_124 = arith.addi %add3A_114, %add3A_123 : i32
      %lt3A_125 = arith.cmpi slt, %add3A_124, %select_n3A : i32
      %convert_element_type3A_126 = arith.extui %lt3A_125 : i1 to i32
      %cond3A_127 = arith.constant 0 : i32
      %cond3A_128 = arith.cmpi ne, %convert_element_type3A_126, %cond3A_127 : i32
      scf.if %cond3A_128 {
        %add3A_179 = arith.constant 2 : i32
        %add3A_180 = arith.addi %add3A_114, %add3A_179 : i32
        %add3A_181 = arith.addi %select_n3A_8, %add3A_180 : i32
        %mul3A_182 = arith.constant 2 : i32
        %mul3A_183 = arith.muli %mul3A_182, %add3A_181 : i32
        %dma_wait3A_184 = arith.constant 0 : i32
        %dma_wait3A_185 = tpu.memref_slice %arg3[%mul3A_183, %dma_wait3A_184] : memref<5120x128xi32, #tpu.memory_space<hbm>> -> memref<2x128xi32, #tpu.memory_space<hbm>>
        %dma_wait3A_186 = arith.constant 0 : i32
        %dma_wait3A_187 = tpu.memref_slice %arg3[%mul3A_183, %dma_wait3A_186] : memref<5120x128xi32, #tpu.memory_space<hbm>> -> memref<2x128xi32, #tpu.memory_space<hbm>>
        tpu.wait_dma2 semaphore(%arg16 : memref<!tpu.dma_semaphore, #tpu.memory_space<semaphore_mem>>) src(%dma_wait3A_187 : memref<2x128xi32, #tpu.memory_space<hbm>>) dst(%arg9 : memref<2x128xi32, #tpu.memory_space<vmem>>)
        %dma_start3A_188 = arith.constant 0 : i32
        %dma_start3A_189 = arith.constant 0 : i32
        %dma_start3A_190 = tpu.memref_slice %arg9[%dma_start3A_188, %dma_start3A_189] : memref<2x128xi32, #tpu.memory_space<vmem>> -> memref<1x128xi32, #tpu.memory_space<vmem>>
        %dma_start3A_191 = tpu.memref_squeeze %dma_start3A_190 : memref<1x128xi32, #tpu.memory_space<vmem>> -> memref<128xi32, #tpu.memory_space<vmem>>
        %dma_start3A_192 = arith.constant 0 : i32
        %dma_start3A_193 = arith.constant 0 : i32
        %dma_start3A_194 = tpu.memref_slice %arg2[%dma_start3A_192, %dma_start3A_193] : memref<10240x128xf32, #tpu.memory_space<hbm>> -> memref<10240x128xf32, #tpu.memory_space<hbm>>
        tpu.enqueue_indirect_dma source(%dma_start3A_194 : memref<10240x128xf32, #tpu.memory_space<hbm>>) target(%arg11 : memref<128x128xf32, #tpu.memory_space<vmem>>) offsets(%dma_start3A_191 : memref<128xi32, #tpu.memory_space<vmem>>) semaphore(%arg18 : memref<!tpu.dma_semaphore, #tpu.memory_space<semaphore_mem>>)
      } else {
      }
      %add3A_129 = arith.constant 4 : i32
      %add3A_130 = arith.addi %add3A_114, %add3A_129 : i32
      %lt3A_131 = arith.cmpi slt, %add3A_130, %select_n3A : i32
      %convert_element_type3A_132 = arith.extui %lt3A_131 : i1 to i32
      %cond3A_133 = arith.constant 0 : i32
      %cond3A_134 = arith.cmpi ne, %convert_element_type3A_132, %cond3A_133 : i32
      scf.if %cond3A_134 {
        %add3A_179 = arith.constant 4 : i32
        %add3A_180 = arith.addi %add3A_114, %add3A_179 : i32
        %add3A_181 = arith.addi %select_n3A_8, %add3A_180 : i32
        %mul3A_182 = arith.constant 2 : i32
        %mul3A_183 = arith.muli %mul3A_182, %add3A_181 : i32
        %dma_start3A_184 = arith.constant 0 : i32
        %dma_start3A_185 = tpu.memref_slice %arg3[%mul3A_183, %dma_start3A_184] : memref<5120x128xi32, #tpu.memory_space<hbm>> -> memref<2x128xi32, #tpu.memory_space<hbm>>
        %dma_start3A_186 = arith.constant 0 : i32
        %dma_start3A_187 = tpu.memref_slice %arg3[%mul3A_183, %dma_start3A_186] : memref<5120x128xi32, #tpu.memory_space<hbm>> -> memref<2x128xi32, #tpu.memory_space<hbm>>
        tpu.enqueue_dma source(%dma_start3A_187 : memref<2x128xi32, #tpu.memory_space<hbm>>) target(%arg7 : memref<2x128xi32, #tpu.memory_space<vmem>>) target_semaphore(%arg14 : memref<!tpu.dma_semaphore, #tpu.memory_space<semaphore_mem>>)
      } else {
      }
      %add3A_135 = arith.constant 2 : i32
      %add3A_136 = arith.addi %add3A_94, %add3A_135 : i32
      %dma_wait3A_137 = arith.constant 0 : i32
      %dma_wait3A_138 = arith.constant 0 : i32
      %dma_wait3A_139 = tpu.memref_slice %arg8[%dma_wait3A_137, %dma_wait3A_138] : memref<2x128xi32, #tpu.memory_space<vmem>> -> memref<1x128xi32, #tpu.memory_space<vmem>>
      %dma_wait3A_140 = tpu.memref_squeeze %dma_wait3A_139 : memref<1x128xi32, #tpu.memory_space<vmem>> -> memref<128xi32, #tpu.memory_space<vmem>>
      %dma_wait3A_141 = arith.constant 0 : i32
      %dma_wait3A_142 = arith.constant 0 : i32
      %dma_wait3A_143 = tpu.memref_slice %arg2[%dma_wait3A_141, %dma_wait3A_142] : memref<10240x128xf32, #tpu.memory_space<hbm>> -> memref<10240x128xf32, #tpu.memory_space<hbm>>
      tpu.wait_indirect_dma semaphore(%arg17 : memref<!tpu.dma_semaphore, #tpu.memory_space<semaphore_mem>>) src(%dma_wait3A_143 : memref<10240x128xf32, #tpu.memory_space<hbm>>) dst(%arg10 : memref<128x128xf32, #tpu.memory_space<vmem>>)
      %run_scoped3A_144 = arith.constant 1 : i32
      "tpu.region"() ({
        %run_scoped3A_179 = tpu.sem_alloc : memref<!tpu.dma_semaphore, #tpu.memory_space<semaphore_mem>>
        %dma_start3A_180 = arith.constant 0 : i32
        %dma_start3A_181 = tpu.memref_slice %arg8[%run_scoped3A_144, %dma_start3A_180] : memref<2x128xi32, #tpu.memory_space<vmem>> -> memref<1x128xi32, #tpu.memory_space<vmem>>
        %dma_start3A_182 = tpu.memref_squeeze %dma_start3A_181 : memref<1x128xi32, #tpu.memory_space<vmem>> -> memref<128xi32, #tpu.memory_space<vmem>>
        %dma_start3A_183 = arith.constant 0 : i32
        %dma_start3A_184 = arith.constant 0 : i32
        %dma_start3A_185 = tpu.memref_slice %arg12[%dma_start3A_183, %dma_start3A_184] : memref<10240x128xf32, #tpu.memory_space<vmem_shared>> -> memref<10240x128xf32, #tpu.memory_space<vmem_shared>>
        tpu.enqueue_indirect_dma source(%arg10 : memref<128x128xf32, #tpu.memory_space<vmem>>) target(%dma_start3A_185 : memref<10240x128xf32, #tpu.memory_space<vmem_shared>>) offsets(%dma_start3A_182 : memref<128xi32, #tpu.memory_space<vmem>>) semaphore(%run_scoped3A_179 : memref<!tpu.dma_semaphore, #tpu.memory_space<semaphore_mem>>) {add = true}
        %dma_wait3A_186 = arith.constant 0 : i32
        %dma_wait3A_187 = tpu.memref_slice %arg8[%run_scoped3A_144, %dma_wait3A_186] : memref<2x128xi32, #tpu.memory_space<vmem>> -> memref<1x128xi32, #tpu.memory_space<vmem>>
        %dma_wait3A_188 = tpu.memref_squeeze %dma_wait3A_187 : memref<1x128xi32, #tpu.memory_space<vmem>> -> memref<128xi32, #tpu.memory_space<vmem>>
        %dma_wait3A_189 = arith.constant 0 : i32
        %dma_wait3A_190 = arith.constant 0 : i32
        %dma_wait3A_191 = tpu.memref_slice %arg12[%dma_wait3A_189, %dma_wait3A_190] : memref<10240x128xf32, #tpu.memory_space<vmem_shared>> -> memref<10240x128xf32, #tpu.memory_space<vmem_shared>>
        tpu.wait_indirect_dma semaphore(%run_scoped3A_179 : memref<!tpu.dma_semaphore, #tpu.memory_space<semaphore_mem>>) src(%arg10 : memref<128x128xf32, #tpu.memory_space<vmem>>) dst(%dma_wait3A_191 : memref<10240x128xf32, #tpu.memory_space<vmem_shared>>)
        tpu.yield
      }) : () -> ()
      %add3A_145 = arith.constant 2 : i32
      %add3A_146 = arith.addi %add3A_136, %add3A_145 : i32
      %lt3A_147 = arith.cmpi slt, %add3A_146, %select_n3A : i32
      %convert_element_type3A_148 = arith.extui %lt3A_147 : i1 to i32
      %cond3A_149 = arith.constant 0 : i32
      %cond3A_150 = arith.cmpi ne, %convert_element_type3A_148, %cond3A_149 : i32
      scf.if %cond3A_150 {
        %add3A_179 = arith.constant 2 : i32
        %add3A_180 = arith.addi %add3A_136, %add3A_179 : i32
        %add3A_181 = arith.addi %select_n3A_8, %add3A_180 : i32
        %mul3A_182 = arith.constant 2 : i32
        %mul3A_183 = arith.muli %mul3A_182, %add3A_181 : i32
        %dma_wait3A_184 = arith.constant 0 : i32
        %dma_wait3A_185 = tpu.memref_slice %arg3[%mul3A_183, %dma_wait3A_184] : memref<5120x128xi32, #tpu.memory_space<hbm>> -> memref<2x128xi32, #tpu.memory_space<hbm>>
        %dma_wait3A_186 = arith.constant 0 : i32
        %dma_wait3A_187 = tpu.memref_slice %arg3[%mul3A_183, %dma_wait3A_186] : memref<5120x128xi32, #tpu.memory_space<hbm>> -> memref<2x128xi32, #tpu.memory_space<hbm>>
        tpu.wait_dma2 semaphore(%arg13 : memref<!tpu.dma_semaphore, #tpu.memory_space<semaphore_mem>>) src(%dma_wait3A_187 : memref<2x128xi32, #tpu.memory_space<hbm>>) dst(%arg6 : memref<2x128xi32, #tpu.memory_space<vmem>>)
        %dma_start3A_188 = arith.constant 0 : i32
        %dma_start3A_189 = arith.constant 0 : i32
        %dma_start3A_190 = tpu.memref_slice %arg6[%dma_start3A_188, %dma_start3A_189] : memref<2x128xi32, #tpu.memory_space<vmem>> -> memref<1x128xi32, #tpu.memory_space<vmem>>
        %dma_start3A_191 = tpu.memref_squeeze %dma_start3A_190 : memref<1x128xi32, #tpu.memory_space<vmem>> -> memref<128xi32, #tpu.memory_space<vmem>>
        %dma_start3A_192 = arith.constant 0 : i32
        %dma_start3A_193 = arith.constant 0 : i32
        %dma_start3A_194 = tpu.memref_slice %arg2[%dma_start3A_192, %dma_start3A_193] : memref<10240x128xf32, #tpu.memory_space<hbm>> -> memref<10240x128xf32, #tpu.memory_space<hbm>>
        tpu.enqueue_indirect_dma source(%dma_start3A_194 : memref<10240x128xf32, #tpu.memory_space<hbm>>) target(%arg10 : memref<128x128xf32, #tpu.memory_space<vmem>>) offsets(%dma_start3A_191 : memref<128xi32, #tpu.memory_space<vmem>>) semaphore(%arg17 : memref<!tpu.dma_semaphore, #tpu.memory_space<semaphore_mem>>)
      } else {
      }
      %add3A_151 = arith.constant 4 : i32
      %add3A_152 = arith.addi %add3A_136, %add3A_151 : i32
      %lt3A_153 = arith.cmpi slt, %add3A_152, %select_n3A : i32
      %convert_element_type3A_154 = arith.extui %lt3A_153 : i1 to i32
      %cond3A_155 = arith.constant 0 : i32
      %cond3A_156 = arith.cmpi ne, %convert_element_type3A_154, %cond3A_155 : i32
      scf.if %cond3A_156 {
        %add3A_179 = arith.constant 4 : i32
        %add3A_180 = arith.addi %add3A_136, %add3A_179 : i32
        %add3A_181 = arith.addi %select_n3A_8, %add3A_180 : i32
        %mul3A_182 = arith.constant 2 : i32
        %mul3A_183 = arith.muli %mul3A_182, %add3A_181 : i32
        %dma_start3A_184 = arith.constant 0 : i32
        %dma_start3A_185 = tpu.memref_slice %arg3[%mul3A_183, %dma_start3A_184] : memref<5120x128xi32, #tpu.memory_space<hbm>> -> memref<2x128xi32, #tpu.memory_space<hbm>>
        %dma_start3A_186 = arith.constant 0 : i32
        %dma_start3A_187 = tpu.memref_slice %arg3[%mul3A_183, %dma_start3A_186] : memref<5120x128xi32, #tpu.memory_space<hbm>> -> memref<2x128xi32, #tpu.memory_space<hbm>>
        tpu.enqueue_dma source(%dma_start3A_187 : memref<2x128xi32, #tpu.memory_space<hbm>>) target(%arg8 : memref<2x128xi32, #tpu.memory_space<vmem>>) target_semaphore(%arg15 : memref<!tpu.dma_semaphore, #tpu.memory_space<semaphore_mem>>)
      } else {
      }
      %add3A_157 = arith.constant 3 : i32
      %add3A_158 = arith.addi %add3A_94, %add3A_157 : i32
      %dma_wait3A_159 = arith.constant 0 : i32
      %dma_wait3A_160 = arith.constant 0 : i32
      %dma_wait3A_161 = tpu.memref_slice %arg9[%dma_wait3A_159, %dma_wait3A_160] : memref<2x128xi32, #tpu.memory_space<vmem>> -> memref<1x128xi32, #tpu.memory_space<vmem>>
      %dma_wait3A_162 = tpu.memref_squeeze %dma_wait3A_161 : memref<1x128xi32, #tpu.memory_space<vmem>> -> memref<128xi32, #tpu.memory_space<vmem>>
      %dma_wait3A_163 = arith.constant 0 : i32
      %dma_wait3A_164 = arith.constant 0 : i32
      %dma_wait3A_165 = tpu.memref_slice %arg2[%dma_wait3A_163, %dma_wait3A_164] : memref<10240x128xf32, #tpu.memory_space<hbm>> -> memref<10240x128xf32, #tpu.memory_space<hbm>>
      tpu.wait_indirect_dma semaphore(%arg18 : memref<!tpu.dma_semaphore, #tpu.memory_space<semaphore_mem>>) src(%dma_wait3A_165 : memref<10240x128xf32, #tpu.memory_space<hbm>>) dst(%arg11 : memref<128x128xf32, #tpu.memory_space<vmem>>)
      %run_scoped3A_166 = arith.constant 1 : i32
      "tpu.region"() ({
        %run_scoped3A_179 = tpu.sem_alloc : memref<!tpu.dma_semaphore, #tpu.memory_space<semaphore_mem>>
        %dma_start3A_180 = arith.constant 0 : i32
        %dma_start3A_181 = tpu.memref_slice %arg9[%run_scoped3A_166, %dma_start3A_180] : memref<2x128xi32, #tpu.memory_space<vmem>> -> memref<1x128xi32, #tpu.memory_space<vmem>>
        %dma_start3A_182 = tpu.memref_squeeze %dma_start3A_181 : memref<1x128xi32, #tpu.memory_space<vmem>> -> memref<128xi32, #tpu.memory_space<vmem>>
        %dma_start3A_183 = arith.constant 0 : i32
        %dma_start3A_184 = arith.constant 0 : i32
        %dma_start3A_185 = tpu.memref_slice %arg12[%dma_start3A_183, %dma_start3A_184] : memref<10240x128xf32, #tpu.memory_space<vmem_shared>> -> memref<10240x128xf32, #tpu.memory_space<vmem_shared>>
        tpu.enqueue_indirect_dma source(%arg11 : memref<128x128xf32, #tpu.memory_space<vmem>>) target(%dma_start3A_185 : memref<10240x128xf32, #tpu.memory_space<vmem_shared>>) offsets(%dma_start3A_182 : memref<128xi32, #tpu.memory_space<vmem>>) semaphore(%run_scoped3A_179 : memref<!tpu.dma_semaphore, #tpu.memory_space<semaphore_mem>>) {add = true}
        %dma_wait3A_186 = arith.constant 0 : i32
        %dma_wait3A_187 = tpu.memref_slice %arg9[%run_scoped3A_166, %dma_wait3A_186] : memref<2x128xi32, #tpu.memory_space<vmem>> -> memref<1x128xi32, #tpu.memory_space<vmem>>
        %dma_wait3A_188 = tpu.memref_squeeze %dma_wait3A_187 : memref<1x128xi32, #tpu.memory_space<vmem>> -> memref<128xi32, #tpu.memory_space<vmem>>
        %dma_wait3A_189 = arith.constant 0 : i32
        %dma_wait3A_190 = arith.constant 0 : i32
        %dma_wait3A_191 = tpu.memref_slice %arg12[%dma_wait3A_189, %dma_wait3A_190] : memref<10240x128xf32, #tpu.memory_space<vmem_shared>> -> memref<10240x128xf32, #tpu.memory_space<vmem_shared>>
        tpu.wait_indirect_dma semaphore(%run_scoped3A_179 : memref<!tpu.dma_semaphore, #tpu.memory_space<semaphore_mem>>) src(%arg11 : memref<128x128xf32, #tpu.memory_space<vmem>>) dst(%dma_wait3A_191 : memref<10240x128xf32, #tpu.memory_space<vmem_shared>>)
        tpu.yield
      }) : () -> ()
      %add3A_167 = arith.constant 2 : i32
      %add3A_168 = arith.addi %add3A_158, %add3A_167 : i32
      %lt3A_169 = arith.cmpi slt, %add3A_168, %select_n3A : i32
      %convert_element_type3A_170 = arith.extui %lt3A_169 : i1 to i32
      %cond3A_171 = arith.constant 0 : i32
      %cond3A_172 = arith.cmpi ne, %convert_element_type3A_170, %cond3A_171 : i32
      scf.if %cond3A_172 {
        %add3A_179 = arith.constant 2 : i32
        %add3A_180 = arith.addi %add3A_158, %add3A_179 : i32
        %add3A_181 = arith.addi %select_n3A_8, %add3A_180 : i32
        %mul3A_182 = arith.constant 2 : i32
        %mul3A_183 = arith.muli %mul3A_182, %add3A_181 : i32
        %dma_wait3A_184 = arith.constant 0 : i32
        %dma_wait3A_185 = tpu.memref_slice %arg3[%mul3A_183, %dma_wait3A_184] : memref<5120x128xi32, #tpu.memory_space<hbm>> -> memref<2x128xi32, #tpu.memory_space<hbm>>
        %dma_wait3A_186 = arith.constant 0 : i32
        %dma_wait3A_187 = tpu.memref_slice %arg3[%mul3A_183, %dma_wait3A_186] : memref<5120x128xi32, #tpu.memory_space<hbm>> -> memref<2x128xi32, #tpu.memory_space<hbm>>
        tpu.wait_dma2 semaphore(%arg14 : memref<!tpu.dma_semaphore, #tpu.memory_space<semaphore_mem>>) src(%dma_wait3A_187 : memref<2x128xi32, #tpu.memory_space<hbm>>) dst(%arg7 : memref<2x128xi32, #tpu.memory_space<vmem>>)
        %dma_start3A_188 = arith.constant 0 : i32
        %dma_start3A_189 = arith.constant 0 : i32
        %dma_start3A_190 = tpu.memref_slice %arg7[%dma_start3A_188, %dma_start3A_189] : memref<2x128xi32, #tpu.memory_space<vmem>> -> memref<1x128xi32, #tpu.memory_space<vmem>>
        %dma_start3A_191 = tpu.memref_squeeze %dma_start3A_190 : memref<1x128xi32, #tpu.memory_space<vmem>> -> memref<128xi32, #tpu.memory_space<vmem>>
        %dma_start3A_192 = arith.constant 0 : i32
        %dma_start3A_193 = arith.constant 0 : i32
        %dma_start3A_194 = tpu.memref_slice %arg2[%dma_start3A_192, %dma_start3A_193] : memref<10240x128xf32, #tpu.memory_space<hbm>> -> memref<10240x128xf32, #tpu.memory_space<hbm>>
        tpu.enqueue_indirect_dma source(%dma_start3A_194 : memref<10240x128xf32, #tpu.memory_space<hbm>>) target(%arg11 : memref<128x128xf32, #tpu.memory_space<vmem>>) offsets(%dma_start3A_191 : memref<128xi32, #tpu.memory_space<vmem>>) semaphore(%arg18 : memref<!tpu.dma_semaphore, #tpu.memory_space<semaphore_mem>>)
      } else {
      }
      %add3A_173 = arith.constant 4 : i32
      %add3A_174 = arith.addi %add3A_158, %add3A_173 : i32
      %lt3A_175 = arith.cmpi slt, %add3A_174, %select_n3A : i32
      %convert_element_type3A_176 = arith.extui %lt3A_175 : i1 to i32
      %cond3A_177 = arith.constant 0 : i32
      %cond3A_178 = arith.cmpi ne, %convert_element_type3A_176, %cond3A_177 : i32
      scf.if %cond3A_178 {
        %add3A_179 = arith.constant 4 : i32
        %add3A_180 = arith.addi %add3A_158, %add3A_179 : i32
        %add3A_181 = arith.addi %select_n3A_8, %add3A_180 : i32
        %mul3A_182 = arith.constant 2 : i32
        %mul3A_183 = arith.muli %mul3A_182, %add3A_181 : i32
        %dma_start3A_184 = arith.constant 0 : i32
        %dma_start3A_185 = tpu.memref_slice %arg3[%mul3A_183, %dma_start3A_184] : memref<5120x128xi32, #tpu.memory_space<hbm>> -> memref<2x128xi32, #tpu.memory_space<hbm>>
        %dma_start3A_186 = arith.constant 0 : i32
        %dma_start3A_187 = tpu.memref_slice %arg3[%mul3A_183, %dma_start3A_186] : memref<5120x128xi32, #tpu.memory_space<hbm>> -> memref<2x128xi32, #tpu.memory_space<hbm>>
        tpu.enqueue_dma source(%dma_start3A_187 : memref<2x128xi32, #tpu.memory_space<hbm>>) target(%arg9 : memref<2x128xi32, #tpu.memory_space<vmem>>) target_semaphore(%arg16 : memref<!tpu.dma_semaphore, #tpu.memory_space<semaphore_mem>>)
      } else {
      }
    }
    %while3A_86 = arith.constant 1 : i32
    scf.for %while3A_92 = %while3A_84 to %while3A_80 step %while3A_86  : i32 {
      %mul3A_93 = arith.muli %while3A_92, %while3A : i32
      %add3A_94 = arith.addi %while3A_77, %mul3A_93 : i32
      %add3A_95 = arith.constant 0 : i32
      %add3A_96 = arith.addi %add3A_94, %add3A_95 : i32
      %dma_wait3A_97 = arith.constant 0 : i32
      %dma_wait3A_98 = arith.constant 0 : i32
      %dma_wait3A_99 = tpu.memref_slice %arg6[%dma_wait3A_97, %dma_wait3A_98] : memref<2x128xi32, #tpu.memory_space<vmem>> -> memref<1x128xi32, #tpu.memory_space<vmem>>
      %dma_wait3A_100 = tpu.memref_squeeze %dma_wait3A_99 : memref<1x128xi32, #tpu.memory_space<vmem>> -> memref<128xi32, #tpu.memory_space<vmem>>
      %dma_wait3A_101 = arith.constant 0 : i32
      %dma_wait3A_102 = arith.constant 0 : i32
      %dma_wait3A_103 = tpu.memref_slice %arg2[%dma_wait3A_101, %dma_wait3A_102] : memref<10240x128xf32, #tpu.memory_space<hbm>> -> memref<10240x128xf32, #tpu.memory_space<hbm>>
      tpu.wait_indirect_dma semaphore(%arg17 : memref<!tpu.dma_semaphore, #tpu.memory_space<semaphore_mem>>) src(%dma_wait3A_103 : memref<10240x128xf32, #tpu.memory_space<hbm>>) dst(%arg10 : memref<128x128xf32, #tpu.memory_space<vmem>>)
      %run_scoped3A = arith.constant 1 : i32
      "tpu.region"() ({
        %run_scoped3A_179 = tpu.sem_alloc : memref<!tpu.dma_semaphore, #tpu.memory_space<semaphore_mem>>
        %dma_start3A_180 = arith.constant 0 : i32
        %dma_start3A_181 = tpu.memref_slice %arg6[%run_scoped3A, %dma_start3A_180] : memref<2x128xi32, #tpu.memory_space<vmem>> -> memref<1x128xi32, #tpu.memory_space<vmem>>
        %dma_start3A_182 = tpu.memref_squeeze %dma_start3A_181 : memref<1x128xi32, #tpu.memory_space<vmem>> -> memref<128xi32, #tpu.memory_space<vmem>>
        %dma_start3A_183 = arith.constant 0 : i32
        %dma_start3A_184 = arith.constant 0 : i32
        %dma_start3A_185 = tpu.memref_slice %arg12[%dma_start3A_183, %dma_start3A_184] : memref<10240x128xf32, #tpu.memory_space<vmem_shared>> -> memref<10240x128xf32, #tpu.memory_space<vmem_shared>>
        tpu.enqueue_indirect_dma source(%arg10 : memref<128x128xf32, #tpu.memory_space<vmem>>) target(%dma_start3A_185 : memref<10240x128xf32, #tpu.memory_space<vmem_shared>>) offsets(%dma_start3A_182 : memref<128xi32, #tpu.memory_space<vmem>>) semaphore(%run_scoped3A_179 : memref<!tpu.dma_semaphore, #tpu.memory_space<semaphore_mem>>) {add = true}
        %dma_wait3A_186 = arith.constant 0 : i32
        %dma_wait3A_187 = tpu.memref_slice %arg6[%run_scoped3A, %dma_wait3A_186] : memref<2x128xi32, #tpu.memory_space<vmem>> -> memref<1x128xi32, #tpu.memory_space<vmem>>
        %dma_wait3A_188 = tpu.memref_squeeze %dma_wait3A_187 : memref<1x128xi32, #tpu.memory_space<vmem>> -> memref<128xi32, #tpu.memory_space<vmem>>
        %dma_wait3A_189 = arith.constant 0 : i32
        %dma_wait3A_190 = arith.constant 0 : i32
        %dma_wait3A_191 = tpu.memref_slice %arg12[%dma_wait3A_189, %dma_wait3A_190] : memref<10240x128xf32, #tpu.memory_space<vmem_shared>> -> memref<10240x128xf32, #tpu.memory_space<vmem_shared>>
        tpu.wait_indirect_dma semaphore(%run_scoped3A_179 : memref<!tpu.dma_semaphore, #tpu.memory_space<semaphore_mem>>) src(%arg10 : memref<128x128xf32, #tpu.memory_space<vmem>>) dst(%dma_wait3A_191 : memref<10240x128xf32, #tpu.memory_space<vmem_shared>>)
        tpu.yield
      }) : () -> ()
      %add3A_104 = arith.constant 2 : i32
      %add3A_105 = arith.addi %add3A_96, %add3A_104 : i32
      %lt3A = arith.cmpi slt, %add3A_105, %select_n3A : i32
      %convert_element_type3A = arith.extui %lt3A : i1 to i32
      %cond3A = arith.constant 0 : i32
      %cond3A_106 = arith.cmpi ne, %convert_element_type3A, %cond3A : i32
      scf.if %cond3A_106 {
        %add3A_179 = arith.constant 2 : i32
        %add3A_180 = arith.addi %add3A_96, %add3A_179 : i32
        %add3A_181 = arith.addi %select_n3A_8, %add3A_180 : i32
        %mul3A_182 = arith.constant 2 : i32
        %mul3A_183 = arith.muli %mul3A_182, %add3A_181 : i32
        %dma_wait3A_184 = arith.constant 0 : i32
        %dma_wait3A_185 = tpu.memref_slice %arg3[%mul3A_183, %dma_wait3A_184] : memref<5120x128xi32, #tpu.memory_space<hbm>> -> memref<2x128xi32, #tpu.memory_space<hbm>>
        %dma_wait3A_186 = arith.constant 0 : i32
        %dma_wait3A_187 = tpu.memref_slice %arg3[%mul3A_183, %dma_wait3A_186] : memref<5120x128xi32, #tpu.memory_space<hbm>> -> memref<2x128xi32, #tpu.memory_space<hbm>>
        tpu.wait_dma2 semaphore(%arg15 : memref<!tpu.dma_semaphore, #tpu.memory_space<semaphore_mem>>) src(%dma_wait3A_187 : memref<2x128xi32, #tpu.memory_space<hbm>>) dst(%arg8 : memref<2x128xi32, #tpu.memory_space<vmem>>)
        %dma_start3A_188 = arith.constant 0 : i32
        %dma_start3A_189 = arith.constant 0 : i32
        %dma_start3A_190 = tpu.memref_slice %arg8[%dma_start3A_188, %dma_start3A_189] : memref<2x128xi32, #tpu.memory_space<vmem>> -> memref<1x128xi32, #tpu.memory_space<vmem>>
        %dma_start3A_191 = tpu.memref_squeeze %dma_start3A_190 : memref<1x128xi32, #tpu.memory_space<vmem>> -> memref<128xi32, #tpu.memory_space<vmem>>
        %dma_start3A_192 = arith.constant 0 : i32
        %dma_start3A_193 = arith.constant 0 : i32
        %dma_start3A_194 = tpu.memref_slice %arg2[%dma_start3A_192, %dma_start3A_193] : memref<10240x128xf32, #tpu.memory_space<hbm>> -> memref<10240x128xf32, #tpu.memory_space<hbm>>
        tpu.enqueue_indirect_dma source(%dma_start3A_194 : memref<10240x128xf32, #tpu.memory_space<hbm>>) target(%arg10 : memref<128x128xf32, #tpu.memory_space<vmem>>) offsets(%dma_start3A_191 : memref<128xi32, #tpu.memory_space<vmem>>) semaphore(%arg17 : memref<!tpu.dma_semaphore, #tpu.memory_space<semaphore_mem>>)
      } else {
      }
      %add3A_107 = arith.constant 4 : i32
      %add3A_108 = arith.addi %add3A_96, %add3A_107 : i32
      %lt3A_109 = arith.cmpi slt, %add3A_108, %select_n3A : i32
      %convert_element_type3A_110 = arith.extui %lt3A_109 : i1 to i32
      %cond3A_111 = arith.constant 0 : i32
      %cond3A_112 = arith.cmpi ne, %convert_element_type3A_110, %cond3A_111 : i32
      scf.if %cond3A_112 {
        %add3A_179 = arith.constant 4 : i32
        %add3A_180 = arith.addi %add3A_96, %add3A_179 : i32
        %add3A_181 = arith.addi %select_n3A_8, %add3A_180 : i32
        %mul3A_182 = arith.constant 2 : i32
        %mul3A_183 = arith.muli %mul3A_182, %add3A_181 : i32
        %dma_start3A_184 = arith.constant 0 : i32
        %dma_start3A_185 = tpu.memref_slice %arg3[%mul3A_183, %dma_start3A_184] : memref<5120x128xi32, #tpu.memory_space<hbm>> -> memref<2x128xi32, #tpu.memory_space<hbm>>
        %dma_start3A_186 = arith.constant 0 : i32
        %dma_start3A_187 = tpu.memref_slice %arg3[%mul3A_183, %dma_start3A_186] : memref<5120x128xi32, #tpu.memory_space<hbm>> -> memref<2x128xi32, #tpu.memory_space<hbm>>
        tpu.enqueue_dma source(%dma_start3A_187 : memref<2x128xi32, #tpu.memory_space<hbm>>) target(%arg6 : memref<2x128xi32, #tpu.memory_space<vmem>>) target_semaphore(%arg13 : memref<!tpu.dma_semaphore, #tpu.memory_space<semaphore_mem>>)
      } else {
      }
      %add3A_113 = arith.constant 1 : i32
      %add3A_114 = arith.addi %add3A_94, %add3A_113 : i32
      %dma_wait3A_115 = arith.constant 0 : i32
      %dma_wait3A_116 = arith.constant 0 : i32
      %dma_wait3A_117 = tpu.memref_slice %arg7[%dma_wait3A_115, %dma_wait3A_116] : memref<2x128xi32, #tpu.memory_space<vmem>> -> memref<1x128xi32, #tpu.memory_space<vmem>>
      %dma_wait3A_118 = tpu.memref_squeeze %dma_wait3A_117 : memref<1x128xi32, #tpu.memory_space<vmem>> -> memref<128xi32, #tpu.memory_space<vmem>>
      %dma_wait3A_119 = arith.constant 0 : i32
      %dma_wait3A_120 = arith.constant 0 : i32
      %dma_wait3A_121 = tpu.memref_slice %arg2[%dma_wait3A_119, %dma_wait3A_120] : memref<10240x128xf32, #tpu.memory_space<hbm>> -> memref<10240x128xf32, #tpu.memory_space<hbm>>
      tpu.wait_indirect_dma semaphore(%arg18 : memref<!tpu.dma_semaphore, #tpu.memory_space<semaphore_mem>>) src(%dma_wait3A_121 : memref<10240x128xf32, #tpu.memory_space<hbm>>) dst(%arg11 : memref<128x128xf32, #tpu.memory_space<vmem>>)
      %run_scoped3A_122 = arith.constant 1 : i32
      "tpu.region"() ({
        %run_scoped3A_179 = tpu.sem_alloc : memref<!tpu.dma_semaphore, #tpu.memory_space<semaphore_mem>>
        %dma_start3A_180 = arith.constant 0 : i32
        %dma_start3A_181 = tpu.memref_slice %arg7[%run_scoped3A_122, %dma_start3A_180] : memref<2x128xi32, #tpu.memory_space<vmem>> -> memref<1x128xi32, #tpu.memory_space<vmem>>
        %dma_start3A_182 = tpu.memref_squeeze %dma_start3A_181 : memref<1x128xi32, #tpu.memory_space<vmem>> -> memref<128xi32, #tpu.memory_space<vmem>>
        %dma_start3A_183 = arith.constant 0 : i32
        %dma_start3A_184 = arith.constant 0 : i32
        %dma_start3A_185 = tpu.memref_slice %arg12[%dma_start3A_183, %dma_start3A_184] : memref<10240x128xf32, #tpu.memory_space<vmem_shared>> -> memref<10240x128xf32, #tpu.memory_space<vmem_shared>>
        tpu.enqueue_indirect_dma source(%arg11 : memref<128x128xf32, #tpu.memory_space<vmem>>) target(%dma_start3A_185 : memref<10240x128xf32, #tpu.memory_space<vmem_shared>>) offsets(%dma_start3A_182 : memref<128xi32, #tpu.memory_space<vmem>>) semaphore(%run_scoped3A_179 : memref<!tpu.dma_semaphore, #tpu.memory_space<semaphore_mem>>) {add = true}
        %dma_wait3A_186 = arith.constant 0 : i32
        %dma_wait3A_187 = tpu.memref_slice %arg7[%run_scoped3A_122, %dma_wait3A_186] : memref<2x128xi32, #tpu.memory_space<vmem>> -> memref<1x128xi32, #tpu.memory_space<vmem>>
        %dma_wait3A_188 = tpu.memref_squeeze %dma_wait3A_187 : memref<1x128xi32, #tpu.memory_space<vmem>> -> memref<128xi32, #tpu.memory_space<vmem>>
        %dma_wait3A_189 = arith.constant 0 : i32
        %dma_wait3A_190 = arith.constant 0 : i32
        %dma_wait3A_191 = tpu.memref_slice %arg12[%dma_wait3A_189, %dma_wait3A_190] : memref<10240x128xf32, #tpu.memory_space<vmem_shared>> -> memref<10240x128xf32, #tpu.memory_space<vmem_shared>>
        tpu.wait_indirect_dma semaphore(%run_scoped3A_179 : memref<!tpu.dma_semaphore, #tpu.memory_space<semaphore_mem>>) src(%arg11 : memref<128x128xf32, #tpu.memory_space<vmem>>) dst(%dma_wait3A_191 : memref<10240x128xf32, #tpu.memory_space<vmem_shared>>)
        tpu.yield
      }) : () -> ()
      %add3A_123 = arith.constant 2 : i32
      %add3A_124 = arith.addi %add3A_114, %add3A_123 : i32
      %lt3A_125 = arith.cmpi slt, %add3A_124, %select_n3A : i32
      %convert_element_type3A_126 = arith.extui %lt3A_125 : i1 to i32
      %cond3A_127 = arith.constant 0 : i32
      %cond3A_128 = arith.cmpi ne, %convert_element_type3A_126, %cond3A_127 : i32
      scf.if %cond3A_128 {
        %add3A_179 = arith.constant 2 : i32
        %add3A_180 = arith.addi %add3A_114, %add3A_179 : i32
        %add3A_181 = arith.addi %select_n3A_8, %add3A_180 : i32
        %mul3A_182 = arith.constant 2 : i32
        %mul3A_183 = arith.muli %mul3A_182, %add3A_181 : i32
        %dma_wait3A_184 = arith.constant 0 : i32
        %dma_wait3A_185 = tpu.memref_slice %arg3[%mul3A_183, %dma_wait3A_184] : memref<5120x128xi32, #tpu.memory_space<hbm>> -> memref<2x128xi32, #tpu.memory_space<hbm>>
        %dma_wait3A_186 = arith.constant 0 : i32
        %dma_wait3A_187 = tpu.memref_slice %arg3[%mul3A_183, %dma_wait3A_186] : memref<5120x128xi32, #tpu.memory_space<hbm>> -> memref<2x128xi32, #tpu.memory_space<hbm>>
        tpu.wait_dma2 semaphore(%arg16 : memref<!tpu.dma_semaphore, #tpu.memory_space<semaphore_mem>>) src(%dma_wait3A_187 : memref<2x128xi32, #tpu.memory_space<hbm>>) dst(%arg9 : memref<2x128xi32, #tpu.memory_space<vmem>>)
        %dma_start3A_188 = arith.constant 0 : i32
        %dma_start3A_189 = arith.constant 0 : i32
        %dma_start3A_190 = tpu.memref_slice %arg9[%dma_start3A_188, %dma_start3A_189] : memref<2x128xi32, #tpu.memory_space<vmem>> -> memref<1x128xi32, #tpu.memory_space<vmem>>
        %dma_start3A_191 = tpu.memref_squeeze %dma_start3A_190 : memref<1x128xi32, #tpu.memory_space<vmem>> -> memref<128xi32, #tpu.memory_space<vmem>>
        %dma_start3A_192 = arith.constant 0 : i32
        %dma_start3A_193 = arith.constant 0 : i32
        %dma_start3A_194 = tpu.memref_slice %arg2[%dma_start3A_192, %dma_start3A_193] : memref<10240x128xf32, #tpu.memory_space<hbm>> -> memref<10240x128xf32, #tpu.memory_space<hbm>>
        tpu.enqueue_indirect_dma source(%dma_start3A_194 : memref<10240x128xf32, #tpu.memory_space<hbm>>) target(%arg11 : memref<128x128xf32, #tpu.memory_space<vmem>>) offsets(%dma_start3A_191 : memref<128xi32, #tpu.memory_space<vmem>>) semaphore(%arg18 : memref<!tpu.dma_semaphore, #tpu.memory_space<semaphore_mem>>)
      } else {
      }
      %add3A_129 = arith.constant 4 : i32
      %add3A_130 = arith.addi %add3A_114, %add3A_129 : i32
      %lt3A_131 = arith.cmpi slt, %add3A_130, %select_n3A : i32
      %convert_element_type3A_132 = arith.extui %lt3A_131 : i1 to i32
      %cond3A_133 = arith.constant 0 : i32
      %cond3A_134 = arith.cmpi ne, %convert_element_type3A_132, %cond3A_133 : i32
      scf.if %cond3A_134 {
        %add3A_179 = arith.constant 4 : i32
        %add3A_180 = arith.addi %add3A_114, %add3A_179 : i32
        %add3A_181 = arith.addi %select_n3A_8, %add3A_180 : i32
        %mul3A_182 = arith.constant 2 : i32
        %mul3A_183 = arith.muli %mul3A_182, %add3A_181 : i32
        %dma_start3A_184 = arith.constant 0 : i32
        %dma_start3A_185 = tpu.memref_slice %arg3[%mul3A_183, %dma_start3A_184] : memref<5120x128xi32, #tpu.memory_space<hbm>> -> memref<2x128xi32, #tpu.memory_space<hbm>>
        %dma_start3A_186 = arith.constant 0 : i32
        %dma_start3A_187 = tpu.memref_slice %arg3[%mul3A_183, %dma_start3A_186] : memref<5120x128xi32, #tpu.memory_space<hbm>> -> memref<2x128xi32, #tpu.memory_space<hbm>>
        tpu.enqueue_dma source(%dma_start3A_187 : memref<2x128xi32, #tpu.memory_space<hbm>>) target(%arg7 : memref<2x128xi32, #tpu.memory_space<vmem>>) target_semaphore(%arg14 : memref<!tpu.dma_semaphore, #tpu.memory_space<semaphore_mem>>)
      } else {
      }
      %add3A_135 = arith.constant 2 : i32
      %add3A_136 = arith.addi %add3A_94, %add3A_135 : i32
      %dma_wait3A_137 = arith.constant 0 : i32
      %dma_wait3A_138 = arith.constant 0 : i32
      %dma_wait3A_139 = tpu.memref_slice %arg8[%dma_wait3A_137, %dma_wait3A_138] : memref<2x128xi32, #tpu.memory_space<vmem>> -> memref<1x128xi32, #tpu.memory_space<vmem>>
      %dma_wait3A_140 = tpu.memref_squeeze %dma_wait3A_139 : memref<1x128xi32, #tpu.memory_space<vmem>> -> memref<128xi32, #tpu.memory_space<vmem>>
      %dma_wait3A_141 = arith.constant 0 : i32
      %dma_wait3A_142 = arith.constant 0 : i32
      %dma_wait3A_143 = tpu.memref_slice %arg2[%dma_wait3A_141, %dma_wait3A_142] : memref<10240x128xf32, #tpu.memory_space<hbm>> -> memref<10240x128xf32, #tpu.memory_space<hbm>>
      tpu.wait_indirect_dma semaphore(%arg17 : memref<!tpu.dma_semaphore, #tpu.memory_space<semaphore_mem>>) src(%dma_wait3A_143 : memref<10240x128xf32, #tpu.memory_space<hbm>>) dst(%arg10 : memref<128x128xf32, #tpu.memory_space<vmem>>)
      %run_scoped3A_144 = arith.constant 1 : i32
      "tpu.region"() ({
        %run_scoped3A_179 = tpu.sem_alloc : memref<!tpu.dma_semaphore, #tpu.memory_space<semaphore_mem>>
        %dma_start3A_180 = arith.constant 0 : i32
        %dma_start3A_181 = tpu.memref_slice %arg8[%run_scoped3A_144, %dma_start3A_180] : memref<2x128xi32, #tpu.memory_space<vmem>> -> memref<1x128xi32, #tpu.memory_space<vmem>>
        %dma_start3A_182 = tpu.memref_squeeze %dma_start3A_181 : memref<1x128xi32, #tpu.memory_space<vmem>> -> memref<128xi32, #tpu.memory_space<vmem>>
        %dma_start3A_183 = arith.constant 0 : i32
        %dma_start3A_184 = arith.constant 0 : i32
        %dma_start3A_185 = tpu.memref_slice %arg12[%dma_start3A_183, %dma_start3A_184] : memref<10240x128xf32, #tpu.memory_space<vmem_shared>> -> memref<10240x128xf32, #tpu.memory_space<vmem_shared>>
        tpu.enqueue_indirect_dma source(%arg10 : memref<128x128xf32, #tpu.memory_space<vmem>>) target(%dma_start3A_185 : memref<10240x128xf32, #tpu.memory_space<vmem_shared>>) offsets(%dma_start3A_182 : memref<128xi32, #tpu.memory_space<vmem>>) semaphore(%run_scoped3A_179 : memref<!tpu.dma_semaphore, #tpu.memory_space<semaphore_mem>>) {add = true}
        %dma_wait3A_186 = arith.constant 0 : i32
        %dma_wait3A_187 = tpu.memref_slice %arg8[%run_scoped3A_144, %dma_wait3A_186] : memref<2x128xi32, #tpu.memory_space<vmem>> -> memref<1x128xi32, #tpu.memory_space<vmem>>
        %dma_wait3A_188 = tpu.memref_squeeze %dma_wait3A_187 : memref<1x128xi32, #tpu.memory_space<vmem>> -> memref<128xi32, #tpu.memory_space<vmem>>
        %dma_wait3A_189 = arith.constant 0 : i32
        %dma_wait3A_190 = arith.constant 0 : i32
        %dma_wait3A_191 = tpu.memref_slice %arg12[%dma_wait3A_189, %dma_wait3A_190] : memref<10240x128xf32, #tpu.memory_space<vmem_shared>> -> memref<10240x128xf32, #tpu.memory_space<vmem_shared>>
        tpu.wait_indirect_dma semaphore(%run_scoped3A_179 : memref<!tpu.dma_semaphore, #tpu.memory_space<semaphore_mem>>) src(%arg10 : memref<128x128xf32, #tpu.memory_space<vmem>>) dst(%dma_wait3A_191 : memref<10240x128xf32, #tpu.memory_space<vmem_shared>>)
        tpu.yield
      }) : () -> ()
      %add3A_145 = arith.constant 2 : i32
      %add3A_146 = arith.addi %add3A_136, %add3A_145 : i32
      %lt3A_147 = arith.cmpi slt, %add3A_146, %select_n3A : i32
      %convert_element_type3A_148 = arith.extui %lt3A_147 : i1 to i32
      %cond3A_149 = arith.constant 0 : i32
      %cond3A_150 = arith.cmpi ne, %convert_element_type3A_148, %cond3A_149 : i32
      scf.if %cond3A_150 {
        %add3A_179 = arith.constant 2 : i32
        %add3A_180 = arith.addi %add3A_136, %add3A_179 : i32
        %add3A_181 = arith.addi %select_n3A_8, %add3A_180 : i32
        %mul3A_182 = arith.constant 2 : i32
        %mul3A_183 = arith.muli %mul3A_182, %add3A_181 : i32
        %dma_wait3A_184 = arith.constant 0 : i32
        %dma_wait3A_185 = tpu.memref_slice %arg3[%mul3A_183, %dma_wait3A_184] : memref<5120x128xi32, #tpu.memory_space<hbm>> -> memref<2x128xi32, #tpu.memory_space<hbm>>
        %dma_wait3A_186 = arith.constant 0 : i32
        %dma_wait3A_187 = tpu.memref_slice %arg3[%mul3A_183, %dma_wait3A_186] : memref<5120x128xi32, #tpu.memory_space<hbm>> -> memref<2x128xi32, #tpu.memory_space<hbm>>
        tpu.wait_dma2 semaphore(%arg13 : memref<!tpu.dma_semaphore, #tpu.memory_space<semaphore_mem>>) src(%dma_wait3A_187 : memref<2x128xi32, #tpu.memory_space<hbm>>) dst(%arg6 : memref<2x128xi32, #tpu.memory_space<vmem>>)
        %dma_start3A_188 = arith.constant 0 : i32
        %dma_start3A_189 = arith.constant 0 : i32
        %dma_start3A_190 = tpu.memref_slice %arg6[%dma_start3A_188, %dma_start3A_189] : memref<2x128xi32, #tpu.memory_space<vmem>> -> memref<1x128xi32, #tpu.memory_space<vmem>>
        %dma_start3A_191 = tpu.memref_squeeze %dma_start3A_190 : memref<1x128xi32, #tpu.memory_space<vmem>> -> memref<128xi32, #tpu.memory_space<vmem>>
        %dma_start3A_192 = arith.constant 0 : i32
        %dma_start3A_193 = arith.constant 0 : i32
        %dma_start3A_194 = tpu.memref_slice %arg2[%dma_start3A_192, %dma_start3A_193] : memref<10240x128xf32, #tpu.memory_space<hbm>> -> memref<10240x128xf32, #tpu.memory_space<hbm>>
        tpu.enqueue_indirect_dma source(%dma_start3A_194 : memref<10240x128xf32, #tpu.memory_space<hbm>>) target(%arg10 : memref<128x128xf32, #tpu.memory_space<vmem>>) offsets(%dma_start3A_191 : memref<128xi32, #tpu.memory_space<vmem>>) semaphore(%arg17 : memref<!tpu.dma_semaphore, #tpu.memory_space<semaphore_mem>>)
      } else {
      }
      %add3A_151 = arith.constant 4 : i32
      %add3A_152 = arith.addi %add3A_136, %add3A_151 : i32
      %lt3A_153 = arith.cmpi slt, %add3A_152, %select_n3A : i32
      %convert_element_type3A_154 = arith.extui %lt3A_153 : i1 to i32
      %cond3A_155 = arith.constant 0 : i32
      %cond3A_156 = arith.cmpi ne, %convert_element_type3A_154, %cond3A_155 : i32
      scf.if %cond3A_156 {
        %add3A_179 = arith.constant 4 : i32
        %add3A_180 = arith.addi %add3A_136, %add3A_179 : i32
        %add3A_181 = arith.addi %select_n3A_8, %add3A_180 : i32
        %mul3A_182 = arith.constant 2 : i32
        %mul3A_183 = arith.muli %mul3A_182, %add3A_181 : i32
        %dma_start3A_184 = arith.constant 0 : i32
        %dma_start3A_185 = tpu.memref_slice %arg3[%mul3A_183, %dma_start3A_184] : memref<5120x128xi32, #tpu.memory_space<hbm>> -> memref<2x128xi32, #tpu.memory_space<hbm>>
        %dma_start3A_186 = arith.constant 0 : i32
        %dma_start3A_187 = tpu.memref_slice %arg3[%mul3A_183, %dma_start3A_186] : memref<5120x128xi32, #tpu.memory_space<hbm>> -> memref<2x128xi32, #tpu.memory_space<hbm>>
        tpu.enqueue_dma source(%dma_start3A_187 : memref<2x128xi32, #tpu.memory_space<hbm>>) target(%arg8 : memref<2x128xi32, #tpu.memory_space<vmem>>) target_semaphore(%arg15 : memref<!tpu.dma_semaphore, #tpu.memory_space<semaphore_mem>>)
      } else {
      }
      %add3A_157 = arith.constant 3 : i32
      %add3A_158 = arith.addi %add3A_94, %add3A_157 : i32
      %dma_wait3A_159 = arith.constant 0 : i32
      %dma_wait3A_160 = arith.constant 0 : i32
      %dma_wait3A_161 = tpu.memref_slice %arg9[%dma_wait3A_159, %dma_wait3A_160] : memref<2x128xi32, #tpu.memory_space<vmem>> -> memref<1x128xi32, #tpu.memory_space<vmem>>
      %dma_wait3A_162 = tpu.memref_squeeze %dma_wait3A_161 : memref<1x128xi32, #tpu.memory_space<vmem>> -> memref<128xi32, #tpu.memory_space<vmem>>
      %dma_wait3A_163 = arith.constant 0 : i32
      %dma_wait3A_164 = arith.constant 0 : i32
      %dma_wait3A_165 = tpu.memref_slice %arg2[%dma_wait3A_163, %dma_wait3A_164] : memref<10240x128xf32, #tpu.memory_space<hbm>> -> memref<10240x128xf32, #tpu.memory_space<hbm>>
      tpu.wait_indirect_dma semaphore(%arg18 : memref<!tpu.dma_semaphore, #tpu.memory_space<semaphore_mem>>) src(%dma_wait3A_165 : memref<10240x128xf32, #tpu.memory_space<hbm>>) dst(%arg11 : memref<128x128xf32, #tpu.memory_space<vmem>>)
      %run_scoped3A_166 = arith.constant 1 : i32
      "tpu.region"() ({
        %run_scoped3A_179 = tpu.sem_alloc : memref<!tpu.dma_semaphore, #tpu.memory_space<semaphore_mem>>
        %dma_start3A_180 = arith.constant 0 : i32
        %dma_start3A_181 = tpu.memref_slice %arg9[%run_scoped3A_166, %dma_start3A_180] : memref<2x128xi32, #tpu.memory_space<vmem>> -> memref<1x128xi32, #tpu.memory_space<vmem>>
        %dma_start3A_182 = tpu.memref_squeeze %dma_start3A_181 : memref<1x128xi32, #tpu.memory_space<vmem>> -> memref<128xi32, #tpu.memory_space<vmem>>
        %dma_start3A_183 = arith.constant 0 : i32
        %dma_start3A_184 = arith.constant 0 : i32
        %dma_start3A_185 = tpu.memref_slice %arg12[%dma_start3A_183, %dma_start3A_184] : memref<10240x128xf32, #tpu.memory_space<vmem_shared>> -> memref<10240x128xf32, #tpu.memory_space<vmem_shared>>
        tpu.enqueue_indirect_dma source(%arg11 : memref<128x128xf32, #tpu.memory_space<vmem>>) target(%dma_start3A_185 : memref<10240x128xf32, #tpu.memory_space<vmem_shared>>) offsets(%dma_start3A_182 : memref<128xi32, #tpu.memory_space<vmem>>) semaphore(%run_scoped3A_179 : memref<!tpu.dma_semaphore, #tpu.memory_space<semaphore_mem>>) {add = true}
        %dma_wait3A_186 = arith.constant 0 : i32
        %dma_wait3A_187 = tpu.memref_slice %arg9[%run_scoped3A_166, %dma_wait3A_186] : memref<2x128xi32, #tpu.memory_space<vmem>> -> memref<1x128xi32, #tpu.memory_space<vmem>>
        %dma_wait3A_188 = tpu.memref_squeeze %dma_wait3A_187 : memref<1x128xi32, #tpu.memory_space<vmem>> -> memref<128xi32, #tpu.memory_space<vmem>>
        %dma_wait3A_189 = arith.constant 0 : i32
        %dma_wait3A_190 = arith.constant 0 : i32
        %dma_wait3A_191 = tpu.memref_slice %arg12[%dma_wait3A_189, %dma_wait3A_190] : memref<10240x128xf32, #tpu.memory_space<vmem_shared>> -> memref<10240x128xf32, #tpu.memory_space<vmem_shared>>
        tpu.wait_indirect_dma semaphore(%run_scoped3A_179 : memref<!tpu.dma_semaphore, #tpu.memory_space<semaphore_mem>>) src(%arg11 : memref<128x128xf32, #tpu.memory_space<vmem>>) dst(%dma_wait3A_191 : memref<10240x128xf32, #tpu.memory_space<vmem_shared>>)
        tpu.yield
      }) : () -> ()
      %add3A_167 = arith.constant 2 : i32
      %add3A_168 = arith.addi %add3A_158, %add3A_167 : i32
      %lt3A_169 = arith.cmpi slt, %add3A_168, %select_n3A : i32
      %convert_element_type3A_170 = arith.extui %lt3A_169 : i1 to i32
      %cond3A_171 = arith.constant 0 : i32
      %cond3A_172 = arith.cmpi ne, %convert_element_type3A_170, %cond3A_171 : i32
      scf.if %cond3A_172 {
        %add3A_179 = arith.constant 2 : i32
        %add3A_180 = arith.addi %add3A_158, %add3A_179 : i32
        %add3A_181 = arith.addi %select_n3A_8, %add3A_180 : i32
        %mul3A_182 = arith.constant 2 : i32
        %mul3A_183 = arith.muli %mul3A_182, %add3A_181 : i32
        %dma_wait3A_184 = arith.constant 0 : i32
        %dma_wait3A_185 = tpu.memref_slice %arg3[%mul3A_183, %dma_wait3A_184] : memref<5120x128xi32, #tpu.memory_space<hbm>> -> memref<2x128xi32, #tpu.memory_space<hbm>>
        %dma_wait3A_186 = arith.constant 0 : i32
        %dma_wait3A_187 = tpu.memref_slice %arg3[%mul3A_183, %dma_wait3A_186] : memref<5120x128xi32, #tpu.memory_space<hbm>> -> memref<2x128xi32, #tpu.memory_space<hbm>>
        tpu.wait_dma2 semaphore(%arg14 : memref<!tpu.dma_semaphore, #tpu.memory_space<semaphore_mem>>) src(%dma_wait3A_187 : memref<2x128xi32, #tpu.memory_space<hbm>>) dst(%arg7 : memref<2x128xi32, #tpu.memory_space<vmem>>)
        %dma_start3A_188 = arith.constant 0 : i32
        %dma_start3A_189 = arith.constant 0 : i32
        %dma_start3A_190 = tpu.memref_slice %arg7[%dma_start3A_188, %dma_start3A_189] : memref<2x128xi32, #tpu.memory_space<vmem>> -> memref<1x128xi32, #tpu.memory_space<vmem>>
        %dma_start3A_191 = tpu.memref_squeeze %dma_start3A_190 : memref<1x128xi32, #tpu.memory_space<vmem>> -> memref<128xi32, #tpu.memory_space<vmem>>
        %dma_start3A_192 = arith.constant 0 : i32
        %dma_start3A_193 = arith.constant 0 : i32
        %dma_start3A_194 = tpu.memref_slice %arg2[%dma_start3A_192, %dma_start3A_193] : memref<10240x128xf32, #tpu.memory_space<hbm>> -> memref<10240x128xf32, #tpu.memory_space<hbm>>
        tpu.enqueue_indirect_dma source(%dma_start3A_194 : memref<10240x128xf32, #tpu.memory_space<hbm>>) target(%arg11 : memref<128x128xf32, #tpu.memory_space<vmem>>) offsets(%dma_start3A_191 : memref<128xi32, #tpu.memory_space<vmem>>) semaphore(%arg18 : memref<!tpu.dma_semaphore, #tpu.memory_space<semaphore_mem>>)
      } else {
      }
      %add3A_173 = arith.constant 4 : i32
      %add3A_174 = arith.addi %add3A_158, %add3A_173 : i32
      %lt3A_175 = arith.cmpi slt, %add3A_174, %select_n3A : i32
      %convert_element_type3A_176 = arith.extui %lt3A_175 : i1 to i32
      %cond3A_177 = arith.constant 0 : i32
      %cond3A_178 = arith.cmpi ne, %convert_element_type3A_176, %cond3A_177 : i32
      scf.if %cond3A_178 {
        %add3A_179 = arith.constant 4 : i32
        %add3A_180 = arith.addi %add3A_158, %add3A_179 : i32
        %add3A_181 = arith.addi %select_n3A_8, %add3A_180 : i32
        %mul3A_182 = arith.constant 2 : i32
        %mul3A_183 = arith.muli %mul3A_182, %add3A_181 : i32
        %dma_start3A_184 = arith.constant 0 : i32
        %dma_start3A_185 = tpu.memref_slice %arg3[%mul3A_183, %dma_start3A_184] : memref<5120x128xi32, #tpu.memory_space<hbm>> -> memref<2x128xi32, #tpu.memory_space<hbm>>
        %dma_start3A_186 = arith.constant 0 : i32
        %dma_start3A_187 = tpu.memref_slice %arg3[%mul3A_183, %dma_start3A_186] : memref<5120x128xi32, #tpu.memory_space<hbm>> -> memref<2x128xi32, #tpu.memory_space<hbm>>
        tpu.enqueue_dma source(%dma_start3A_187 : memref<2x128xi32, #tpu.memory_space<hbm>>) target(%arg9 : memref<2x128xi32, #tpu.memory_space<vmem>>) target_semaphore(%arg16 : memref<!tpu.dma_semaphore, #tpu.memory_space<semaphore_mem>>)
      } else {
      }
    }
    %barrier3A_87 = arith.constant 0 : index
    tpu.barrier barrier_id(%barrier3A_87)
    %mul3A_88 = arith.constant 640 : i32
    %mul3A_89 = arith.muli %arg1, %mul3A_88 : i32
    %mul3A_90 = arith.constant 640 : i32
    %mul3A_91 = arith.muli %arg1, %mul3A_90 : i32
    "tpu.region"() ({
      %run_scoped3A = tpu.sem_alloc : memref<!tpu.dma_semaphore, #tpu.memory_space<semaphore_mem>>
      %dma_start3A_92 = arith.constant 0 : i32
      %dma_start3A_93 = tpu.memref_slice %arg5[%arg0, %mul3A_91, %dma_start3A_92] : memref<2x10240x128xf32, #tpu.memory_space<hbm>> -> memref<1x640x128xf32, #tpu.memory_space<hbm>>
      %dma_start3A_94 = tpu.memref_squeeze %dma_start3A_93 : memref<1x640x128xf32, #tpu.memory_space<hbm>> -> memref<640x128xf32, #tpu.memory_space<hbm>>
      %dma_start3A_95 = arith.constant 0 : i32
      %dma_start3A_96 = tpu.memref_slice %arg12[%mul3A_89, %dma_start3A_95] : memref<10240x128xf32, #tpu.memory_space<vmem_shared>> -> memref<640x128xf32, #tpu.memory_space<vmem_shared>>
      tpu.enqueue_dma source(%dma_start3A_96 : memref<640x128xf32, #tpu.memory_space<vmem_shared>>) target(%dma_start3A_94 : memref<640x128xf32, #tpu.memory_space<hbm>>) target_semaphore(%run_scoped3A : memref<!tpu.dma_semaphore, #tpu.memory_space<semaphore_mem>>)
      %dma_wait3A_97 = arith.constant 0 : i32
      %dma_wait3A_98 = tpu.memref_slice %arg5[%arg0, %mul3A_91, %dma_wait3A_97] : memref<2x10240x128xf32, #tpu.memory_space<hbm>> -> memref<1x640x128xf32, #tpu.memory_space<hbm>>
      %dma_wait3A_99 = tpu.memref_squeeze %dma_wait3A_98 : memref<1x640x128xf32, #tpu.memory_space<hbm>> -> memref<640x128xf32, #tpu.memory_space<hbm>>
      %dma_wait3A_100 = arith.constant 0 : i32
      %dma_wait3A_101 = tpu.memref_slice %arg12[%mul3A_89, %dma_wait3A_100] : memref<10240x128xf32, #tpu.memory_space<vmem_shared>> -> memref<640x128xf32, #tpu.memory_space<vmem_shared>>
      tpu.wait_dma2 semaphore(%run_scoped3A : memref<!tpu.dma_semaphore, #tpu.memory_space<semaphore_mem>>) src(%dma_wait3A_101 : memref<640x128xf32, #tpu.memory_space<vmem_shared>>) dst(%dma_wait3A_99 : memref<640x128xf32, #tpu.memory_space<hbm>>)
      tpu.yield
    }) : () -> ()
    return
  }
}

module attributes {stable_mosaic.version = 14 : i64} {
  func.func @_mm_body(%arg0: i32, %arg1: memref<1024x128xf32, #tpu.memory_space<vmem>>, %arg2: memref<128x128xf32, #tpu.memory_space<vmem>>, %arg3: memref<1024x128xf32, #tpu.memory_space<vmem>>) attributes {dimension_semantics = [#tpu.dimension_semantics<arbitrary>], iteration_bounds = array<i64: 10>, scalar_prefetch = 0 : i64, scratch_operands = 0 : i64, tpu.core_type = #tpu.core_type<tc>, window_params = [{transform_indices = @transform_0, window_bounds = array<i64: 1024, 128>}, {pipeline_mode = #tpu.pipeline_mode<synchronous>, transform_indices = @transform_1, window_bounds = array<i64: 128, 128>}, {transform_indices = @transform_2, window_bounds = array<i64: 1024, 128>}]} {
    %get3A = arith.constant 0 : index
    %get3A_0 = arith.constant 0 : index
    %get3A_1 = vector.load %arg1[%get3A, %get3A_0] : memref<1024x128xf32, #tpu.memory_space<vmem>>, vector<1024x128xf32>
    %get3A_2 = arith.constant 0 : index
    %get3A_3 = arith.constant 0 : index
    %get3A_4 = vector.load %arg2[%get3A_2, %get3A_3] : memref<128x128xf32, #tpu.memory_space<vmem>>, vector<128x128xf32>
    %dot_general3A = arith.constant dense<0.000000e+00> : vector<1024x128xf32>
    %dot_general3A_5 = tpu.matmul %get3A_1, %get3A_4, %dot_general3A {dimension_numbers = #tpu.dot_dimension_numbers<[1], [0], [0], [1], [0, 0, 1, 1], [], []>, transpose_lhs_hint = false} : vector<1024x128xf32>, vector<128x128xf32>, vector<1024x128xf32> -> vector<1024x128xf32>
    %swap3A = arith.constant 0 : index
    %swap3A_6 = arith.constant 0 : index
    %swap3A_7 = vector.load %arg3[%swap3A, %swap3A_6] : memref<1024x128xf32, #tpu.memory_space<vmem>>, vector<1024x128xf32>
    tpu.vector_store %arg3[%swap3A, %swap3A_6], %dot_general3A_5 {strides = array<i32>} : memref<1024x128xf32, #tpu.memory_space<vmem>>, vector<1024x128xf32>,
    return
  }
  func.func @transform_0(%arg0: i32) -> (i32, i32) {
    %c0_i32 = arith.constant 0 : i32
    %c0_i32_0 = arith.constant 0 : i32
    return %arg0, %c0_i32 : i32, i32
  }
  func.func @transform_1(%arg0: i32) -> (i32, i32) {
    %c0_i32 = arith.constant 0 : i32
    %c0_i32_0 = arith.constant 0 : i32
    %c0_i32_1 = arith.constant 0 : i32
    return %c0_i32, %c0_i32_0 : i32, i32
  }
  func.func @transform_2(%arg0: i32) -> (i32, i32) {
    %c0_i32 = arith.constant 0 : i32
    %c0_i32_0 = arith.constant 0 : i32
    return %arg0, %c0_i32 : i32, i32
  }
}

module attributes {stable_mosaic.version = 14 : i64} {
  func.func @_mid_body(%arg0: i32, %arg1: memref<2x1024x128xf32, #tpu.memory_space<vmem>>, %arg2: memref<1024x128xf32, #tpu.memory_space<vmem>>, %arg3: memref<1024x1xf32, #tpu.memory_space<vmem>>, %arg4: memref<1x128xf32, #tpu.memory_space<vmem>>, %arg5: memref<128x128xf32, #tpu.memory_space<vmem>>, %arg6: memref<1x128xf32, #tpu.memory_space<vmem>>, %arg7: memref<128x128xf32, #tpu.memory_space<vmem>>, %arg8: memref<1024x128xf32, #tpu.memory_space<vmem>>) attributes {dimension_semantics = [#tpu.dimension_semantics<arbitrary>], iteration_bounds = array<i64: 10>, scalar_prefetch = 0 : i64, scratch_operands = 0 : i64, tpu.core_type = #tpu.core_type<tc>, window_params = [{transform_indices = @transform_0, window_bounds = array<i64: 2, 1024, 128>}, {transform_indices = @transform_1, window_bounds = array<i64: 1024, 128>}, {transform_indices = @transform_2, window_bounds = array<i64: 1024, 1>}, {pipeline_mode = #tpu.pipeline_mode<synchronous>, transform_indices = @transform_3, window_bounds = array<i64: 1, 128>}, {pipeline_mode = #tpu.pipeline_mode<synchronous>, transform_indices = @transform_4, window_bounds = array<i64: 128, 128>}, {pipeline_mode = #tpu.pipeline_mode<synchronous>, transform_indices = @transform_5, window_bounds = array<i64: 1, 128>}, {pipeline_mode = #tpu.pipeline_mode<synchronous>, transform_indices = @transform_6, window_bounds = array<i64: 128, 128>}, {transform_indices = @transform_7, window_bounds = array<i64: 1024, 128>}]} {
    %get3A = arith.constant 0 : index
    %get3A_0 = arith.constant 0 : index
    %get3A_1 = vector.load %arg3[%get3A, %get3A_0] : memref<1024x1xf32, #tpu.memory_space<vmem>>, vector<1024x1xf32>
    %get3A_2 = arith.constant 0 : index
    %get3A_3 = arith.constant 0 : index
    %get3A_4 = arith.constant 0 : index
    %get3A_5 = vector.load %arg1[%get3A_2, %get3A_3, %get3A_4] : memref<2x1024x128xf32, #tpu.memory_space<vmem>>, vector<1x1024x128xf32>
    %get3A_6 = vector.shape_cast %get3A_5 : vector<1x1024x128xf32> to vector<1024x128xf32>
    %get3A_7 = arith.constant 1 : index
    %get3A_8 = arith.constant 0 : index
    %get3A_9 = arith.constant 0 : index
    %get3A_10 = vector.load %arg1[%get3A_7, %get3A_8, %get3A_9] : memref<2x1024x128xf32, #tpu.memory_space<vmem>>, vector<1x1024x128xf32>
    %get3A_11 = vector.shape_cast %get3A_10 : vector<1x1024x128xf32> to vector<1024x128xf32>
    %add3A = arith.addf %get3A_6, %get3A_11 : vector<1024x128xf32>
    %get3A_12 = arith.constant 0 : index
    %get3A_13 = arith.constant 0 : index
    %get3A_14 = vector.load %arg2[%get3A_12, %get3A_13] : memref<1024x128xf32, #tpu.memory_space<vmem>>, vector<1024x128xf32>
    %add3A_15 = arith.addf %add3A, %get3A_14 : vector<1024x128xf32>
    %mul3A = vector.broadcast %get3A_1 : vector<1024x1xf32> to vector<1024x128xf32>
    %mul3A_16 = arith.mulf %add3A_15, %mul3A : vector<1024x128xf32>
    %get3A_17 = arith.constant 0 : index
    %get3A_18 = arith.constant 0 : index
    %get3A_19 = vector.load %arg4[%get3A_17, %get3A_18] : memref<1x128xf32, #tpu.memory_space<vmem>>, vector<1x128xf32>
    %add3A_20 = vector.broadcast %get3A_19 : vector<1x128xf32> to vector<1024x128xf32>
    %add3A_21 = arith.addf %mul3A_16, %add3A_20 : vector<1024x128xf32>
    %tanh3A = math.tanh %add3A_21 : vector<1024x128xf32>
    %get3A_22 = arith.constant 0 : index
    %get3A_23 = arith.constant 0 : index
    %get3A_24 = vector.load %arg5[%get3A_22, %get3A_23] : memref<128x128xf32, #tpu.memory_space<vmem>>, vector<128x128xf32>
    %dot_general3A = arith.constant dense<0.000000e+00> : vector<1024x128xf32>
    %dot_general3A_25 = tpu.matmul %tanh3A, %get3A_24, %dot_general3A {dimension_numbers = #tpu.dot_dimension_numbers<[1], [0], [0], [1], [0, 0, 1, 1], [], []>, transpose_lhs_hint = false} : vector<1024x128xf32>, vector<128x128xf32>, vector<1024x128xf32> -> vector<1024x128xf32>
    %get3A_26 = arith.constant 0 : index
    %get3A_27 = arith.constant 0 : index
    %get3A_28 = vector.load %arg6[%get3A_26, %get3A_27] : memref<1x128xf32, #tpu.memory_space<vmem>>, vector<1x128xf32>
    %add3A_29 = vector.broadcast %get3A_28 : vector<1x128xf32> to vector<1024x128xf32>
    %add3A_30 = arith.addf %dot_general3A_25, %add3A_29 : vector<1024x128xf32>
    %get3A_31 = arith.constant 0 : index
    %get3A_32 = arith.constant 0 : index
    %get3A_33 = vector.load %arg7[%get3A_31, %get3A_32] : memref<128x128xf32, #tpu.memory_space<vmem>>, vector<128x128xf32>
    %dot_general3A_34 = arith.constant dense<0.000000e+00> : vector<1024x128xf32>
    %dot_general3A_35 = tpu.matmul %add3A_30, %get3A_33, %dot_general3A_34 {dimension_numbers = #tpu.dot_dimension_numbers<[1], [0], [0], [1], [0, 0, 1, 1], [], []>, transpose_lhs_hint = false} : vector<1024x128xf32>, vector<128x128xf32>, vector<1024x128xf32> -> vector<1024x128xf32>
    %mul3A_36 = vector.broadcast %get3A_1 : vector<1024x1xf32> to vector<1024x128xf32>
    %mul3A_37 = arith.mulf %dot_general3A_35, %mul3A_36 : vector<1024x128xf32>
    %swap3A = arith.constant 0 : index
    %swap3A_38 = arith.constant 0 : index
    %swap3A_39 = vector.load %arg8[%swap3A, %swap3A_38] : memref<1024x128xf32, #tpu.memory_space<vmem>>, vector<1024x128xf32>
    tpu.vector_store %arg8[%swap3A, %swap3A_38], %mul3A_37 {strides = array<i32>} : memref<1024x128xf32, #tpu.memory_space<vmem>>, vector<1024x128xf32>,
    return
  }
  func.func @transform_0(%arg0: i32) -> (i32, i32, i32) {
    %c0_i32 = arith.constant 0 : i32
    %c0_i32_0 = arith.constant 0 : i32
    %c0_i32_1 = arith.constant 0 : i32
    return %c0_i32, %arg0, %c0_i32_0 : i32, i32, i32
  }
  func.func @transform_1(%arg0: i32) -> (i32, i32) {
    %c0_i32 = arith.constant 0 : i32
    %c0_i32_0 = arith.constant 0 : i32
    return %arg0, %c0_i32 : i32, i32
  }
  func.func @transform_2(%arg0: i32) -> (i32, i32) {
    %c0_i32 = arith.constant 0 : i32
    %c0_i32_0 = arith.constant 0 : i32
    return %arg0, %c0_i32 : i32, i32
  }
  func.func @transform_3(%arg0: i32) -> (i32, i32) {
    %c0_i32 = arith.constant 0 : i32
    %c0_i32_0 = arith.constant 0 : i32
    %c0_i32_1 = arith.constant 0 : i32
    return %c0_i32, %c0_i32_0 : i32, i32
  }
  func.func @transform_4(%arg0: i32) -> (i32, i32) {
    %c0_i32 = arith.constant 0 : i32
    %c0_i32_0 = arith.constant 0 : i32
    %c0_i32_1 = arith.constant 0 : i32
    return %c0_i32, %c0_i32_0 : i32, i32
  }
  func.func @transform_5(%arg0: i32) -> (i32, i32) {
    %c0_i32 = arith.constant 0 : i32
    %c0_i32_0 = arith.constant 0 : i32
    %c0_i32_1 = arith.constant 0 : i32
    return %c0_i32, %c0_i32_0 : i32, i32
  }
  func.func @transform_6(%arg0: i32) -> (i32, i32) {
    %c0_i32 = arith.constant 0 : i32
    %c0_i32_0 = arith.constant 0 : i32
    %c0_i32_1 = arith.constant 0 : i32
    return %c0_i32, %c0_i32_0 : i32, i32
  }
  func.func @transform_7(%arg0: i32) -> (i32, i32) {
    %c0_i32 = arith.constant 0 : i32
    %c0_i32_0 = arith.constant 0 : i32
    return %arg0, %c0_i32 : i32, i32
  }
}

module attributes {stable_mosaic.version = 14 : i64} {
  func.func @_prep_body(%arg0: i32, %arg1: memref<32x1024xf32, #tpu.memory_space<vmem>>, %arg2: memref<1024x128xf32, #tpu.memory_space<vmem>>, %arg3: memref<1024x1xf32, #tpu.memory_space<vmem>>, %arg4: memref<1024x128xf32, #tpu.memory_space<vmem>>) attributes {dimension_semantics = [#tpu.dimension_semantics<arbitrary>], iteration_bounds = array<i64: 10>, scalar_prefetch = 0 : i64, scratch_operands = 0 : i64, tpu.core_type = #tpu.core_type<tc>, window_params = [{transform_indices = @transform_0, window_bounds = array<i64: 32, 1024>}, {transform_indices = @transform_1, window_bounds = array<i64: 1024, 128>}, {transform_indices = @transform_2, window_bounds = array<i64: 1024, 1>}, {transform_indices = @transform_3, window_bounds = array<i64: 1024, 128>}]} {
    %broadcast_in_dim3A = arith.constant 1.000000e+00 : f32
    %broadcast_in_dim3A_0 = vector.broadcast %broadcast_in_dim3A : f32 to vector<32x1xf32>
    %get3A = arith.constant 0 : index
    %get3A_1 = arith.constant 0 : index
    %get3A_2 = vector.load %arg1[%get3A, %get3A_1] : memref<32x1024xf32, #tpu.memory_space<vmem>>, vector<32x1024xf32>
    %dot_general3A = arith.constant dense<0.000000e+00> : vector<1024x1xf32>
    %dot_general3A_3 = tpu.matmul %get3A_2, %broadcast_in_dim3A_0, %dot_general3A {dimension_numbers = #tpu.dot_dimension_numbers<[0], [0], [1], [1], [0, 1, 1, 1], [], []>, transpose_lhs_hint = false} : vector<32x1024xf32>, vector<32x1xf32>, vector<1024x1xf32> -> vector<1024x1xf32>
    %add3A = arith.constant 1.000000e+00 : f32
    %add3A_4 = vector.broadcast %add3A : f32 to vector<1024x1xf32>
    %add3A_5 = arith.addf %dot_general3A_3, %add3A_4 : vector<1024x1xf32>
    %rsqrt3A = math.rsqrt %add3A_5 : vector<1024x1xf32>
    %swap3A = arith.constant 0 : index
    %swap3A_6 = arith.constant 0 : index
    %swap3A_7 = vector.load %arg3[%swap3A, %swap3A_6] : memref<1024x1xf32, #tpu.memory_space<vmem>>, vector<1024x1xf32>
    tpu.vector_store %arg3[%swap3A, %swap3A_6], %rsqrt3A {strides = array<i32>} : memref<1024x1xf32, #tpu.memory_space<vmem>>, vector<1024x1xf32>,
    %get3A_8 = arith.constant 0 : index
    %get3A_9 = arith.constant 0 : index
    %get3A_10 = vector.load %arg2[%get3A_8, %get3A_9] : memref<1024x128xf32, #tpu.memory_space<vmem>>, vector<1024x128xf32>
    %mul3A = vector.broadcast %rsqrt3A : vector<1024x1xf32> to vector<1024x128xf32>
    %mul3A_11 = arith.mulf %get3A_10, %mul3A : vector<1024x128xf32>
    %swap3A_12 = arith.constant 0 : index
    %swap3A_13 = arith.constant 0 : index
    %swap3A_14 = vector.load %arg4[%swap3A_12, %swap3A_13] : memref<1024x128xf32, #tpu.memory_space<vmem>>, vector<1024x128xf32>
    tpu.vector_store %arg4[%swap3A_12, %swap3A_13], %mul3A_11 {strides = array<i32>} : memref<1024x128xf32, #tpu.memory_space<vmem>>, vector<1024x128xf32>,
    return
  }
  func.func @transform_0(%arg0: i32) -> (i32, i32) {
    %c0_i32 = arith.constant 0 : i32
    %c0_i32_0 = arith.constant 0 : i32
    return %c0_i32, %arg0 : i32, i32
  }
  func.func @transform_1(%arg0: i32) -> (i32, i32) {
    %c0_i32 = arith.constant 0 : i32
    %c0_i32_0 = arith.constant 0 : i32
    return %arg0, %c0_i32 : i32, i32
  }
  func.func @transform_2(%arg0: i32) -> (i32, i32) {
    %c0_i32 = arith.constant 0 : i32
    %c0_i32_0 = arith.constant 0 : i32
    return %arg0, %c0_i32 : i32, i32
  }
  func.func @transform_3(%arg0: i32) -> (i32, i32) {
    %c0_i32 = arith.constant 0 : i32
    %c0_i32_0 = arith.constant 0 : i32
    return %arg0, %c0_i32 : i32, i32
  }
}

module attributes {stable_mosaic.version = 14 : i64} {
  func.func @_fin_body(%arg0: i32, %arg1: memref<2x1024x128xf32, #tpu.memory_space<vmem>>, %arg2: memref<1024x128xf32, #tpu.memory_space<vmem>>, %arg3: memref<1024x1xf32, #tpu.memory_space<vmem>>, %arg4: memref<1x128xf32, #tpu.memory_space<vmem>>, %arg5: memref<128x64xf32, #tpu.memory_space<vmem>>, %arg6: memref<1x64xf32, #tpu.memory_space<vmem>>, %arg7: memref<1x64xf32, #tpu.memory_space<vmem>>) attributes {dimension_semantics = [#tpu.dimension_semantics<arbitrary>], iteration_bounds = array<i64: 10>, scalar_prefetch = 0 : i64, scratch_operands = 0 : i64, tpu.core_type = #tpu.core_type<tc>, window_params = [{transform_indices = @transform_0, window_bounds = array<i64: 2, 1024, 128>}, {transform_indices = @transform_1, window_bounds = array<i64: 1024, 128>}, {transform_indices = @transform_2, window_bounds = array<i64: 1024, 1>}, {pipeline_mode = #tpu.pipeline_mode<synchronous>, transform_indices = @transform_3, window_bounds = array<i64: 1, 128>}, {pipeline_mode = #tpu.pipeline_mode<synchronous>, transform_indices = @transform_4, window_bounds = array<i64: 128, 64>}, {pipeline_mode = #tpu.pipeline_mode<synchronous>, transform_indices = @transform_5, window_bounds = array<i64: 1, 64>}, {pipeline_mode = #tpu.pipeline_mode<synchronous>, transform_indices = @transform_6, window_bounds = array<i64: 1, 64>}]} {
    %get3A = arith.constant 0 : index
    %get3A_0 = arith.constant 0 : index
    %get3A_1 = vector.load %arg3[%get3A, %get3A_0] : memref<1024x1xf32, #tpu.memory_space<vmem>>, vector<1024x1xf32>
    %get3A_2 = arith.constant 0 : index
    %get3A_3 = arith.constant 0 : index
    %get3A_4 = arith.constant 0 : index
    %get3A_5 = vector.load %arg1[%get3A_2, %get3A_3, %get3A_4] : memref<2x1024x128xf32, #tpu.memory_space<vmem>>, vector<1x1024x128xf32>
    %get3A_6 = vector.shape_cast %get3A_5 : vector<1x1024x128xf32> to vector<1024x128xf32>
    %get3A_7 = arith.constant 1 : index
    %get3A_8 = arith.constant 0 : index
    %get3A_9 = arith.constant 0 : index
    %get3A_10 = vector.load %arg1[%get3A_7, %get3A_8, %get3A_9] : memref<2x1024x128xf32, #tpu.memory_space<vmem>>, vector<1x1024x128xf32>
    %get3A_11 = vector.shape_cast %get3A_10 : vector<1x1024x128xf32> to vector<1024x128xf32>
    %add3A = arith.addf %get3A_6, %get3A_11 : vector<1024x128xf32>
    %get3A_12 = arith.constant 0 : index
    %get3A_13 = arith.constant 0 : index
    %get3A_14 = vector.load %arg2[%get3A_12, %get3A_13] : memref<1024x128xf32, #tpu.memory_space<vmem>>, vector<1024x128xf32>
    %add3A_15 = arith.addf %add3A, %get3A_14 : vector<1024x128xf32>
    %mul3A = vector.broadcast %get3A_1 : vector<1024x1xf32> to vector<1024x128xf32>
    %mul3A_16 = arith.mulf %add3A_15, %mul3A : vector<1024x128xf32>
    %get3A_17 = arith.constant 0 : index
    %get3A_18 = arith.constant 0 : index
    %get3A_19 = vector.load %arg4[%get3A_17, %get3A_18] : memref<1x128xf32, #tpu.memory_space<vmem>>, vector<1x128xf32>
    %add3A_20 = vector.broadcast %get3A_19 : vector<1x128xf32> to vector<1024x128xf32>
    %add3A_21 = arith.addf %mul3A_16, %add3A_20 : vector<1024x128xf32>
    %tanh3A = math.tanh %add3A_21 : vector<1024x128xf32>
    %get3A_22 = arith.constant 0 : index
    %get3A_23 = arith.constant 0 : index
    %get3A_24 = vector.load %arg5[%get3A_22, %get3A_23] : memref<128x64xf32, #tpu.memory_space<vmem>>, vector<128x64xf32>
    %dot_general3A = arith.constant dense<0.000000e+00> : vector<1024x64xf32>
    %dot_general3A_25 = tpu.matmul %tanh3A, %get3A_24, %dot_general3A {dimension_numbers = #tpu.dot_dimension_numbers<[1], [0], [0], [1], [0, 0, 1, 1], [], []>, transpose_lhs_hint = false} : vector<1024x128xf32>, vector<128x64xf32>, vector<1024x64xf32> -> vector<1024x64xf32>
    %get3A_26 = arith.constant 0 : index
    %get3A_27 = arith.constant 0 : index
    %get3A_28 = vector.load %arg6[%get3A_26, %get3A_27] : memref<1x64xf32, #tpu.memory_space<vmem>>, vector<1x64xf32>
    %add3A_29 = vector.broadcast %get3A_28 : vector<1x64xf32> to vector<1024x64xf32>
    %add3A_30 = arith.addf %dot_general3A_25, %add3A_29 : vector<1024x64xf32>
    %iota3A = tpu.iota {dimensions = array<i32: 0>} : vector<1024x64xi32>
    %mul3A_31 = arith.constant 1024 : i32
    %mul3A_32 = arith.muli %arg0, %mul3A_31 : i32
    %add3A_33 = vector.broadcast %mul3A_32 : i32 to vector<1024x64xi32>
    %add3A_34 = arith.addi %iota3A, %add3A_33 : vector<1024x64xi32>
    %lt3A = arith.constant 10000 : i32
    %lt3A_35 = vector.broadcast %lt3A : i32 to vector<1024x64xi32>
    %lt3A_36 = arith.cmpi slt, %add3A_34, %lt3A_35 : vector<1024x64xi32>
    %jit3A = arith.constant 0xFF800000 : f32
    %broadcast_in_dim3A = vector.broadcast %jit3A : f32 to vector<1024x64xf32>
    %select_n3A = arith.select %lt3A_36, %add3A_30, %broadcast_in_dim3A : vector<1024x64xi1>, vector<1024x64xf32>
    %reduce_max3A = arith.constant dense<0xFF800000> : vector<64xf32>
    %reduce_max3A_37 = vector.multi_reduction <maximumf>, %select_n3A, %reduce_max3A [0] : vector<1024x64xf32> to vector<64xf32>
    %broadcast_in_dim3A_38 = vector.shape_cast %reduce_max3A_37 : vector<64xf32> to vector<1x64xf32>
    %eq3A = arith.constant 0 : i32
    %eq3A_39 = arith.cmpi eq, %arg0, %eq3A : i32
    %convert_element_type3A = arith.extui %eq3A_39 : i1 to i32
    %cond3A = arith.constant 0 : i32
    %cond3A_40 = arith.cmpi ne, %convert_element_type3A, %cond3A : i32
    scf.if %cond3A_40 {
      %swap3A = arith.constant 0 : index
      %swap3A_45 = arith.constant 0 : index
      %swap3A_46 = vector.load %arg7[%swap3A, %swap3A_45] : memref<1x64xf32, #tpu.memory_space<vmem>>, vector<1x64xf32>
      tpu.vector_store %arg7[%swap3A, %swap3A_45], %broadcast_in_dim3A_38 {strides = array<i32>} : memref<1x64xf32, #tpu.memory_space<vmem>>, vector<1x64xf32>,
    } else {
    }
    %ne3A = arith.constant 0 : i32
    %ne3A_41 = arith.cmpi ne, %arg0, %ne3A : i32
    %convert_element_type3A_42 = arith.extui %ne3A_41 : i1 to i32
    %cond3A_43 = arith.constant 0 : i32
    %cond3A_44 = arith.cmpi ne, %convert_element_type3A_42, %cond3A_43 : i32
    scf.if %cond3A_44 {
      %get3A_45 = arith.constant 0 : index
      %get3A_46 = arith.constant 0 : index
      %get3A_47 = vector.load %arg7[%get3A_45, %get3A_46] : memref<1x64xf32, #tpu.memory_space<vmem>>, vector<1x64xf32>
      %max3A = arith.maximumf %get3A_47, %broadcast_in_dim3A_38 : vector<1x64xf32>
      %swap3A = arith.constant 0 : index
      %swap3A_48 = arith.constant 0 : index
      %swap3A_49 = vector.load %arg7[%swap3A, %swap3A_48] : memref<1x64xf32, #tpu.memory_space<vmem>>, vector<1x64xf32>
      tpu.vector_store %arg7[%swap3A, %swap3A_48], %max3A {strides = array<i32>} : memref<1x64xf32, #tpu.memory_space<vmem>>, vector<1x64xf32>,
    } else {
    }
    return
  }
  func.func @transform_0(%arg0: i32) -> (i32, i32, i32) {
    %c0_i32 = arith.constant 0 : i32
    %c0_i32_0 = arith.constant 0 : i32
    %c0_i32_1 = arith.constant 0 : i32
    return %c0_i32, %arg0, %c0_i32_0 : i32, i32, i32
  }
  func.func @transform_1(%arg0: i32) -> (i32, i32) {
    %c0_i32 = arith.constant 0 : i32
    %c0_i32_0 = arith.constant 0 : i32
    return %arg0, %c0_i32 : i32, i32
  }
  func.func @transform_2(%arg0: i32) -> (i32, i32) {
    %c0_i32 = arith.constant 0 : i32
    %c0_i32_0 = arith.constant 0 : i32
    return %arg0, %c0_i32 : i32, i32
  }
  func.func @transform_3(%arg0: i32) -> (i32, i32) {
    %c0_i32 = arith.constant 0 : i32
    %c0_i32_0 = arith.constant 0 : i32
    %c0_i32_1 = arith.constant 0 : i32
    return %c0_i32, %c0_i32_0 : i32, i32
  }
  func.func @transform_4(%arg0: i32) -> (i32, i32) {
    %c0_i32 = arith.constant 0 : i32
    %c0_i32_0 = arith.constant 0 : i32
    %c0_i32_1 = arith.constant 0 : i32
    return %c0_i32, %c0_i32_0 : i32, i32
  }
  func.func @transform_5(%arg0: i32) -> (i32, i32) {
    %c0_i32 = arith.constant 0 : i32
    %c0_i32_0 = arith.constant 0 : i32
    %c0_i32_1 = arith.constant 0 : i32
    return %c0_i32, %c0_i32_0 : i32, i32
  }
  func.func @transform_6(%arg0: i32) -> (i32, i32) {
    %c0_i32 = arith.constant 0 : i32
    %c0_i32_0 = arith.constant 0 : i32
    %c0_i32_1 = arith.constant 0 : i32
    return %c0_i32, %c0_i32_0 : i32, i32
  }
}

</mosaic_0001>

<sc_bundles>
// kernel: kernel.12.cloned.1.call-start
scs
__scs_entry_jumppad:
0x0: {  	(pc) =	sbr.rel $0x88, $3  }
0x1: {  	(tag) =	ssettag $0x0;
	lr =	simm.s32 $0x1  }
0x2: {  	[smem:$0x3F97] =	sst lr;
	_ =	strace $0xD0000000  }
0x3: {  	_ = 	snop  }
0x4: {  	_ = 	snop  }
0x5: {  	_ = 	snop  }
0x6: {  	_ = 	snop  }
0x7: {  	_ = 	snop  }
__scs_overlays_trampoline_lowered:
0x8: {  	[smem:$0x3FA6] =	sst s0  }
0x9: {  	[smem:$0x3FA7] =	sst s1  }
0xa: {  	[smem:$0x3FA8] =	sst s2  }
0xb: {  	[smem:$0x3FA9] =	sst s3  }
0xc: {  	[smem:$0x3FAA] =	sst s4  }
0xd: {  	[smem:$0x3FAB] =	sst s5  }
0xe: {  	[smem:$0x3FAC] =	sst s6  }
0xf: {  	[smem:$0x3FAD] =	sst s7  }
0x10: {  	[smem:$0x3FAE] =	sst s8  }
0x11: {  	[smem:$0x3FAF] =	sst s9;
	s0 =	simm.s32 @!p0 $0x0  }
0x12: {  	s1 =	sld [smem:$0x3F95];
	s0 =	simm.s32 @p0 $0x1  }
0x13: {  	[smem:$0x3FB0] =	sst s0;
	s0 =	simm.s32 @!p1 $0x0  }
0x14: {  	s2 =	sld [smem:$0x3F94];
	s0 =	simm.s32 @p1 $0x1  }
0x15: {  	[smem:$0x3FB1] =	sst s0;
	s0 =	simm.s32 @!p2 $0x0  }
0x16: {  	s3 =	sld [smem:$0x3FDB];
	s0 =	simm.s32 @p2 $0x1  }
0x17: {  	s4 =	simm.s32 $0x1BF5;
	[smem:$0x3FB3] =	sst s0  }
0x18: {  	s0 =	sld [smem:$0x3F96];
	_ =	swait.ge [sflag:s4], $0x0  }
0x19: {  	s7 =	sld [smem:$0x3F97]  }
0x1a: {  	s8 =	sadd.s32 $0xFFFFE003, lr  }
0x1b: {  	s9 =	sadd.s32 $0xFFFFFEF7, lr;
	s5 =	simm.s32 $0xFFFFFFFF;
	p2 =	slt.u32 s8, $0xFFFFF086  }
0x1c: {  	p1 =	slt.u32 s9, $0xF7A;
	s5 =	simm.s32 @!p2 $0x0  }
0x1d: {  	s5 =	simm.s32 @p1 $0x1;
	p0 =	seq.s32 s7, s2  }
0x1e: {  	s7 =	smul.u32 @!p0 $0xF7A, s2;
	p2 =	seq.s32 @!p0 s5, $0x0  }
0x1f: {  	s9 =	smul.u32 $0xF7A, s1;
	s8 =	simm.s32 @!p0 $0x1BF5;
	p2 =	por !p2, p0  }
0x20: {  	[sflag:s8] =	ssyncset.s32 @!p0 $0xFFFFF086;
	s6 =	sadd.s32 @!p0 s3, s7;
	s7 =	simm.s32 @!p0 $0x108  }
0x21: {  	s3 =	sadd.s32 s3, s9;
	s6 =	sadd.s32 @!p0 $0x88, s6;
	s7 =	simm.s32 @p2 $0x1082  }
0x22: {  	[simem:s7], [sflag:s8] =	dma.local @!p0 [hbm:s6], $0xF7A  }
0x23: {  	s9 =	sor.u32 $0xD0000000, s2;
	s6 =	simm.s32 $0x108;
	_ =	swait.ge @!p0 [sflag:s8], $0x0  }
0x24: {  	s3 =	sadd.s32 $0x88, s3;
	s6 =	simm.s32 @!p1 $0x1082;
	[sflag:s4] =	ssyncset.s32 $0xFFFFF086  }
0x25: {  	[simem:s6], [sflag:s4] =	dma.local [hbm:s3], $0xF7A  }
0x26: {  	[smem:$0x3F97] =	sst s1;
	(tag) =	ssettag s2;
	_ =	strace s9  }
0x27: {  	s1 =	sld [smem:$0x3FA7]  }
0x28: {  	s2 =	sld [smem:$0x3FA8]  }
0x29: {  	s4 =	sld [smem:$0x3FAA]  }
0x2a: {  	p0 =	seq.s32 s5, $0x0;
	s5 =	sld [smem:$0x3FAB]  }
0x2b: {  	s6 =	sld [smem:$0x3FAC]  }
0x2c: {  	s7 =	sld [smem:$0x3FAD]  }
0x2d: {  	s3 =	simm.s32 $0x108;
	s8 =	sld [smem:$0x3FAE]  }
0x2e: {  	s3 =	simm.s32 @!p0 $0x1082;
	s9 =	sld [smem:$0x3FAF]  }
0x2f: {  	lr =	sadd.s32 s0, s3;
	s0 =	sld [smem:$0x3FA6]  }
0x30: {  	s3 =	sld [smem:$0x3FA9]  }
0x31: {  	[smem:$0x3FB2] =	sst s10  }
0x32: {  	s10 =	sld [smem:$0x3FB0];
	_ =	sdelay $0x3  }
0x33: {  	p0 =	seq.s32 s10, $0x1;
	s10 =	sld [smem:$0x3FB2];
	_ =	sdelay $0x3  }
0x34: {  	[smem:$0x3FB2] =	sst s10  }
0x35: {  	s10 =	sld [smem:$0x3FB1];
	_ =	sdelay $0x3  }
0x36: {  	p1 =	seq.s32 s10, $0x1;
	s10 =	sld [smem:$0x3FB2];
	_ =	sdelay $0x3  }
0x37: {  	[smem:$0x3FB2] =	sst s10  }
0x38: {  	s10 =	sld [smem:$0x3FB3]  }
0x39: {  	_ = 	snop;
	(pc) =	sbr.ind lr, $3  }
0x3a: {  	_ = 	snop  }
0x3b: {  	_ = 	snop  }
0x3c: {  	p2 =	seq.s32 s10, $0x1;
	s10 =	sld [smem:$0x3FB2]  }
0x3d: {  	_ =	shalt  }
0x3e: {  	_ =	shalt  }
0x3f: {  	_ =	shalt  }
0x40: {  	_ =	shalt  }
0x41: {  	_ =	shalt  }
0x42: {  	_ =	shalt  }
0x43: {  	_ =	shalt  }
0x44: {  	_ =	shalt  }
0x45: {  	_ =	shalt  }
0x46: {  	_ =	shalt  }
0x47: {  	_ =	shalt  }
0x48: {  	_ =	shalt  }
0x49: {  	_ =	shalt  }
0x4a: {  	_ =	shalt  }
0x4b: {  	_ =	shalt  }
0x4c: {  	_ =	shalt  }
0x4d: {  	_ =	shalt  }
0x4e: {  	_ =	shalt  }
0x4f: {  	_ =	shalt  }
0x50: {  	_ =	shalt  }
0x51: {  	_ =	shalt  }
0x52: {  	_ =	shalt  }
0x53: {  	_ =	shalt  }
0x54: {  	_ =	shalt  }
0x55: {  	_ =	shalt  }
0x56: {  	_ =	shalt  }
0x57: {  	_ =	shalt  }
0x58: {  	_ =	shalt  }
0x59: {  	_ =	shalt  }
0x5a: {  	_ =	shalt  }
0x5b: {  	_ =	shalt  }
0x5c: {  	_ =	shalt  }
0x5d: {  	_ =	shalt  }
0x5e: {  	_ =	shalt  }
0x5f: {  	_ =	shalt  }
0x60: {  	_ =	shalt  }
0x61: {  	_ =	shalt  }
0x62: {  	_ =	shalt  }
0x63: {  	_ =	shalt  }
0x64: {  	_ =	shalt  }
0x65: {  	_ =	shalt  }
0x66: {  	_ =	shalt  }
0x67: {  	_ =	shalt  }
0x68: {  	_ =	shalt  }
0x69: {  	_ =	shalt  }
0x6a: {  	_ =	shalt  }
0x6b: {  	_ =	shalt  }
0x6c: {  	_ =	shalt  }
0x6d: {  	_ =	shalt  }
0x6e: {  	_ =	shalt  }
0x6f: {  	_ =	shalt  }
0x70: {  	_ =	shalt  }
0x71: {  	_ =	shalt  }
0x72: {  	_ =	shalt  }
0x73: {  	_ =	shalt  }
0x74: {  	_ =	shalt  }
0x75: {  	_ =	shalt  }
0x76: {  	_ =	shalt  }
0x77: {  	_ =	shalt  }
0x78: {  	_ =	shalt  }
0x79: {  	_ =	shalt  }
0x7a: {  	_ =	shalt  }
0x7b: {  	_ =	shalt  }
0x7c: {  	_ =	shalt  }
0x7d: {  	_ =	shalt  }
0x7e: {  	_ =	shalt  }
0x7f: {  	_ =	shalt  }
0x80: {  	_ =	shalt  }
0x81: {  	_ =	shalt  }
0x82: {  	_ =	shalt  }
0x83: {  	_ =	shalt  }
0x84: {  	_ =	shalt  }
0x85: {  	_ =	shalt  }
0x86: {  	_ =	shalt  }
0x87: {  	_ =	shalt  }
.Lfunc_end0:
.L_simem_size_0:
called_computation.1_lowered:
.L_overlay_start_0:
0x88: {  	s2 =	sld [smem:$0x3FD9]  }
0x89: {  	s3 =	sld [smem:$0x3FFE];
	_ =	sdelay $0x1  }
0x8a: {  	s1 =	srdreg.scid  }
0x8b: {  	s0 =	sand.u32 $0x1, s1  }
0x8c: {  	s16 =	sshll.u32 s0, $0xA;
	s2 =	sadd.s32 s3, s2  }
0x8d: {  	s2 =	sadd.s32 s2, s16  }
0x8e: {  	[smem:$0x3FBE] =	sst s2  }
0x8f: {  	_ = 	snop  }
0x90: {  	(tm) =	ssettm $0x1  }
0x91: {  	s17 =	sld [smem:$0x3FFB];
	_ =	sdelay $0x3  }
0x92: {  	_ =	strace s17  }
0x93: {  	s2 =	sld [smem:$0x3FFC];
	_ =	sdelay $0x3  }
0x94: {  	_ =	strace s2  }
0x95: {  	s2 =	sld [smem:$0x3FFD];
	_ =	sdelay $0x3  }
0x96: {  	_ =	strace s2  }
0x97: {  	_ =	strace $0x8FFFFFFF  }
0x98: {  	s18 =	sld [smem:$0x3FDB];
	_ =	sdelay $0x1  }
0x99: {  	s19 =	simm.s32 $_scs_section_size  }
0x9a: {  	s4 =	simm.s32 $_size__tile_overlayer_lowered;
	s5 =	simm.s32 $_tile_overlayer_lowered  }
0x9b: {  	s22 =	simm.s32 $0x1BFF;
	s21 =	sshll.u32 s5, $0x1;
	s2 =	sadd.s32 s19, s18  }
0x9c: {  	s6 =	simm.s32 $0x0;
	s20 =	sshll.u32 s4, $0x1;
	s4 =	sadd.s32 s21, s2  }
0x9d: {  	[timem:s6], [sflag:s22] =	dma.local [hbm:s4], s20  }
0x9e: {  	_ =	swait.ge [sflag:s22], s20  }
0x9f: {  	s3 =	ssub.s32 $0x0, s20;
	[sflag:s22] =	ssyncset.done $0x0  }
0xa0: {  	[sflag:s22] =	ssyncadd.s32 s3;
	_ =	sdelay $0x1  }
0xa1: {  	s23 =	simm.s32 $0x1B8B  }
0xa2: {  	_ =	swait.ge [sflag:s23], $0x1  }
0xa3: {  	[sflag:s23] =	ssyncset.done $0x0  }
0xa4: {  	s25 =	simm.s32 $0x1B8E;
	s24 =	sld [smem:$0x3FFE];
	[sflag:s23] =	ssyncadd.s32 $0xFFFFFFFF  }
0xa5: {  	s26 =	simm.s32 $execute0_lowered;
	[smem:$0x3FD2] =	sst s25  }
0xa6: {  	s4 =	sshll.u32 s26, $0x1;
	_ =	strace $0x80000049;
	[dreg:$0x1] =	wrdreg $0xFFFFFFFF  }
0xa7: {  	s28 =	simm.s32 $_size_execute0_lowered;
	s2 =	sadd.s32 s2, s4;
	[dreg:$0x0] =	wrdreg $0x0  }
0xa8: {  	s4 =	sshll.u32 s28, $0x1;
	[dreg:$0x2] =	wrdreg s2  }
0xa9: {  	[dreg:$0x3] =	wrdreg s4  }
0xaa: {  	[dreg:$0x4] =	wrdreg $0xC0  }
0xab: {  	_ =	task [dreg:s6], $0x5FFFF  }
0xac: {  	[dreg:$0x1] =	wrdreg $0xFFFFFFFF  }
0xad: {  	[dreg:$0x0] =	wrdreg $0x60  }
0xae: {  	[dreg:$0x2] =	wrdreg s24  }
0xaf: {  	[dreg:$0x3] =	wrdreg $0x84000  }
0xb0: {  	[dreg:$0x4] =	wrdreg $0x9  }
0xb1: {  	_ =	task.clear_ibuf [dreg:s6], $0x5FFFF;
	_ =	strace $0x90000049  }
0xb2: {  	s29 =	simm.s32 $0x9;
	_ =	strace $0x8000004B  }
0xb3: {  	_ =	swait.ge [sflag:s29], $0x1  }
0xb4: {  	[sflag:s29] =	ssyncadd.s32 $0xFFFFFFFF  }
0xb5: {  	_ =	strace $0x9000004B  }
0xb6: {  	_ =	sfence  }
0xb7: {  	s30 =	sld [smem:$0x0];
	_ =	sdelay $0x2  }
0xb8: {  	s31 =	sshll.u32 s1, $0xD;
	s1 =	sshrl.u32 s1, $0x2  }
0xb9: {  	s3 =	sand.u32 $0x4000, s31;
	s1 =	sadd.s32 s1, s30  }
0xba: {  	s0 =	sor.u32 s3, s0;
	s1 =	sshll.u32 s1, $0x11  }
0xbb: {  	s0 =	sor.u32 s1, s0  }
0xbc: {  	s0 =	sadd.s32 $0x8F2B, s0  }
0xbd: {  	[sflag:s0] =	ssyncadd.remote.s32 $0x1  }
0xbe: {  	_ =	sfence.sel $0xFFFF  }
0xbf: {  	[dreg:$0x0] =	wrdreg $0xFFFFFFFF;
	(pc) =	sbr.abs _section_cstart, $3  }
0xc0: {  	[dreg:$0x1] =	wrdreg $0xFFFFFFFF  }
0xc1: {  	_ =	task.clear_ibuf [dreg:s6], $0x2FFFF;
	_ =	strace $0x9FFFFFFF  }
0xc2: {  	(tm) =	ssettm $0x7FFFFFFF  }
0xc3: {  	_ =	shalt  }
tec
execute0_lowered:
.L_overlay_start_1:
0x0: {  	(tag) =	ssettag $0x1  }
0x1: {  	s0 =	rddreg [dreg:$0x0];
	s9 =	stileid.u32  }
0x2: {  	s1 =	srdreg.scid;
	s2 =	rddreg [dreg:$0x1];
	s17 =	simm.s32 $0x7  }
0x3: {  	s18 =	simm.s32 $0x100;
	s26 =	simm.s32 $0x180;
	s3 =	smul.u32 $0x1C, s9  }
0x4: {  	s30 =	simm.s32 $0x280;
	s31 =	simm.s32 $0x380;
	s4 =	smul.u32 $0x84, s9  }
0x5: {  	s28 =	simm.s32 $0x6;
	s29 =	simm.s32 $0x0;
	s7 =	smul.u32 $0x14000, s9  }
0x6: {  	s1 =	sand.u32 $0x1, s1;
	s8 =	sadd.s32 $0x3200, s0;
	s20 =	smul.u32 $0x50000, s9  }
0x7: {  	s22 =	sshll.u32 s9, $0x6;
	p0 =	seq.s32 s1, $0x0;
	s6 =	smul.u32 $0x140000, s1  }
0x8: {  	s1 =	ssub.s32 $0x2, s1;
	s5 =	sadd.s32 $0x840, s3;
	s3 =	simm.s32 $0x0  }
0x9: {  	s19 =	sshrl.u32 s1, $0x1;
	s21 =	sshrl.u32 s20, $0x2;
	s5 =	smov.u32 @p0 s4  }
0xa: {  	[smem:$0x7FF] =	sst s3;
	s4 =	sadd.s32 $0x2B200, s0;
	s6 =	sadd.s32 s7, s6  }
0xb: {  	s1 =	ssub.s32 s1, s19;
	s16 =	sadd.s32 s21, s2;
	s7 =	sor.u32 $0x1C07, s22  }
0xc: {  	s21 =	simm.s32 $0x1;
	_ =	strace $0x8000004A;
	[dreg:$0x8] =	wrdreg s8  }
0xd: {  	s22 =	simm.s32 $0x2;
	s5 =	sshll.u32 s5, $0x5;
	[dreg:$0x4] =	wrdreg s26  }
0xe: {  	s6 =	sshrl.u32 s6, $0x3;
	s14 =	smax.u32 s1, $0x1;
	[dreg:$0x6] =	wrdreg s30  }
0xf: {  	s16 =	sshrl.u32 s16, $0x3;
	[dreg:$0x7] =	wrdreg s31;
	s5 =	sadd.s32 s5, s0  }
0x10: {  	s26 =	simm.s32 $0x5;
	s0 =	sadd.s32 s6, s0;
	s23 =	sadd.s32 $0x17200, s5  }
0x11: {  	s6 =	simm.s32 $0x84;
	s24 =	sadd.s32 $0x17220, s5;
	[dreg:$0x9] =	wrdreg s23  }
0x12: {  	s6 =	simm.s32 @!p0 $0x1C;
	s25 =	sadd.s32 $0x17240, s5;
	[dreg:$0xa] =	wrdreg s24  }
0x13: {  	s11 =	sadd.s32 $0x17260, s5;
	s15 =	sadd.s32 $0x17280, s5;
	[dreg:$0xb] =	wrdreg s25  }
0x14: {  	s12 =	sadd.s32 $0xFFFFFFFE, s6;
	s13 =	sadd.s32 $0xFFFFFFFD, s6;
	s23 =	simm.s32 $0x80  }
0x15: {  	s24 =	simm.s32 $0x400;
	s25 =	simm.s32 $0x4400;
	[dreg:$0x3] =	wrdreg s12  }
0x16: {  	s12 =	sshrl.u32 s6, $0x2;
	[dreg:$0x5] =	wrdreg s13;
	s13 =	sadd.s32 $0x53200, s0  }
.LBB2_1:
0x17: {  	s0 =	rddreg [dreg:$0x8]  }
0x18: {  	[spmem:s16], [sflag:s7] =	dma.local [hbm:s0], $0x2800  }
0x19: {  	_ =	swait.ge [sflag:s17], $0x2800  }
0x1a: {  	[sflag:s17] =	ssyncset.done $0x0  }
0x1b: {  	s10 =	rddreg [dreg:$0x9];
	[sflag:s17] =	ssyncadd.s32 $0xFFFFD800  }
0x1c: {  	[tilespmem:s3], [sflag:$0x1] =	stream.linear.gather [hbm4b:s10+s3], $0x100, $0x38;
	[tilespmem:$0x1C400] =	vst v63  }
0x1d: {  	s19 =	rddreg [dreg:$0xa]  }
0x1e: {  	[tilespmem:s18], [sflag:$0x2] =	stream.linear.gather [hbm4b:s19+s3], $0x100, $0x38;
	[tilespmem:$0x1C400] =	vst v63  }
0x1f: {  	s1 =	simm.s32 $0x200;
	s20 =	rddreg [dreg:$0xb]  }
0x20: {  	[tilespmem:s1], [sflag:$0x3] =	stream.linear.gather [hbm4b:s20+s3], $0x100, $0x38;
	[tilespmem:$0x1C400] =	vst v63  }
0x21: {  	s1 =	simm.s32 $0x300  }
0x22: {  	[tilespmem:s1], [sflag:$0x4] =	stream.linear.gather [hbm4b:s11+s3], $0x100, $0x38;
	[tilespmem:$0x1C400] =	vst v63  }
0x23: {  	_ =	swait.ge [sflag:s21], $0x100  }
0x24: {  	[sflag:s21] =	ssyncset.done $0x0  }
0x25: {  	[sflag:s21] =	ssyncadd.s32 $0xFFFFFF00  }
0x26: {  	_ =	swait.ge [sflag:s22], $0x100  }
0x27: {  	[sflag:s22] =	ssyncset.done $0x0  }
0x28: {  	[sflag:s22] =	ssyncadd.s32 $0xFFFFFF00  }
0x29: {  	[tilespmem:s24], [sflag:$0x5] =	stream.indirect.gather [hbm4b:s4+s23], $0x80, s3, s23, $0xb8;
	[tilespmem:$0x1C400] =	vst v63  }
0x2a: {  	_ = 	snop  }
0x2b: {  	[tilespmem:s25], [sflag:$0x6] =	stream.indirect.gather [hbm4b:s4+s23], $0x80, s18, s23, $0xb8;
	[tilespmem:$0x1C400] =	vst v63  }
0x2c: {  	[bflag:$0x0] =	sbarrier.arrive $0xFFFF  }
0x2d: {  	_ =	swait.ge [sflag:s26], $0x4000  }
0x2e: {  	[sflag:s26] =	ssyncset.done $0x0  }
0x2f: {  	[sflag:s26] =	ssyncadd.s32 $0xFFFFC000  }
0x30: {  	[spmem:s2] =	stream.indirect.scatter.add.f32 [tilespmem:s24], [sflag:$0x7], $0x80, s23, s23, $0xb8;
	[tilespmem:$0x1C400] =	vst v63  }
0x31: {  	_ =	swait.ge [sflag:s17], $0x4000  }
0x32: {  	s5 =	rddreg [dreg:$0x3]  }
0x33: {  	[sflag:s17] =	ssyncset.done $0x0;
	p1 =	sle.u32 s5, $0x0  }
0x34: {  	[sflag:s17] =	ssyncadd.s32 $0xFFFFC000;
	s0 =	simm.s32 @!p1 $0x3  }
0x35: {  	_ =	swait.ge @!p1 [sflag:s0], $0x100  }
0x36: {  	p0 =	sle.u32 s6, $0x4;
	s1 =	simm.s32 @!p1 $0x200;
	[sflag:s0] =	ssyncset.done @!p1 $0x0  }
0x37: {  	s5 =	simm.s32 @!p1 $0x400;
	[sflag:s0] =	ssyncadd.s32 @!p1 $0xFFFFFF00;
	s0 =	simm.s32 @!p1 $0x80  }
0x38: {  	[tilespmem:s5], [sflag:$0x5] =	stream.indirect.gather @!p1 [hbm4b:s4+s0], $0x80, s1, s0, $0xb8;
	[tilespmem:$0x1C400] =	vst v63  }
0x39: {  	s0 =	simm.s32 @!p0 $0x0  }
0x3a: {  	[tilespmem:s0], [sflag:$0x1] =	stream.linear.gather @!p0 [hbm4b:s15+s0], $0x100, $0x38;
	[tilespmem:$0x1C400] =	vst v63  }
0x3b: {  	_ =	swait.ge [sflag:s28], $0x4000  }
0x3c: {  	[sflag:s28] =	ssyncset.done $0x0  }
0x3d: {  	s8 =	rddreg [dreg:$0x4];
	[sflag:s28] =	ssyncadd.s32 $0xFFFFC000  }
0x3e: {  	[spmem:s2] =	stream.indirect.scatter.add.f32 [tilespmem:s25], [sflag:$0x7], $0x80, s8, s23, $0xb8;
	[tilespmem:$0x1C400] =	vst v63  }
0x3f: {  	_ =	swait.ge [sflag:s17], $0x4000  }
0x40: {  	s9 =	rddreg [dreg:$0x5]  }
0x41: {  	[sflag:s17] =	ssyncset.done $0x0;
	p2 =	sle.u32 s9, $0x0  }
0x42: {  	[sflag:s17] =	ssyncadd.s32 $0xFFFFC000;
	s1 =	simm.s32 @!p2 $0x4  }
0x43: {  	_ =	swait.ge @!p2 [sflag:s1], $0x100  }
0x44: {  	p1 =	sle.u32 s6, $0x5;
	s5 =	simm.s32 @!p2 $0x300;
	[sflag:s1] =	ssyncset.done @!p2 $0x0  }
0x45: {  	s19 =	simm.s32 @!p2 $0x4400;
	[sflag:s1] =	ssyncadd.s32 @!p2 $0xFFFFFF00;
	s1 =	simm.s32 @!p2 $0x80  }
0x46: {  	[tilespmem:s19], [sflag:$0x6] =	stream.indirect.gather @!p2 [hbm4b:s4+s1], $0x80, s5, s1, $0xb8;
	[tilespmem:$0x1C400] =	vst v63  }
0x47: {  	s1 =	sadd.s32 @!p1 $0x20, s15;
	s5 =	simm.s32 @!p1 $0x0;
	s19 =	simm.s32 @!p1 $0x100  }
0x48: {  	[tilespmem:s19], [sflag:$0x2] =	stream.linear.gather @!p1 [hbm4b:s1+s5], $0x100, $0x38;
	[tilespmem:$0x1C400] =	vst v63  }
0x49: {  	_ =	swait.ge [sflag:s26], $0x4000  }
0x4a: {  	[sflag:s26] =	ssyncset.done $0x0  }
0x4b: {  	s10 =	rddreg [dreg:$0x6];
	[sflag:s26] =	ssyncadd.s32 $0xFFFFC000  }
0x4c: {  	[spmem:s2] =	stream.indirect.scatter.add.f32 [tilespmem:s24], [sflag:$0x7], $0x80, s10, s23, $0xb8;
	[tilespmem:$0x1C400] =	vst v63  }
0x4d: {  	_ =	swait.ge [sflag:s17], $0x4000  }
0x4e: {  	[sflag:s17] =	ssyncset.done $0x0  }
0x4f: {  	s1 =	simm.s32 @!p0 $0x1;
	[sflag:s17] =	ssyncadd.s32 $0xFFFFC000  }
0x50: {  	_ =	swait.ge @!p0 [sflag:s1], $0x100  }
0x51: {  	p2 =	sle.u32 s6, $0x6;
	[sflag:s1] =	ssyncset.done @!p0 $0x0  }
0x52: {  	s5 =	simm.s32 @!p0 $0x400;
	[sflag:s1] =	ssyncadd.s32 @!p0 $0xFFFFFF00;
	s1 =	simm.s32 @!p0 $0x80  }
0x53: {  	[tilespmem:s5], [sflag:$0x5] =	stream.indirect.gather @!p0 [hbm4b:s4+s1], $0x80, s0, s1, $0xb8;
	[tilespmem:$0x1C400] =	vst v63  }
0x54: {  	s0 =	sadd.s32 @!p2 $0x40, s15;
	s1 =	simm.s32 @!p2 $0x0;
	s5 =	simm.s32 @!p2 $0x200  }
0x55: {  	[tilespmem:s5], [sflag:$0x3] =	stream.linear.gather @!p2 [hbm4b:s0+s1], $0x100, $0x38;
	[tilespmem:$0x1C400] =	vst v63  }
0x56: {  	_ =	swait.ge [sflag:s28], $0x4000  }
0x57: {  	[sflag:s28] =	ssyncset.done $0x0  }
0x58: {  	s20 =	rddreg [dreg:$0x7];
	[sflag:s28] =	ssyncadd.s32 $0xFFFFC000  }
0x59: {  	[spmem:s2] =	stream.indirect.scatter.add.f32 [tilespmem:s25], [sflag:$0x7], $0x80, s20, s23, $0xb8;
	[tilespmem:$0x1C400] =	vst v63  }
0x5a: {  	_ =	swait.ge [sflag:s17], $0x4000  }
0x5b: {  	[sflag:s17] =	ssyncset.done $0x0  }
0x5c: {  	s30 =	sadd.s32 $0xFFFFFFFF, s12;
	s0 =	simm.s32 @!p1 $0x2;
	[sflag:s17] =	ssyncadd.s32 $0xFFFFC000  }
0x5d: {  	p0 =	sne.s32 s30, $0x0;
	_ =	swait.ge @!p1 [sflag:s0], $0x100  }
.Ltmp0:
0x5e: {  	[sflag:s0] =	ssyncset.done @!p1 $0x0;
	(pc) =	sbr.rel @!p0 .LBB2_3-.Ltmp0, $4  }
0x5f: {  	s1 =	simm.s32 @!p1 $0x4400;
	[sflag:s0] =	ssyncadd.s32 @!p1 $0xFFFFFF00;
	s0 =	simm.s32 @!p1 $0x80  }
0x60: {  	[tilespmem:s1], [sflag:$0x6] =	stream.indirect.gather @!p1 [hbm4b:s4+s0], $0x80, s19, s0, $0xb8;
	[tilespmem:$0x1C400] =	vst v63  }
0x61: {  	s31 =	simm.s32 $0x4;
	s1 =	sadd.s32 $0x80, s15;
	p1 =	sle.u32 s6, $0x7  }
0x62: {  	s0 =	sadd.s32 @!p1 $0x60, s15;
	s5 =	simm.s32 @!p1 $0x0;
	s19 =	simm.s32 @!p1 $0x300  }
.LBB2_2:
0x63: {  	[tilespmem:s19], [sflag:$0x4] =	stream.linear.gather @!p1 [hbm4b:s0+s5], $0x100, $0x38;
	[tilespmem:$0x1C400] =	vst v63  }
0x64: {  	_ =	swait.ge [sflag:s26], $0x4000  }
0x65: {  	[sflag:s26] =	ssyncset.done $0x0  }
0x66: {  	[sflag:s26] =	ssyncadd.s32 $0xFFFFC000  }
0x67: {  	[spmem:s2] =	stream.indirect.scatter.add.f32 [tilespmem:s24], [sflag:$0x7], $0x80, s23, s23, $0xb8;
	[tilespmem:$0x1C400] =	vst v63  }
0x68: {  	_ =	swait.ge [sflag:s17], $0x4000  }
0x69: {  	s9 =	rddreg [dreg:$0x3]  }
0x6a: {  	[sflag:s17] =	ssyncset.done $0x0;
	p2 =	sge.u32 s31, s9  }
0x6b: {  	[sflag:s17] =	ssyncadd.s32 $0xFFFFC000;
	s5 =	simm.s32 @!p2 $0x3  }
0x6c: {  	s19 =	smov.u32 s31;
	s31 =	sadd.s32 $0x4, s31;
	_ =	swait.ge @!p2 [sflag:s5], $0x100  }
0x6d: {  	s20 =	simm.s32 @!p2 $0x200;
	s8 =	simm.s32 @!p2 $0x400;
	[sflag:s5] =	ssyncset.done @!p2 $0x0  }
0x6e: {  	p1 =	sge.u32 s31, s6;
	[sflag:s5] =	ssyncadd.s32 @!p2 $0xFFFFFF00;
	s5 =	simm.s32 @!p2 $0x80  }
0x6f: {  	[tilespmem:s8], [sflag:$0x5] =	stream.indirect.gather @!p2 [hbm4b:s4+s5], $0x80, s20, s5, $0xb8;
	[tilespmem:$0x1C400] =	vst v63  }
0x70: {  	s20 =	simm.s32 @!p1 $0x0  }
0x71: {  	[tilespmem:s20], [sflag:$0x1] =	stream.linear.gather @!p1 [hbm4b:s1+s20], $0x100, $0x38;
	[tilespmem:$0x1C400] =	vst v63  }
0x72: {  	_ =	swait.ge [sflag:s28], $0x4000  }
0x73: {  	[sflag:s28] =	ssyncset.done $0x0  }
0x74: {  	s10 =	rddreg [dreg:$0x4];
	[sflag:s28] =	ssyncadd.s32 $0xFFFFC000  }
0x75: {  	[spmem:s2] =	stream.indirect.scatter.add.f32 [tilespmem:s25], [sflag:$0x7], $0x80, s10, s23, $0xb8;
	[tilespmem:$0x1C400] =	vst v63  }
0x76: {  	_ =	swait.ge [sflag:s17], $0x4000  }
0x77: {  	s8 =	rddreg [dreg:$0x5]  }
0x78: {  	[sflag:s17] =	ssyncset.done $0x0;
	p3 =	sge.u32 s19, s8  }
0x79: {  	[sflag:s17] =	ssyncadd.s32 $0xFFFFC000;
	s5 =	simm.s32 @!p3 $0x4  }
0x7a: {  	s10 =	sadd.s32 $0x5, s19;
	_ =	swait.ge @!p3 [sflag:s5], $0x100  }
0x7b: {  	p2 =	sge.u32 s10, s6;
	s8 =	simm.s32 @!p3 $0x300;
	[sflag:s5] =	ssyncset.done @!p3 $0x0  }
0x7c: {  	s9 =	simm.s32 @!p3 $0x4400;
	[sflag:s5] =	ssyncadd.s32 @!p3 $0xFFFFFF00;
	s5 =	simm.s32 @!p3 $0x80  }
0x7d: {  	[tilespmem:s9], [sflag:$0x6] =	stream.indirect.gather @!p3 [hbm4b:s4+s5], $0x80, s8, s5, $0xb8;
	[tilespmem:$0x1C400] =	vst v63  }
0x7e: {  	s8 =	sadd.s32 @!p2 $0x20, s1;
	s9 =	simm.s32 @!p2 $0x0;
	s5 =	simm.s32 @!p2 $0x100  }
0x7f: {  	[tilespmem:s5], [sflag:$0x2] =	stream.linear.gather @!p2 [hbm4b:s8+s9], $0x100, $0x38;
	[tilespmem:$0x1C400] =	vst v63  }
0x80: {  	_ =	swait.ge [sflag:s26], $0x4000  }
0x81: {  	[sflag:s26] =	ssyncset.done $0x0  }
0x82: {  	s9 =	rddreg [dreg:$0x6];
	[sflag:s26] =	ssyncadd.s32 $0xFFFFC000  }
0x83: {  	[spmem:s2] =	stream.indirect.scatter.add.f32 [tilespmem:s24], [sflag:$0x7], $0x80, s9, s23, $0xb8;
	[tilespmem:$0x1C400] =	vst v63  }
0x84: {  	_ =	swait.ge [sflag:s17], $0x4000  }
0x85: {  	[sflag:s17] =	ssyncset.done $0x0  }
0x86: {  	s8 =	simm.s32 @!p1 $0x1;
	[sflag:s17] =	ssyncadd.s32 $0xFFFFC000  }
0x87: {  	s10 =	sadd.s32 $0x6, s19;
	_ =	swait.ge @!p1 [sflag:s8], $0x100  }
0x88: {  	p3 =	sge.u32 s10, s6;
	[sflag:s8] =	ssyncset.done @!p1 $0x0  }
0x89: {  	s9 =	simm.s32 @!p1 $0x400;
	[sflag:s8] =	ssyncadd.s32 @!p1 $0xFFFFFF00;
	s8 =	simm.s32 @!p1 $0x80  }
0x8a: {  	[tilespmem:s9], [sflag:$0x5] =	stream.indirect.gather @!p1 [hbm4b:s4+s8], $0x80, s20, s8, $0xb8;
	[tilespmem:$0x1C400] =	vst v63  }
0x8b: {  	s10 =	simm.s32 @!p3 $0x200;
	s8 =	sadd.s32 @!p3 $0x40, s1;
	s9 =	simm.s32 @!p3 $0x0  }
0x8c: {  	[tilespmem:s10], [sflag:$0x3] =	stream.linear.gather @!p3 [hbm4b:s8+s9], $0x100, $0x38;
	[tilespmem:$0x1C400] =	vst v63  }
0x8d: {  	_ =	swait.ge [sflag:s28], $0x4000  }
0x8e: {  	[sflag:s28] =	ssyncset.done $0x0  }
0x8f: {  	s10 =	rddreg [dreg:$0x7];
	[sflag:s28] =	ssyncadd.s32 $0xFFFFC000  }
0x90: {  	[spmem:s2] =	stream.indirect.scatter.add.f32 [tilespmem:s25], [sflag:$0x7], $0x80, s10, s23, $0xb8;
	[tilespmem:$0x1C400] =	vst v63  }
0x91: {  	_ =	swait.ge [sflag:s17], $0x4000  }
0x92: {  	s30 =	sadd.s32 $0xFFFFFFFF, s30;
	s0 =	smov.u32 s1;
	[sflag:s17] =	ssyncset.done $0x0  }
0x93: {  	p0 =	sne.s32 s30, $0x0;
	s8 =	simm.s32 @!p2 $0x2;
	[sflag:s17] =	ssyncadd.s32 $0xFFFFC000  }
.Ltmp1:
0x94: {  	s20 =	sadd.s32 $0x7, s19;
	_ =	swait.ge @!p2 [sflag:s8], $0x100;
	(pc) =	sbr.rel @p0 .LBB2_2-.Ltmp1, $4  }
0x95: {  	s1 =	sadd.s32 $0x80, s1;
	p1 =	sge.u32 s20, s6;
	[sflag:s8] =	ssyncset.done @!p2 $0x0  }
0x96: {  	s9 =	simm.s32 @!p2 $0x4400;
	[sflag:s8] =	ssyncadd.s32 @!p2 $0xFFFFFF00;
	s8 =	simm.s32 @!p2 $0x80  }
0x97: {  	[tilespmem:s9], [sflag:$0x6] =	stream.indirect.gather @!p2 [hbm4b:s4+s8], $0x80, s5, s8, $0xb8;
	[tilespmem:$0x1C400] =	vst v63  }
0x98: {  	s0 =	sadd.s32 @!p1 $0x60, s0;
	s19 =	simm.s32 @!p1 $0x300;
	s5 =	simm.s32 @!p1 $0x0  }
.LBB2_3:
0x99: {  	[tilespmem:s19], [sflag:$0x4] =	stream.linear.gather @!p1 [hbm4b:s0+s5], $0x100, $0x38;
	[tilespmem:$0x1C400] =	vst v63  }
0x9a: {  	s29 =	sadd.s32 $0x1, s29  }
0x9b: {  	p0 =	sne.s32 s29, s14  }
.Ltmp2:
0x9c: {  	[bflag:$0x0] =	sbarrier.arrive $0xFFFF;
	(pc) =	sbr.rel @p0 .LBB2_1-.Ltmp2, $4  }
0x9d: {  	[hbm:s13], [sflag:s7] =	dma.local [spmem:s16], $0x2800  }
0x9e: {  	_ =	swait.ge [sflag:s17], $0x2800  }
0x9f: {  	[sflag:s17] =	ssyncset.done $0x0  }
0xa0: {  	[sflag:s17] =	ssyncadd.s32 $0xFFFFD800  }
0xa1: {  	_ =	sfence.sel $0x180000  }
0xa2: {  	[bflag:$0x0] =	sbarrier.arrive $0xFFFF  }
0xa3: {  	_ =	strace $0x9000004A  }
0xa4: {  	s0 =	stileid.u32;
	[bflag:$0x2] =	sbarrier.arrive $0xFFFF  }
0xa5: {  	p0 =	sne.s32 s0, $0x0;
	s0 =	rddreg [dreg:$0x2]  }
0xa6: {  	s0 =	sadd.s32 @!p0 $0x100000, s0  }
0xa7: {  	[sflag:s0] =	ssyncadd.tile.s32 @!p0 $0x1;
	_ =	shalt  }
.Lfunc_end2:
_tile_overlayer_lowered:
.L_overlay_start_2:
0xa8: {  	(tag) =	ssettag $0x2  }
0xa9: {  	s0 =	rddreg [dreg:$0x0];
	s2 =	stileid.u32  }
0xaa: {  	s1 =	rddreg [dreg:$0x1];
	p0 =	sne.s32 s2, $0x0  }
0xab: {  	s3 =	rddreg [dreg:$0x2];
	[bflag:$0x3] =	sbarrier.arrive $0xFFFF;
	s2 =	simm.s32 @!p0 $0x1C07  }
0xac: {  	[timem:s3], [sflag:s2] =	dma.local @!p0 [hbm:s0], s1  }
0xad: {  	s0 =	simm.s32 @!p0 $0x7  }
0xae: {  	_ =	swait.ge @!p0 [sflag:s0], s1  }
0xaf: {  	s1 =	ssub.s32 @!p0 $0x0, s1;
	[sflag:s0] =	ssyncset.done @!p0 $0x0  }
0xb0: {  	[sflag:s0] =	ssyncadd.s32 @!p0 s1  }
0xb1: {  	[bflag:$0x3] =	sbarrier.arrive $0xFFFF  }
0xb2: {  	_ =	shalt  }

// kernel: kernel.15.cloned.1.call-start
scs
__scs_entry_jumppad:
0x0: {  	(pc) =	sbr.rel $0x88, $3  }
0x1: {  	(tag) =	ssettag $0x0;
	lr =	simm.s32 $0x1  }
0x2: {  	[smem:$0x3F97] =	sst lr;
	_ =	strace $0xD0000000  }
0x3: {  	_ = 	snop  }
0x4: {  	_ = 	snop  }
0x5: {  	_ = 	snop  }
0x6: {  	_ = 	snop  }
0x7: {  	_ = 	snop  }
__scs_overlays_trampoline_lowered:
0x8: {  	[smem:$0x3FA6] =	sst s0  }
0x9: {  	[smem:$0x3FA7] =	sst s1  }
0xa: {  	[smem:$0x3FA8] =	sst s2  }
0xb: {  	[smem:$0x3FA9] =	sst s3  }
0xc: {  	[smem:$0x3FAA] =	sst s4  }
0xd: {  	[smem:$0x3FAB] =	sst s5  }
0xe: {  	[smem:$0x3FAC] =	sst s6  }
0xf: {  	[smem:$0x3FAD] =	sst s7  }
0x10: {  	[smem:$0x3FAE] =	sst s8  }
0x11: {  	[smem:$0x3FAF] =	sst s9;
	s0 =	simm.s32 @!p0 $0x0  }
0x12: {  	s1 =	sld [smem:$0x3F95];
	s0 =	simm.s32 @p0 $0x1  }
0x13: {  	[smem:$0x3FB0] =	sst s0;
	s0 =	simm.s32 @!p1 $0x0  }
0x14: {  	s2 =	sld [smem:$0x3F94];
	s0 =	simm.s32 @p1 $0x1  }
0x15: {  	[smem:$0x3FB1] =	sst s0;
	s0 =	simm.s32 @!p2 $0x0  }
0x16: {  	s3 =	sld [smem:$0x3FDB];
	s0 =	simm.s32 @p2 $0x1  }
0x17: {  	s4 =	simm.s32 $0x1BF5;
	[smem:$0x3FB3] =	sst s0  }
0x18: {  	s0 =	sld [smem:$0x3F96];
	_ =	swait.ge [sflag:s4], $0x0  }
0x19: {  	s7 =	sld [smem:$0x3F97]  }
0x1a: {  	s8 =	sadd.s32 $0xFFFFE003, lr  }
0x1b: {  	s9 =	sadd.s32 $0xFFFFFEF7, lr;
	s5 =	simm.s32 $0xFFFFFFFF;
	p2 =	slt.u32 s8, $0xFFFFF086  }
0x1c: {  	p1 =	slt.u32 s9, $0xF7A;
	s5 =	simm.s32 @!p2 $0x0  }
0x1d: {  	s5 =	simm.s32 @p1 $0x1;
	p0 =	seq.s32 s7, s2  }
0x1e: {  	s7 =	smul.u32 @!p0 $0xF7A, s2;
	p2 =	seq.s32 @!p0 s5, $0x0  }
0x1f: {  	s9 =	smul.u32 $0xF7A, s1;
	s8 =	simm.s32 @!p0 $0x1BF5;
	p2 =	por !p2, p0  }
0x20: {  	[sflag:s8] =	ssyncset.s32 @!p0 $0xFFFFF086;
	s6 =	sadd.s32 @!p0 s3, s7;
	s7 =	simm.s32 @!p0 $0x108  }
0x21: {  	s3 =	sadd.s32 s3, s9;
	s6 =	sadd.s32 @!p0 $0x88, s6;
	s7 =	simm.s32 @p2 $0x1082  }
0x22: {  	[simem:s7], [sflag:s8] =	dma.local @!p0 [hbm:s6], $0xF7A  }
0x23: {  	s9 =	sor.u32 $0xD0000000, s2;
	s6 =	simm.s32 $0x108;
	_ =	swait.ge @!p0 [sflag:s8], $0x0  }
0x24: {  	s3 =	sadd.s32 $0x88, s3;
	s6 =	simm.s32 @!p1 $0x1082;
	[sflag:s4] =	ssyncset.s32 $0xFFFFF086  }
0x25: {  	[simem:s6], [sflag:s4] =	dma.local [hbm:s3], $0xF7A  }
0x26: {  	[smem:$0x3F97] =	sst s1;
	(tag) =	ssettag s2;
	_ =	strace s9  }
0x27: {  	s1 =	sld [smem:$0x3FA7]  }
0x28: {  	s2 =	sld [smem:$0x3FA8]  }
0x29: {  	s4 =	sld [smem:$0x3FAA]  }
0x2a: {  	p0 =	seq.s32 s5, $0x0;
	s5 =	sld [smem:$0x3FAB]  }
0x2b: {  	s6 =	sld [smem:$0x3FAC]  }
0x2c: {  	s7 =	sld [smem:$0x3FAD]  }
0x2d: {  	s3 =	simm.s32 $0x108;
	s8 =	sld [smem:$0x3FAE]  }
0x2e: {  	s3 =	simm.s32 @!p0 $0x1082;
	s9 =	sld [smem:$0x3FAF]  }
0x2f: {  	lr =	sadd.s32 s0, s3;
	s0 =	sld [smem:$0x3FA6]  }
0x30: {  	s3 =	sld [smem:$0x3FA9]  }
0x31: {  	[smem:$0x3FB2] =	sst s10  }
0x32: {  	s10 =	sld [smem:$0x3FB0];
	_ =	sdelay $0x3  }
0x33: {  	p0 =	seq.s32 s10, $0x1;
	s10 =	sld [smem:$0x3FB2];
	_ =	sdelay $0x3  }
0x34: {  	[smem:$0x3FB2] =	sst s10  }
0x35: {  	s10 =	sld [smem:$0x3FB1];
	_ =	sdelay $0x3  }
0x36: {  	p1 =	seq.s32 s10, $0x1;
	s10 =	sld [smem:$0x3FB2];
	_ =	sdelay $0x3  }
0x37: {  	[smem:$0x3FB2] =	sst s10  }
0x38: {  	s10 =	sld [smem:$0x3FB3]  }
0x39: {  	_ = 	snop;
	(pc) =	sbr.ind lr, $3  }
0x3a: {  	_ = 	snop  }
0x3b: {  	_ = 	snop  }
0x3c: {  	p2 =	seq.s32 s10, $0x1;
	s10 =	sld [smem:$0x3FB2]  }
0x3d: {  	_ =	shalt  }
0x3e: {  	_ =	shalt  }
0x3f: {  	_ =	shalt  }
0x40: {  	_ =	shalt  }
0x41: {  	_ =	shalt  }
0x42: {  	_ =	shalt  }
0x43: {  	_ =	shalt  }
0x44: {  	_ =	shalt  }
0x45: {  	_ =	shalt  }
0x46: {  	_ =	shalt  }
0x47: {  	_ =	shalt  }
0x48: {  	_ =	shalt  }
0x49: {  	_ =	shalt  }
0x4a: {  	_ =	shalt  }
0x4b: {  	_ =	shalt  }
0x4c: {  	_ =	shalt  }
0x4d: {  	_ =	shalt  }
0x4e: {  	_ =	shalt  }
0x4f: {  	_ =	shalt  }
0x50: {  	_ =	shalt  }
0x51: {  	_ =	shalt  }
0x52: {  	_ =	shalt  }
0x53: {  	_ =	shalt  }
0x54: {  	_ =	shalt  }
0x55: {  	_ =	shalt  }
0x56: {  	_ =	shalt  }
0x57: {  	_ =	shalt  }
0x58: {  	_ =	shalt  }
0x59: {  	_ =	shalt  }
0x5a: {  	_ =	shalt  }
0x5b: {  	_ =	shalt  }
0x5c: {  	_ =	shalt  }
0x5d: {  	_ =	shalt  }
0x5e: {  	_ =	shalt  }
0x5f: {  	_ =	shalt  }
0x60: {  	_ =	shalt  }
0x61: {  	_ =	shalt  }
0x62: {  	_ =	shalt  }
0x63: {  	_ =	shalt  }
0x64: {  	_ =	shalt  }
0x65: {  	_ =	shalt  }
0x66: {  	_ =	shalt  }
0x67: {  	_ =	shalt  }
0x68: {  	_ =	shalt  }
0x69: {  	_ =	shalt  }
0x6a: {  	_ =	shalt  }
0x6b: {  	_ =	shalt  }
0x6c: {  	_ =	shalt  }
0x6d: {  	_ =	shalt  }
0x6e: {  	_ =	shalt  }
0x6f: {  	_ =	shalt  }
0x70: {  	_ =	shalt  }
0x71: {  	_ =	shalt  }
0x72: {  	_ =	shalt  }
0x73: {  	_ =	shalt  }
0x74: {  	_ =	shalt  }
0x75: {  	_ =	shalt  }
0x76: {  	_ =	shalt  }
0x77: {  	_ =	shalt  }
0x78: {  	_ =	shalt  }
0x79: {  	_ =	shalt  }
0x7a: {  	_ =	shalt  }
0x7b: {  	_ =	shalt  }
0x7c: {  	_ =	shalt  }
0x7d: {  	_ =	shalt  }
0x7e: {  	_ =	shalt  }
0x7f: {  	_ =	shalt  }
0x80: {  	_ =	shalt  }
0x81: {  	_ =	shalt  }
0x82: {  	_ =	shalt  }
0x83: {  	_ =	shalt  }
0x84: {  	_ =	shalt  }
0x85: {  	_ =	shalt  }
0x86: {  	_ =	shalt  }
0x87: {  	_ =	shalt  }
.Lfunc_end0:
.L_simem_size_0:
called_computation.2_lowered:
.L_overlay_start_0:
0x88: {  	s2 =	sld [smem:$0x3FD9]  }
0x89: {  	s3 =	sld [smem:$0x3FFE];
	_ =	sdelay $0x1  }
0x8a: {  	s1 =	srdreg.scid  }
0x8b: {  	s0 =	sand.u32 $0x1, s1  }
0x8c: {  	s16 =	sshll.u32 s0, $0xA;
	s2 =	sadd.s32 s3, s2  }
0x8d: {  	s2 =	sadd.s32 s2, s16  }
0x8e: {  	[smem:$0x3FBE] =	sst s2  }
0x8f: {  	_ = 	snop  }
0x90: {  	(tm) =	ssettm $0x1  }
0x91: {  	s17 =	sld [smem:$0x3FFB];
	_ =	sdelay $0x3  }
0x92: {  	_ =	strace s17  }
0x93: {  	s2 =	sld [smem:$0x3FFC];
	_ =	sdelay $0x3  }
0x94: {  	_ =	strace s2  }
0x95: {  	s2 =	sld [smem:$0x3FFD];
	_ =	sdelay $0x3  }
0x96: {  	_ =	strace s2  }
0x97: {  	_ =	strace $0x8FFFFFFF  }
0x98: {  	s18 =	sld [smem:$0x3FDB];
	_ =	sdelay $0x1  }
0x99: {  	s19 =	simm.s32 $_scs_section_size  }
0x9a: {  	s4 =	simm.s32 $_size__tile_overlayer_lowered;
	s5 =	simm.s32 $_tile_overlayer_lowered  }
0x9b: {  	s22 =	simm.s32 $0x1BFF;
	s21 =	sshll.u32 s5, $0x1;
	s2 =	sadd.s32 s19, s18  }
0x9c: {  	s6 =	simm.s32 $0x0;
	s20 =	sshll.u32 s4, $0x1;
	s4 =	sadd.s32 s21, s2  }
0x9d: {  	[timem:s6], [sflag:s22] =	dma.local [hbm:s4], s20  }
0x9e: {  	_ =	swait.ge [sflag:s22], s20  }
0x9f: {  	s3 =	ssub.s32 $0x0, s20;
	[sflag:s22] =	ssyncset.done $0x0  }
0xa0: {  	[sflag:s22] =	ssyncadd.s32 s3;
	_ =	sdelay $0x1  }
0xa1: {  	s23 =	simm.s32 $0x1B8B  }
0xa2: {  	_ =	swait.ge [sflag:s23], $0x1  }
0xa3: {  	[sflag:s23] =	ssyncset.done $0x0  }
0xa4: {  	s25 =	simm.s32 $0x1B8E;
	s24 =	sld [smem:$0x3FFE];
	[sflag:s23] =	ssyncadd.s32 $0xFFFFFFFF  }
0xa5: {  	s26 =	simm.s32 $execute0_lowered;
	[smem:$0x3FD2] =	sst s25  }
0xa6: {  	s4 =	sshll.u32 s26, $0x1;
	_ =	strace $0x8000004C;
	[dreg:$0x1] =	wrdreg $0xFFFFFFFF  }
0xa7: {  	s28 =	simm.s32 $_size_execute0_lowered;
	s2 =	sadd.s32 s2, s4;
	[dreg:$0x0] =	wrdreg $0x0  }
0xa8: {  	s4 =	sshll.u32 s28, $0x1;
	[dreg:$0x2] =	wrdreg s2  }
0xa9: {  	[dreg:$0x3] =	wrdreg s4  }
0xaa: {  	[dreg:$0x4] =	wrdreg $0xC0  }
0xab: {  	_ =	task [dreg:s6], $0x5FFFF  }
0xac: {  	[dreg:$0x1] =	wrdreg $0xFFFFFFFF  }
0xad: {  	[dreg:$0x0] =	wrdreg $0x60  }
0xae: {  	[dreg:$0x2] =	wrdreg s24  }
0xaf: {  	[dreg:$0x3] =	wrdreg $0x84000  }
0xb0: {  	[dreg:$0x4] =	wrdreg $0x9  }
0xb1: {  	_ =	task.clear_ibuf [dreg:s6], $0x5FFFF;
	_ =	strace $0x9000004C  }
0xb2: {  	s29 =	simm.s32 $0x9;
	_ =	strace $0x8000004E  }
0xb3: {  	_ =	swait.ge [sflag:s29], $0x1  }
0xb4: {  	[sflag:s29] =	ssyncadd.s32 $0xFFFFFFFF  }
0xb5: {  	_ =	strace $0x9000004E  }
0xb6: {  	_ =	sfence  }
0xb7: {  	s30 =	sld [smem:$0x0];
	_ =	sdelay $0x2  }
0xb8: {  	s31 =	sshll.u32 s1, $0xD;
	s1 =	sshrl.u32 s1, $0x2  }
0xb9: {  	s3 =	sand.u32 $0x4000, s31;
	s1 =	sadd.s32 s1, s30  }
0xba: {  	s0 =	sor.u32 s3, s0;
	s1 =	sshll.u32 s1, $0x11  }
0xbb: {  	s0 =	sor.u32 s1, s0  }
0xbc: {  	s0 =	sadd.s32 $0x8F2B, s0  }
0xbd: {  	[sflag:s0] =	ssyncadd.remote.s32 $0x1  }
0xbe: {  	_ =	sfence.sel $0xFFFF  }
0xbf: {  	[dreg:$0x0] =	wrdreg $0xFFFFFFFF;
	(pc) =	sbr.abs _section_cstart, $3  }
0xc0: {  	[dreg:$0x1] =	wrdreg $0xFFFFFFFF  }
0xc1: {  	_ =	task.clear_ibuf [dreg:s6], $0x2FFFF;
	_ =	strace $0x9FFFFFFF  }
0xc2: {  	(tm) =	ssettm $0x7FFFFFFF  }
0xc3: {  	_ =	shalt  }
tec
execute0_lowered:
.L_overlay_start_1:
0x0: {  	(tag) =	ssettag $0x1  }
0x1: {  	s0 =	rddreg [dreg:$0x0];
	s9 =	stileid.u32  }
0x2: {  	s1 =	srdreg.scid;
	s2 =	rddreg [dreg:$0x1];
	s17 =	simm.s32 $0x7  }
0x3: {  	s18 =	simm.s32 $0x100;
	s26 =	simm.s32 $0x180;
	s3 =	smul.u32 $0x1C, s9  }
0x4: {  	s30 =	simm.s32 $0x280;
	s31 =	simm.s32 $0x380;
	s4 =	smul.u32 $0x84, s9  }
0x5: {  	s28 =	simm.s32 $0x6;
	s29 =	simm.s32 $0x0;
	s7 =	smul.u32 $0x14000, s9  }
0x6: {  	s1 =	sand.u32 $0x1, s1;
	s8 =	sadd.s32 $0x3200, s0;
	s20 =	smul.u32 $0x50000, s9  }
0x7: {  	s22 =	sshll.u32 s9, $0x6;
	p0 =	seq.s32 s1, $0x0;
	s6 =	smul.u32 $0x140000, s1  }
0x8: {  	s1 =	ssub.s32 $0x2, s1;
	s5 =	sadd.s32 $0x840, s3;
	s3 =	simm.s32 $0x0  }
0x9: {  	s19 =	sshrl.u32 s1, $0x1;
	s21 =	sshrl.u32 s20, $0x2;
	s5 =	smov.u32 @p0 s4  }
0xa: {  	[smem:$0x7FF] =	sst s3;
	s4 =	sadd.s32 $0x2B200, s0;
	s6 =	sadd.s32 s7, s6  }
0xb: {  	s1 =	ssub.s32 s1, s19;
	s16 =	sadd.s32 s21, s2;
	s7 =	sor.u32 $0x1C07, s22  }
0xc: {  	s21 =	simm.s32 $0x1;
	_ =	strace $0x8000004D;
	[dreg:$0x8] =	wrdreg s8  }
0xd: {  	s22 =	simm.s32 $0x2;
	s5 =	sshll.u32 s5, $0x5;
	[dreg:$0x4] =	wrdreg s26  }
0xe: {  	s6 =	sshrl.u32 s6, $0x3;
	s14 =	smax.u32 s1, $0x1;
	[dreg:$0x6] =	wrdreg s30  }
0xf: {  	s16 =	sshrl.u32 s16, $0x3;
	[dreg:$0x7] =	wrdreg s31;
	s5 =	sadd.s32 s5, s0  }
0x10: {  	s26 =	simm.s32 $0x5;
	s0 =	sadd.s32 s6, s0;
	s23 =	sadd.s32 $0x17200, s5  }
0x11: {  	s6 =	simm.s32 $0x84;
	s24 =	sadd.s32 $0x17220, s5;
	[dreg:$0x9] =	wrdreg s23  }
0x12: {  	s6 =	simm.s32 @!p0 $0x1C;
	s25 =	sadd.s32 $0x17240, s5;
	[dreg:$0xa] =	wrdreg s24  }
0x13: {  	s11 =	sadd.s32 $0x17260, s5;
	s15 =	sadd.s32 $0x17280, s5;
	[dreg:$0xb] =	wrdreg s25  }
0x14: {  	s12 =	sadd.s32 $0xFFFFFFFE, s6;
	s13 =	sadd.s32 $0xFFFFFFFD, s6;
	s23 =	simm.s32 $0x80  }
0x15: {  	s24 =	simm.s32 $0x400;
	s25 =	simm.s32 $0x4400;
	[dreg:$0x3] =	wrdreg s12  }
0x16: {  	s12 =	sshrl.u32 s6, $0x2;
	[dreg:$0x5] =	wrdreg s13;
	s13 =	sadd.s32 $0x53200, s0  }
.LBB2_1:
0x17: {  	s0 =	rddreg [dreg:$0x8]  }
0x18: {  	[spmem:s16], [sflag:s7] =	dma.local [hbm:s0], $0x2800  }
0x19: {  	_ =	swait.ge [sflag:s17], $0x2800  }
0x1a: {  	[sflag:s17] =	ssyncset.done $0x0  }
0x1b: {  	s10 =	rddreg [dreg:$0x9];
	[sflag:s17] =	ssyncadd.s32 $0xFFFFD800  }
0x1c: {  	[tilespmem:s3], [sflag:$0x1] =	stream.linear.gather [hbm4b:s10+s3], $0x100, $0x38;
	[tilespmem:$0x1C400] =	vst v63  }
0x1d: {  	s19 =	rddreg [dreg:$0xa]  }
0x1e: {  	[tilespmem:s18], [sflag:$0x2] =	stream.linear.gather [hbm4b:s19+s3], $0x100, $0x38;
	[tilespmem:$0x1C400] =	vst v63  }
0x1f: {  	s1 =	simm.s32 $0x200;
	s20 =	rddreg [dreg:$0xb]  }
0x20: {  	[tilespmem:s1], [sflag:$0x3] =	stream.linear.gather [hbm4b:s20+s3], $0x100, $0x38;
	[tilespmem:$0x1C400] =	vst v63  }
0x21: {  	s1 =	simm.s32 $0x300  }
0x22: {  	[tilespmem:s1], [sflag:$0x4] =	stream.linear.gather [hbm4b:s11+s3], $0x100, $0x38;
	[tilespmem:$0x1C400] =	vst v63  }
0x23: {  	_ =	swait.ge [sflag:s21], $0x100  }
0x24: {  	[sflag:s21] =	ssyncset.done $0x0  }
0x25: {  	[sflag:s21] =	ssyncadd.s32 $0xFFFFFF00  }
0x26: {  	_ =	swait.ge [sflag:s22], $0x100  }
0x27: {  	[sflag:s22] =	ssyncset.done $0x0  }
0x28: {  	[sflag:s22] =	ssyncadd.s32 $0xFFFFFF00  }
0x29: {  	[tilespmem:s24], [sflag:$0x5] =	stream.indirect.gather [hbm4b:s4+s23], $0x80, s3, s23, $0xb8;
	[tilespmem:$0x1C400] =	vst v63  }
0x2a: {  	_ = 	snop  }
0x2b: {  	[tilespmem:s25], [sflag:$0x6] =	stream.indirect.gather [hbm4b:s4+s23], $0x80, s18, s23, $0xb8;
	[tilespmem:$0x1C400] =	vst v63  }
0x2c: {  	[bflag:$0x0] =	sbarrier.arrive $0xFFFF  }
0x2d: {  	_ =	swait.ge [sflag:s26], $0x4000  }
0x2e: {  	[sflag:s26] =	ssyncset.done $0x0  }
0x2f: {  	[sflag:s26] =	ssyncadd.s32 $0xFFFFC000  }
0x30: {  	[spmem:s2] =	stream.indirect.scatter.add.f32 [tilespmem:s24], [sflag:$0x7], $0x80, s23, s23, $0xb8;
	[tilespmem:$0x1C400] =	vst v63  }
0x31: {  	_ =	swait.ge [sflag:s17], $0x4000  }
0x32: {  	s5 =	rddreg [dreg:$0x3]  }
0x33: {  	[sflag:s17] =	ssyncset.done $0x0;
	p1 =	sle.u32 s5, $0x0  }
0x34: {  	[sflag:s17] =	ssyncadd.s32 $0xFFFFC000;
	s0 =	simm.s32 @!p1 $0x3  }
0x35: {  	_ =	swait.ge @!p1 [sflag:s0], $0x100  }
0x36: {  	p0 =	sle.u32 s6, $0x4;
	s1 =	simm.s32 @!p1 $0x200;
	[sflag:s0] =	ssyncset.done @!p1 $0x0  }
0x37: {  	s5 =	simm.s32 @!p1 $0x400;
	[sflag:s0] =	ssyncadd.s32 @!p1 $0xFFFFFF00;
	s0 =	simm.s32 @!p1 $0x80  }
0x38: {  	[tilespmem:s5], [sflag:$0x5] =	stream.indirect.gather @!p1 [hbm4b:s4+s0], $0x80, s1, s0, $0xb8;
	[tilespmem:$0x1C400] =	vst v63  }
0x39: {  	s0 =	simm.s32 @!p0 $0x0  }
0x3a: {  	[tilespmem:s0], [sflag:$0x1] =	stream.linear.gather @!p0 [hbm4b:s15+s0], $0x100, $0x38;
	[tilespmem:$0x1C400] =	vst v63  }
0x3b: {  	_ =	swait.ge [sflag:s28], $0x4000  }
0x3c: {  	[sflag:s28] =	ssyncset.done $0x0  }
0x3d: {  	s8 =	rddreg [dreg:$0x4];
	[sflag:s28] =	ssyncadd.s32 $0xFFFFC000  }
0x3e: {  	[spmem:s2] =	stream.indirect.scatter.add.f32 [tilespmem:s25], [sflag:$0x7], $0x80, s8, s23, $0xb8;
	[tilespmem:$0x1C400] =	vst v63  }
0x3f: {  	_ =	swait.ge [sflag:s17], $0x4000  }
0x40: {  	s9 =	rddreg [dreg:$0x5]  }
0x41: {  	[sflag:s17] =	ssyncset.done $0x0;
	p2 =	sle.u32 s9, $0x0  }
0x42: {  	[sflag:s17] =	ssyncadd.s32 $0xFFFFC000;
	s1 =	simm.s32 @!p2 $0x4  }
0x43: {  	_ =	swait.ge @!p2 [sflag:s1], $0x100  }
0x44: {  	p1 =	sle.u32 s6, $0x5;
	s5 =	simm.s32 @!p2 $0x300;
	[sflag:s1] =	ssyncset.done @!p2 $0x0  }
0x45: {  	s19 =	simm.s32 @!p2 $0x4400;
	[sflag:s1] =	ssyncadd.s32 @!p2 $0xFFFFFF00;
	s1 =	simm.s32 @!p2 $0x80  }
0x46: {  	[tilespmem:s19], [sflag:$0x6] =	stream.indirect.gather @!p2 [hbm4b:s4+s1], $0x80, s5, s1, $0xb8;
	[tilespmem:$0x1C400] =	vst v63  }
0x47: {  	s1 =	sadd.s32 @!p1 $0x20, s15;
	s5 =	simm.s32 @!p1 $0x0;
	s19 =	simm.s32 @!p1 $0x100  }
0x48: {  	[tilespmem:s19], [sflag:$0x2] =	stream.linear.gather @!p1 [hbm4b:s1+s5], $0x100, $0x38;
	[tilespmem:$0x1C400] =	vst v63  }
0x49: {  	_ =	swait.ge [sflag:s26], $0x4000  }
0x4a: {  	[sflag:s26] =	ssyncset.done $0x0  }
0x4b: {  	s10 =	rddreg [dreg:$0x6];
	[sflag:s26] =	ssyncadd.s32 $0xFFFFC000  }
0x4c: {  	[spmem:s2] =	stream.indirect.scatter.add.f32 [tilespmem:s24], [sflag:$0x7], $0x80, s10, s23, $0xb8;
	[tilespmem:$0x1C400] =	vst v63  }
0x4d: {  	_ =	swait.ge [sflag:s17], $0x4000  }
0x4e: {  	[sflag:s17] =	ssyncset.done $0x0  }
0x4f: {  	s1 =	simm.s32 @!p0 $0x1;
	[sflag:s17] =	ssyncadd.s32 $0xFFFFC000  }
0x50: {  	_ =	swait.ge @!p0 [sflag:s1], $0x100  }
0x51: {  	p2 =	sle.u32 s6, $0x6;
	[sflag:s1] =	ssyncset.done @!p0 $0x0  }
0x52: {  	s5 =	simm.s32 @!p0 $0x400;
	[sflag:s1] =	ssyncadd.s32 @!p0 $0xFFFFFF00;
	s1 =	simm.s32 @!p0 $0x80  }
0x53: {  	[tilespmem:s5], [sflag:$0x5] =	stream.indirect.gather @!p0 [hbm4b:s4+s1], $0x80, s0, s1, $0xb8;
	[tilespmem:$0x1C400] =	vst v63  }
0x54: {  	s0 =	sadd.s32 @!p2 $0x40, s15;
	s1 =	simm.s32 @!p2 $0x0;
	s5 =	simm.s32 @!p2 $0x200  }
0x55: {  	[tilespmem:s5], [sflag:$0x3] =	stream.linear.gather @!p2 [hbm4b:s0+s1], $0x100, $0x38;
	[tilespmem:$0x1C400] =	vst v63  }
0x56: {  	_ =	swait.ge [sflag:s28], $0x4000  }
0x57: {  	[sflag:s28] =	ssyncset.done $0x0  }
0x58: {  	s20 =	rddreg [dreg:$0x7];
	[sflag:s28] =	ssyncadd.s32 $0xFFFFC000  }
0x59: {  	[spmem:s2] =	stream.indirect.scatter.add.f32 [tilespmem:s25], [sflag:$0x7], $0x80, s20, s23, $0xb8;
	[tilespmem:$0x1C400] =	vst v63  }
0x5a: {  	_ =	swait.ge [sflag:s17], $0x4000  }
0x5b: {  	[sflag:s17] =	ssyncset.done $0x0  }
0x5c: {  	s30 =	sadd.s32 $0xFFFFFFFF, s12;
	s0 =	simm.s32 @!p1 $0x2;
	[sflag:s17] =	ssyncadd.s32 $0xFFFFC000  }
0x5d: {  	p0 =	sne.s32 s30, $0x0;
	_ =	swait.ge @!p1 [sflag:s0], $0x100  }
.Ltmp0:
0x5e: {  	[sflag:s0] =	ssyncset.done @!p1 $0x0;
	(pc) =	sbr.rel @!p0 .LBB2_3-.Ltmp0, $4  }
0x5f: {  	s1 =	simm.s32 @!p1 $0x4400;
	[sflag:s0] =	ssyncadd.s32 @!p1 $0xFFFFFF00;
	s0 =	simm.s32 @!p1 $0x80  }
0x60: {  	[tilespmem:s1], [sflag:$0x6] =	stream.indirect.gather @!p1 [hbm4b:s4+s0], $0x80, s19, s0, $0xb8;
	[tilespmem:$0x1C400] =	vst v63  }
0x61: {  	s31 =	simm.s32 $0x4;
	s1 =	sadd.s32 $0x80, s15;
	p1 =	sle.u32 s6, $0x7  }
0x62: {  	s0 =	sadd.s32 @!p1 $0x60, s15;
	s5 =	simm.s32 @!p1 $0x0;
	s19 =	simm.s32 @!p1 $0x300  }
.LBB2_2:
0x63: {  	[tilespmem:s19], [sflag:$0x4] =	stream.linear.gather @!p1 [hbm4b:s0+s5], $0x100, $0x38;
	[tilespmem:$0x1C400] =	vst v63  }
0x64: {  	_ =	swait.ge [sflag:s26], $0x4000  }
0x65: {  	[sflag:s26] =	ssyncset.done $0x0  }
0x66: {  	[sflag:s26] =	ssyncadd.s32 $0xFFFFC000  }
0x67: {  	[spmem:s2] =	stream.indirect.scatter.add.f32 [tilespmem:s24], [sflag:$0x7], $0x80, s23, s23, $0xb8;
	[tilespmem:$0x1C400] =	vst v63  }
0x68: {  	_ =	swait.ge [sflag:s17], $0x4000  }
0x69: {  	s9 =	rddreg [dreg:$0x3]  }
0x6a: {  	[sflag:s17] =	ssyncset.done $0x0;
	p2 =	sge.u32 s31, s9  }
0x6b: {  	[sflag:s17] =	ssyncadd.s32 $0xFFFFC000;
	s5 =	simm.s32 @!p2 $0x3  }
0x6c: {  	s19 =	smov.u32 s31;
	s31 =	sadd.s32 $0x4, s31;
	_ =	swait.ge @!p2 [sflag:s5], $0x100  }
0x6d: {  	s20 =	simm.s32 @!p2 $0x200;
	s8 =	simm.s32 @!p2 $0x400;
	[sflag:s5] =	ssyncset.done @!p2 $0x0  }
0x6e: {  	p1 =	sge.u32 s31, s6;
	[sflag:s5] =	ssyncadd.s32 @!p2 $0xFFFFFF00;
	s5 =	simm.s32 @!p2 $0x80  }
0x6f: {  	[tilespmem:s8], [sflag:$0x5] =	stream.indirect.gather @!p2 [hbm4b:s4+s5], $0x80, s20, s5, $0xb8;
	[tilespmem:$0x1C400] =	vst v63  }
0x70: {  	s20 =	simm.s32 @!p1 $0x0  }
0x71: {  	[tilespmem:s20], [sflag:$0x1] =	stream.linear.gather @!p1 [hbm4b:s1+s20], $0x100, $0x38;
	[tilespmem:$0x1C400] =	vst v63  }
0x72: {  	_ =	swait.ge [sflag:s28], $0x4000  }
0x73: {  	[sflag:s28] =	ssyncset.done $0x0  }
0x74: {  	s10 =	rddreg [dreg:$0x4];
	[sflag:s28] =	ssyncadd.s32 $0xFFFFC000  }
0x75: {  	[spmem:s2] =	stream.indirect.scatter.add.f32 [tilespmem:s25], [sflag:$0x7], $0x80, s10, s23, $0xb8;
	[tilespmem:$0x1C400] =	vst v63  }
0x76: {  	_ =	swait.ge [sflag:s17], $0x4000  }
0x77: {  	s8 =	rddreg [dreg:$0x5]  }
0x78: {  	[sflag:s17] =	ssyncset.done $0x0;
	p3 =	sge.u32 s19, s8  }
0x79: {  	[sflag:s17] =	ssyncadd.s32 $0xFFFFC000;
	s5 =	simm.s32 @!p3 $0x4  }
0x7a: {  	s10 =	sadd.s32 $0x5, s19;
	_ =	swait.ge @!p3 [sflag:s5], $0x100  }
0x7b: {  	p2 =	sge.u32 s10, s6;
	s8 =	simm.s32 @!p3 $0x300;
	[sflag:s5] =	ssyncset.done @!p3 $0x0  }
0x7c: {  	s9 =	simm.s32 @!p3 $0x4400;
	[sflag:s5] =	ssyncadd.s32 @!p3 $0xFFFFFF00;
	s5 =	simm.s32 @!p3 $0x80  }
0x7d: {  	[tilespmem:s9], [sflag:$0x6] =	stream.indirect.gather @!p3 [hbm4b:s4+s5], $0x80, s8, s5, $0xb8;
	[tilespmem:$0x1C400] =	vst v63  }
0x7e: {  	s8 =	sadd.s32 @!p2 $0x20, s1;
	s9 =	simm.s32 @!p2 $0x0;
	s5 =	simm.s32 @!p2 $0x100  }
0x7f: {  	[tilespmem:s5], [sflag:$0x2] =	stream.linear.gather @!p2 [hbm4b:s8+s9], $0x100, $0x38;
	[tilespmem:$0x1C400] =	vst v63  }
0x80: {  	_ =	swait.ge [sflag:s26], $0x4000  }
0x81: {  	[sflag:s26] =	ssyncset.done $0x0  }
0x82: {  	s9 =	rddreg [dreg:$0x6];
	[sflag:s26] =	ssyncadd.s32 $0xFFFFC000  }
0x83: {  	[spmem:s2] =	stream.indirect.scatter.add.f32 [tilespmem:s24], [sflag:$0x7], $0x80, s9, s23, $0xb8;
	[tilespmem:$0x1C400] =	vst v63  }
0x84: {  	_ =	swait.ge [sflag:s17], $0x4000  }
0x85: {  	[sflag:s17] =	ssyncset.done $0x0  }
0x86: {  	s8 =	simm.s32 @!p1 $0x1;
	[sflag:s17] =	ssyncadd.s32 $0xFFFFC000  }
0x87: {  	s10 =	sadd.s32 $0x6, s19;
	_ =	swait.ge @!p1 [sflag:s8], $0x100  }
0x88: {  	p3 =	sge.u32 s10, s6;
	[sflag:s8] =	ssyncset.done @!p1 $0x0  }
0x89: {  	s9 =	simm.s32 @!p1 $0x400;
	[sflag:s8] =	ssyncadd.s32 @!p1 $0xFFFFFF00;
	s8 =	simm.s32 @!p1 $0x80  }
0x8a: {  	[tilespmem:s9], [sflag:$0x5] =	stream.indirect.gather @!p1 [hbm4b:s4+s8], $0x80, s20, s8, $0xb8;
	[tilespmem:$0x1C400] =	vst v63  }
0x8b: {  	s10 =	simm.s32 @!p3 $0x200;
	s8 =	sadd.s32 @!p3 $0x40, s1;
	s9 =	simm.s32 @!p3 $0x0  }
0x8c: {  	[tilespmem:s10], [sflag:$0x3] =	stream.linear.gather @!p3 [hbm4b:s8+s9], $0x100, $0x38;
	[tilespmem:$0x1C400] =	vst v63  }
0x8d: {  	_ =	swait.ge [sflag:s28], $0x4000  }
0x8e: {  	[sflag:s28] =	ssyncset.done $0x0  }
0x8f: {  	s10 =	rddreg [dreg:$0x7];
	[sflag:s28] =	ssyncadd.s32 $0xFFFFC000  }
0x90: {  	[spmem:s2] =	stream.indirect.scatter.add.f32 [tilespmem:s25], [sflag:$0x7], $0x80, s10, s23, $0xb8;
	[tilespmem:$0x1C400] =	vst v63  }
0x91: {  	_ =	swait.ge [sflag:s17], $0x4000  }
0x92: {  	s30 =	sadd.s32 $0xFFFFFFFF, s30;
	s0 =	smov.u32 s1;
	[sflag:s17] =	ssyncset.done $0x0  }
0x93: {  	p0 =	sne.s32 s30, $0x0;
	s8 =	simm.s32 @!p2 $0x2;
	[sflag:s17] =	ssyncadd.s32 $0xFFFFC000  }
.Ltmp1:
0x94: {  	s20 =	sadd.s32 $0x7, s19;
	_ =	swait.ge @!p2 [sflag:s8], $0x100;
	(pc) =	sbr.rel @p0 .LBB2_2-.Ltmp1, $4  }
0x95: {  	s1 =	sadd.s32 $0x80, s1;
	p1 =	sge.u32 s20, s6;
	[sflag:s8] =	ssyncset.done @!p2 $0x0  }
0x96: {  	s9 =	simm.s32 @!p2 $0x4400;
	[sflag:s8] =	ssyncadd.s32 @!p2 $0xFFFFFF00;
	s8 =	simm.s32 @!p2 $0x80  }
0x97: {  	[tilespmem:s9], [sflag:$0x6] =	stream.indirect.gather @!p2 [hbm4b:s4+s8], $0x80, s5, s8, $0xb8;
	[tilespmem:$0x1C400] =	vst v63  }
0x98: {  	s0 =	sadd.s32 @!p1 $0x60, s0;
	s19 =	simm.s32 @!p1 $0x300;
	s5 =	simm.s32 @!p1 $0x0  }
.LBB2_3:
0x99: {  	[tilespmem:s19], [sflag:$0x4] =	stream.linear.gather @!p1 [hbm4b:s0+s5], $0x100, $0x38;
	[tilespmem:$0x1C400] =	vst v63  }
0x9a: {  	s29 =	sadd.s32 $0x1, s29  }
0x9b: {  	p0 =	sne.s32 s29, s14  }
.Ltmp2:
0x9c: {  	[bflag:$0x0] =	sbarrier.arrive $0xFFFF;
	(pc) =	sbr.rel @p0 .LBB2_1-.Ltmp2, $4  }
0x9d: {  	[hbm:s13], [sflag:s7] =	dma.local [spmem:s16], $0x2800  }
0x9e: {  	_ =	swait.ge [sflag:s17], $0x2800  }
0x9f: {  	[sflag:s17] =	ssyncset.done $0x0  }
0xa0: {  	[sflag:s17] =	ssyncadd.s32 $0xFFFFD800  }
0xa1: {  	_ =	sfence.sel $0x180000  }
0xa2: {  	[bflag:$0x0] =	sbarrier.arrive $0xFFFF  }
0xa3: {  	_ =	strace $0x9000004D  }
0xa4: {  	s0 =	stileid.u32;
	[bflag:$0x2] =	sbarrier.arrive $0xFFFF  }
0xa5: {  	p0 =	sne.s32 s0, $0x0;
	s0 =	rddreg [dreg:$0x2]  }
0xa6: {  	s0 =	sadd.s32 @!p0 $0x100000, s0  }
0xa7: {  	[sflag:s0] =	ssyncadd.tile.s32 @!p0 $0x1;
	_ =	shalt  }
.Lfunc_end2:
_tile_overlayer_lowered:
.L_overlay_start_2:
0xa8: {  	(tag) =	ssettag $0x2  }
0xa9: {  	s0 =	rddreg [dreg:$0x0];
	s2 =	stileid.u32  }
0xaa: {  	s1 =	rddreg [dreg:$0x1];
	p0 =	sne.s32 s2, $0x0  }
0xab: {  	s3 =	rddreg [dreg:$0x2];
	[bflag:$0x3] =	sbarrier.arrive $0xFFFF;
	s2 =	simm.s32 @!p0 $0x1C07  }
0xac: {  	[timem:s3], [sflag:s2] =	dma.local @!p0 [hbm:s0], s1  }
0xad: {  	s0 =	simm.s32 @!p0 $0x7  }
0xae: {  	_ =	swait.ge @!p0 [sflag:s0], s1  }
0xaf: {  	s1 =	ssub.s32 @!p0 $0x0, s1;
	[sflag:s0] =	ssyncset.done @!p0 $0x0  }
0xb0: {  	[sflag:s0] =	ssyncadd.s32 @!p0 s1  }
0xb1: {  	[bflag:$0x3] =	sbarrier.arrive $0xFFFF  }
0xb2: {  	_ =	shalt  }

// kernel: kernel.9.cloned.1.call-start
scs
__scs_entry_jumppad:
0x0: {  	(pc) =	sbr.rel $0x88, $3  }
0x1: {  	(tag) =	ssettag $0x0;
	lr =	simm.s32 $0x1  }
0x2: {  	[smem:$0x3F97] =	sst lr;
	_ =	strace $0xD0000000  }
0x3: {  	_ = 	snop  }
0x4: {  	_ = 	snop  }
0x5: {  	_ = 	snop  }
0x6: {  	_ = 	snop  }
0x7: {  	_ = 	snop  }
__scs_overlays_trampoline_lowered:
0x8: {  	[smem:$0x3FA6] =	sst s0  }
0x9: {  	[smem:$0x3FA7] =	sst s1  }
0xa: {  	[smem:$0x3FA8] =	sst s2  }
0xb: {  	[smem:$0x3FA9] =	sst s3  }
0xc: {  	[smem:$0x3FAA] =	sst s4  }
0xd: {  	[smem:$0x3FAB] =	sst s5  }
0xe: {  	[smem:$0x3FAC] =	sst s6  }
0xf: {  	[smem:$0x3FAD] =	sst s7  }
0x10: {  	[smem:$0x3FAE] =	sst s8  }
0x11: {  	[smem:$0x3FAF] =	sst s9;
	s0 =	simm.s32 @!p0 $0x0  }
0x12: {  	s1 =	sld [smem:$0x3F95];
	s0 =	simm.s32 @p0 $0x1  }
0x13: {  	[smem:$0x3FB0] =	sst s0;
	s0 =	simm.s32 @!p1 $0x0  }
0x14: {  	s2 =	sld [smem:$0x3F94];
	s0 =	simm.s32 @p1 $0x1  }
0x15: {  	[smem:$0x3FB1] =	sst s0;
	s0 =	simm.s32 @!p2 $0x0  }
0x16: {  	s3 =	sld [smem:$0x3FDB];
	s0 =	simm.s32 @p2 $0x1  }
0x17: {  	s4 =	simm.s32 $0x1BF5;
	[smem:$0x3FB3] =	sst s0  }
0x18: {  	s0 =	sld [smem:$0x3F96];
	_ =	swait.ge [sflag:s4], $0x0  }
0x19: {  	s7 =	sld [smem:$0x3F97]  }
0x1a: {  	s8 =	sadd.s32 $0xFFFFE003, lr  }
0x1b: {  	s9 =	sadd.s32 $0xFFFFFEF7, lr;
	s5 =	simm.s32 $0xFFFFFFFF;
	p2 =	slt.u32 s8, $0xFFFFF086  }
0x1c: {  	p1 =	slt.u32 s9, $0xF7A;
	s5 =	simm.s32 @!p2 $0x0  }
0x1d: {  	s5 =	simm.s32 @p1 $0x1;
	p0 =	seq.s32 s7, s2  }
0x1e: {  	s7 =	smul.u32 @!p0 $0xF7A, s2;
	p2 =	seq.s32 @!p0 s5, $0x0  }
0x1f: {  	s9 =	smul.u32 $0xF7A, s1;
	s8 =	simm.s32 @!p0 $0x1BF5;
	p2 =	por !p2, p0  }
0x20: {  	[sflag:s8] =	ssyncset.s32 @!p0 $0xFFFFF086;
	s6 =	sadd.s32 @!p0 s3, s7;
	s7 =	simm.s32 @!p0 $0x108  }
0x21: {  	s3 =	sadd.s32 s3, s9;
	s6 =	sadd.s32 @!p0 $0x88, s6;
	s7 =	simm.s32 @p2 $0x1082  }
0x22: {  	[simem:s7], [sflag:s8] =	dma.local @!p0 [hbm:s6], $0xF7A  }
0x23: {  	s9 =	sor.u32 $0xD0000000, s2;
	s6 =	simm.s32 $0x108;
	_ =	swait.ge @!p0 [sflag:s8], $0x0  }
0x24: {  	s3 =	sadd.s32 $0x88, s3;
	s6 =	simm.s32 @!p1 $0x1082;
	[sflag:s4] =	ssyncset.s32 $0xFFFFF086  }
0x25: {  	[simem:s6], [sflag:s4] =	dma.local [hbm:s3], $0xF7A  }
0x26: {  	[smem:$0x3F97] =	sst s1;
	(tag) =	ssettag s2;
	_ =	strace s9  }
0x27: {  	s1 =	sld [smem:$0x3FA7]  }
0x28: {  	s2 =	sld [smem:$0x3FA8]  }
0x29: {  	s4 =	sld [smem:$0x3FAA]  }
0x2a: {  	p0 =	seq.s32 s5, $0x0;
	s5 =	sld [smem:$0x3FAB]  }
0x2b: {  	s6 =	sld [smem:$0x3FAC]  }
0x2c: {  	s7 =	sld [smem:$0x3FAD]  }
0x2d: {  	s3 =	simm.s32 $0x108;
	s8 =	sld [smem:$0x3FAE]  }
0x2e: {  	s3 =	simm.s32 @!p0 $0x1082;
	s9 =	sld [smem:$0x3FAF]  }
0x2f: {  	lr =	sadd.s32 s0, s3;
	s0 =	sld [smem:$0x3FA6]  }
0x30: {  	s3 =	sld [smem:$0x3FA9]  }
0x31: {  	[smem:$0x3FB2] =	sst s10  }
0x32: {  	s10 =	sld [smem:$0x3FB0];
	_ =	sdelay $0x3  }
0x33: {  	p0 =	seq.s32 s10, $0x1;
	s10 =	sld [smem:$0x3FB2];
	_ =	sdelay $0x3  }
0x34: {  	[smem:$0x3FB2] =	sst s10  }
0x35: {  	s10 =	sld [smem:$0x3FB1];
	_ =	sdelay $0x3  }
0x36: {  	p1 =	seq.s32 s10, $0x1;
	s10 =	sld [smem:$0x3FB2];
	_ =	sdelay $0x3  }
0x37: {  	[smem:$0x3FB2] =	sst s10  }
0x38: {  	s10 =	sld [smem:$0x3FB3]  }
0x39: {  	_ = 	snop;
	(pc) =	sbr.ind lr, $3  }
0x3a: {  	_ = 	snop  }
0x3b: {  	_ = 	snop  }
0x3c: {  	p2 =	seq.s32 s10, $0x1;
	s10 =	sld [smem:$0x3FB2]  }
0x3d: {  	_ =	shalt  }
0x3e: {  	_ =	shalt  }
0x3f: {  	_ =	shalt  }
0x40: {  	_ =	shalt  }
0x41: {  	_ =	shalt  }
0x42: {  	_ =	shalt  }
0x43: {  	_ =	shalt  }
0x44: {  	_ =	shalt  }
0x45: {  	_ =	shalt  }
0x46: {  	_ =	shalt  }
0x47: {  	_ =	shalt  }
0x48: {  	_ =	shalt  }
0x49: {  	_ =	shalt  }
0x4a: {  	_ =	shalt  }
0x4b: {  	_ =	shalt  }
0x4c: {  	_ =	shalt  }
0x4d: {  	_ =	shalt  }
0x4e: {  	_ =	shalt  }
0x4f: {  	_ =	shalt  }
0x50: {  	_ =	shalt  }
0x51: {  	_ =	shalt  }
0x52: {  	_ =	shalt  }
0x53: {  	_ =	shalt  }
0x54: {  	_ =	shalt  }
0x55: {  	_ =	shalt  }
0x56: {  	_ =	shalt  }
0x57: {  	_ =	shalt  }
0x58: {  	_ =	shalt  }
0x59: {  	_ =	shalt  }
0x5a: {  	_ =	shalt  }
0x5b: {  	_ =	shalt  }
0x5c: {  	_ =	shalt  }
0x5d: {  	_ =	shalt  }
0x5e: {  	_ =	shalt  }
0x5f: {  	_ =	shalt  }
0x60: {  	_ =	shalt  }
0x61: {  	_ =	shalt  }
0x62: {  	_ =	shalt  }
0x63: {  	_ =	shalt  }
0x64: {  	_ =	shalt  }
0x65: {  	_ =	shalt  }
0x66: {  	_ =	shalt  }
0x67: {  	_ =	shalt  }
0x68: {  	_ =	shalt  }
0x69: {  	_ =	shalt  }
0x6a: {  	_ =	shalt  }
0x6b: {  	_ =	shalt  }
0x6c: {  	_ =	shalt  }
0x6d: {  	_ =	shalt  }
0x6e: {  	_ =	shalt  }
0x6f: {  	_ =	shalt  }
0x70: {  	_ =	shalt  }
0x71: {  	_ =	shalt  }
0x72: {  	_ =	shalt  }
0x73: {  	_ =	shalt  }
0x74: {  	_ =	shalt  }
0x75: {  	_ =	shalt  }
0x76: {  	_ =	shalt  }
0x77: {  	_ =	shalt  }
0x78: {  	_ =	shalt  }
0x79: {  	_ =	shalt  }
0x7a: {  	_ =	shalt  }
0x7b: {  	_ =	shalt  }
0x7c: {  	_ =	shalt  }
0x7d: {  	_ =	shalt  }
0x7e: {  	_ =	shalt  }
0x7f: {  	_ =	shalt  }
0x80: {  	_ =	shalt  }
0x81: {  	_ =	shalt  }
0x82: {  	_ =	shalt  }
0x83: {  	_ =	shalt  }
0x84: {  	_ =	shalt  }
0x85: {  	_ =	shalt  }
0x86: {  	_ =	shalt  }
0x87: {  	_ =	shalt  }
.Lfunc_end0:
.L_simem_size_0:
called_computation_lowered:
.L_overlay_start_0:
0x88: {  	s2 =	sld [smem:$0x3FD9]  }
0x89: {  	s3 =	sld [smem:$0x3FFE];
	_ =	sdelay $0x1  }
0x8a: {  	s1 =	srdreg.scid  }
0x8b: {  	s0 =	sand.u32 $0x1, s1  }
0x8c: {  	s16 =	sshll.u32 s0, $0xA;
	s2 =	sadd.s32 s3, s2  }
0x8d: {  	s2 =	sadd.s32 s2, s16  }
0x8e: {  	[smem:$0x3FBE] =	sst s2  }
0x8f: {  	_ = 	snop  }
0x90: {  	(tm) =	ssettm $0x1  }
0x91: {  	s17 =	sld [smem:$0x3FFB];
	_ =	sdelay $0x3  }
0x92: {  	_ =	strace s17  }
0x93: {  	s2 =	sld [smem:$0x3FFC];
	_ =	sdelay $0x3  }
0x94: {  	_ =	strace s2  }
0x95: {  	s2 =	sld [smem:$0x3FFD];
	_ =	sdelay $0x3  }
0x96: {  	_ =	strace s2  }
0x97: {  	_ =	strace $0x8FFFFFFF  }
0x98: {  	s18 =	sld [smem:$0x3FDB];
	_ =	sdelay $0x1  }
0x99: {  	s19 =	simm.s32 $_scs_section_size  }
0x9a: {  	s4 =	simm.s32 $_size__tile_overlayer_lowered;
	s5 =	simm.s32 $_tile_overlayer_lowered  }
0x9b: {  	s22 =	simm.s32 $0x1BFF;
	s21 =	sshll.u32 s5, $0x1;
	s2 =	sadd.s32 s19, s18  }
0x9c: {  	s6 =	simm.s32 $0x0;
	s20 =	sshll.u32 s4, $0x1;
	s4 =	sadd.s32 s21, s2  }
0x9d: {  	[timem:s6], [sflag:s22] =	dma.local [hbm:s4], s20  }
0x9e: {  	_ =	swait.ge [sflag:s22], s20  }
0x9f: {  	s3 =	ssub.s32 $0x0, s20;
	[sflag:s22] =	ssyncset.done $0x0  }
0xa0: {  	[sflag:s22] =	ssyncadd.s32 s3;
	_ =	sdelay $0x1  }
0xa1: {  	s23 =	simm.s32 $0x1B8B  }
0xa2: {  	_ =	swait.ge [sflag:s23], $0x1  }
0xa3: {  	[sflag:s23] =	ssyncset.done $0x0  }
0xa4: {  	s25 =	simm.s32 $0x1B8E;
	s24 =	sld [smem:$0x3FFE];
	[sflag:s23] =	ssyncadd.s32 $0xFFFFFFFF  }
0xa5: {  	s26 =	simm.s32 $execute0_lowered;
	[smem:$0x3FD2] =	sst s25  }
0xa6: {  	s4 =	sshll.u32 s26, $0x1;
	_ =	strace $0x80000046;
	[dreg:$0x1] =	wrdreg $0xFFFFFFFF  }
0xa7: {  	s28 =	simm.s32 $_size_execute0_lowered;
	s2 =	sadd.s32 s2, s4;
	[dreg:$0x0] =	wrdreg $0x0  }
0xa8: {  	s4 =	sshll.u32 s28, $0x1;
	[dreg:$0x2] =	wrdreg s2  }
0xa9: {  	[dreg:$0x3] =	wrdreg s4  }
0xaa: {  	[dreg:$0x4] =	wrdreg $0xC0  }
0xab: {  	_ =	task [dreg:s6], $0x5FFFF  }
0xac: {  	[dreg:$0x1] =	wrdreg $0xFFFFFFFF  }
0xad: {  	[dreg:$0x0] =	wrdreg $0x60  }
0xae: {  	[dreg:$0x2] =	wrdreg s24  }
0xaf: {  	[dreg:$0x3] =	wrdreg $0x9  }
0xb0: {  	_ =	task.clear_ibuf [dreg:s6], $0x4FFFF;
	_ =	strace $0x90000046  }
0xb1: {  	s29 =	simm.s32 $0x9;
	_ =	strace $0x80000048  }
0xb2: {  	_ =	swait.ge [sflag:s29], $0x1  }
0xb3: {  	[sflag:s29] =	ssyncadd.s32 $0xFFFFFFFF  }
0xb4: {  	_ =	strace $0x90000048  }
0xb5: {  	_ =	sfence  }
0xb6: {  	s30 =	sld [smem:$0x0];
	_ =	sdelay $0x2  }
0xb7: {  	s31 =	sshll.u32 s1, $0xD;
	s1 =	sshrl.u32 s1, $0x2  }
0xb8: {  	s3 =	sand.u32 $0x4000, s31;
	s1 =	sadd.s32 s1, s30  }
0xb9: {  	s0 =	sor.u32 s3, s0;
	s1 =	sshll.u32 s1, $0x11  }
0xba: {  	s0 =	sor.u32 s1, s0  }
0xbb: {  	s0 =	sadd.s32 $0x8F2B, s0  }
0xbc: {  	[sflag:s0] =	ssyncadd.remote.s32 $0x1  }
0xbd: {  	_ =	sfence.sel $0xFFFF  }
0xbe: {  	[dreg:$0x0] =	wrdreg $0xFFFFFFFF;
	(pc) =	sbr.abs _section_cstart, $3  }
0xbf: {  	[dreg:$0x1] =	wrdreg $0xFFFFFFFF  }
0xc0: {  	_ =	task.clear_ibuf [dreg:s6], $0x2FFFF;
	_ =	strace $0x9FFFFFFF  }
0xc1: {  	(tm) =	ssettm $0x7FFFFFFF  }
tec
execute0_lowered:
.L_overlay_start_1:
0x0: {  	(tag) =	ssettag $0x1  }
0x1: {  	s0 =	srdreg.scid  }
0x2: {  	s5 =	rddreg [dreg:$0x0];
	s3 =	sand.u32 $0x1, s0  }
0x3: {  	s2 =	simm.s32 $0x0;
	s0 =	stileid.u32;
	s1 =	sshll.u32 s3, $0x4  }
0x4: {  	s8 =	simm.s32 $0x80;
	s9 =	simm.s32 $0x400;
	s4 =	sor.u32 s0, s1  }
0x5: {  	s10 =	simm.s32 $0x0;
	[smem:$0x7FF] =	sst s2;
	s1 =	sshrl.u32 s4, $0x3  }
0x6: {  	s7 =	sshll.u32 s0, $0x7;
	s3 =	ssub.s32 $0x2, s3;
	s6 =	smul.u32 $0x14000, s1  }
0x7: {  	s7 =	sand.u32 $0x380, s7;
	s31 =	sshrl.u32 s3, $0x1;
	s4 =	smul.u32 $0x500, s4  }
0x8: {  	s1 =	rddreg [dreg:$0x1];
	_ =	strace $0x80000047;
	s6 =	sor.u32 s7, s6  }
0x9: {  	s4 =	sadd.s32 s4, s5;
	s7 =	simm.s32 $0x2800;
	s6 =	sshrl.u32 s6, $0x3  }
0xa: {  	s5 =	sadd.s32 s6, s5;
	s6 =	ssub.s32 s3, s31;
	s3 =	sadd.s32 $0x3200, s4  }
0xb: {  	v0 =	vimm.f32 $0.0e+00;
	v1 =	vimm.f32 $1.000000000e+00;
	s4 =	sadd.s32 $0xD200, s5;
	s5 =	smax.u32 s6, $0x1;
	s6 =	simm.s32 $0x1  }
.LBB2_1:
0xc: {  	[tilespmem:s2], [sflag:$0x1] =	stream.linear.gather [hbm4b:s3+s2], $0x2800, $0x38;
	[tilespmem:$0x5000] =	vst v63  }
0xd: {  	_ =	swait.ge [sflag:s6], $0x2800  }
0xe: {  	[sflag:s6] =	ssyncset.done $0x0  }
0xf: {  	s11 =	simm.s32 $0x0;
	[sflag:s6] =	ssyncadd.s32 $0xFFFFD800  }
.LBB2_2:
0x10: {  	p0 =	sne.s32 s11, $0x9FC0  }
.Ltmp0:
0x11: {  	_ = 	snop;
	(pc) =	sbr.rel @p0 .LBB2_2-.Ltmp0, $3  }
0x12: {  	_ =	sdelay $0x1  }
0x13: {  	s12 =	sshra.s32 s11, $0x2  }
0x14: {  	s11 =	sadd.s32 $0x40, s11;
	[tilespmem:s12+$0x2800] =	vst v0  }
0x15: {  	s12 =	simm.s32 $0x0;
	s11 =	simm.s32 $0x40  }
.LBB2_4:
0x16: {  	p0 =	sne.s32 s11, $0x9FC0;
	v2 =	vld [tilespmem:s12+$0x0];
	_ =	sdelay $0x3  }
.Ltmp1:
0x17: {  	(pc) =	sbr.rel @p0 .LBB2_4-.Ltmp1, $2  }
0x18: {  	_ =	sdelay $0x2  }
0x19: {  	s12 =	sshra.s32 s11, $0x2;
	s11 =	sadd.s32 $0x40, s11;
	[tilespmem:v2+s7+$0x0] =	vst.idx.add.f32.msk $0xffff, v1  }
0x1a: {  	v2 =	vld [tilespmem:s12+$0x0];
	_ =	sdelay $0x5  }
0x1b: {  	s10 =	sadd.s32 $0x1, s10  }
0x1c: {  	p0 =	sne.s32 s10, s5  }
.Ltmp2:
0x1d: {  	[tilespmem:v2+s7+$0x0] =	vst.idx.add.f32.msk $0xffff, v1;
	(pc) =	sbr.rel @p0 .LBB2_1-.Ltmp2, $4  }
0x1e: {  	[hbm4b:s4+s8] =	stream.strided.scatter [tilespmem:s7], [sflag:$0x1], $0x2800, s9, s8, $0x38;
	[tilespmem:$0x5000] =	vst v63  }
0x1f: {  	_ =	swait.ge [sflag:s6], $0x2800  }
0x20: {  	[sflag:s6] =	ssyncset.done $0x0  }
0x21: {  	[sflag:s6] =	ssyncadd.s32 $0xFFFFD800  }
0x22: {  	_ =	sfence.sel $0x180000  }
0x23: {  	[bflag:$0x0] =	sbarrier.arrive $0xFFFF  }
0x24: {  	p0 =	sne.s32 s0, $0x0;
	_ =	strace $0x90000047  }
0x25: {  	s0 =	sadd.s32 @!p0 $0x100000, s1;
	[bflag:$0x2] =	sbarrier.arrive $0xFFFF  }
0x26: {  	[sflag:s0] =	ssyncadd.tile.s32 @!p0 $0x1;
	_ =	shalt  }
.Lfunc_end2:
_tile_overlayer_lowered:
.L_overlay_start_2:
0x27: {  	(tag) =	ssettag $0x2  }
0x28: {  	s0 =	rddreg [dreg:$0x0];
	s2 =	stileid.u32  }
0x29: {  	s1 =	rddreg [dreg:$0x1];
	p0 =	sne.s32 s2, $0x0  }
0x2a: {  	s3 =	rddreg [dreg:$0x2];
	[bflag:$0x3] =	sbarrier.arrive $0xFFFF;
	s2 =	simm.s32 @!p0 $0x1C01  }
0x2b: {  	[timem:s3], [sflag:s2] =	dma.local @!p0 [hbm:s0], s1  }
0x2c: {  	s0 =	simm.s32 @!p0 $0x1  }
0x2d: {  	_ =	swait.ge @!p0 [sflag:s0], s1  }
0x2e: {  	s1 =	ssub.s32 @!p0 $0x0, s1;
	[sflag:s0] =	ssyncset.done @!p0 $0x0  }
0x2f: {  	[sflag:s0] =	ssyncadd.s32 @!p0 s1  }
0x30: {  	[bflag:$0x3] =	sbarrier.arrive $0xFFFF  }
0x31: {  	_ =	shalt  }

</sc_bundles>
